<compile_context>
chip_gen: v7x
topology: tpu7x:2x2x1
jax: 0.10.2.dev20260603
libtpu: 0.0.44.dev20260713+nightly
codegen_flags: <defaults>
</compile_context>

<pallas_src>
import functools

import jax
import jax.numpy as jnp
import numpy as np
from jax import lax
from jax.experimental import pallas as pl
from jax.experimental.pallas import tpu as pltpu
from jax.experimental.pallas import tpu_sc as plsc

N = 16384
C = 256
N_BINS = 15
NB = 16
HC = C * NB
OFF_CNT = 0
OFF_CNF = HC
OFF_ACC = 2 * HC
OFF_YT = 3 * HC
HTOT = 3 * HC + 512

NTILES = 16
SPT = N // NTILES
L = 16

_LOWERS = np.linspace(0.0, 1.0, N_BINS + 1)[:-1].astype(np.float32)


_BLK = 4096


def _tc_body(yp_ref, conf_ref, pred_ref):
    x = yp_ref[...]
    m = jnp.max(x, axis=1, keepdims=True)
    e = jnp.exp(x - m)
    ones = jnp.ones((C, 128), jnp.float32)
    s = lax.dot_general(e, ones, (((1,), (0,)), ((), ())),
                        preferred_element_type=jnp.float32)[:, :1]
    conf = 1.0 / s
    iota = lax.broadcasted_iota(jnp.int32, x.shape, 1)
    pred = jnp.min(jnp.where(x == m, iota, jnp.int32(2**30)),
                   axis=1, keepdims=True).astype(jnp.float32)
    cp = jnp.concatenate([conf, pred], axis=1)
    r0 = lax.broadcasted_iota(jnp.int32, (128, 128), 0)
    r1 = lax.broadcasted_iota(jnp.int32, (128, 128), 1)
    eye = (r0 == r1).astype(jnp.float32)
    for k in range(_BLK // 128):
        chunk = cp[k * 128:(k + 1) * 128, :]
        outc = lax.dot_general(chunk, eye, (((0,), (0,)), ((), ())),
                               preferred_element_type=jnp.float32)
        conf_ref[0, 0, pl.ds(k * 128, 128)] = outc[0]
        pred_ref[0, 0, pl.ds(k * 128, 128)] = outc[1]


def _tc_stage(y_pred):
    g = N // _BLK
    conf, pred = pl.pallas_call(
        _tc_body,
        grid=(g,),
        in_specs=[
            pl.BlockSpec((_BLK, C), lambda i: (i, 0)),
        ],
        out_specs=[
            pl.BlockSpec((1, 1, _BLK), lambda i: (i, 0, 0)),
            pl.BlockSpec((1, 1, _BLK), lambda i: (i, 0, 0)),
        ],
        out_shape=[
            jax.ShapeDtypeStruct((g, 1, _BLK), jnp.float32),
            jax.ShapeDtypeStruct((g, 1, _BLK), jnp.float32),
        ],
        compiler_params=pltpu.CompilerParams(skip_device_barrier=True),
    )(y_pred)
    return conf.reshape(N), pred.reshape(N)


def _sc_body(cnf_hbm, prd_hbm, yt_hbm, out_hbm,
             cnf_v, prd_v, yt_v, hist_v,
             blkc, blkf, blka, blkyt, redc, redf, reda, redyt,
             cnt16, cnf16, acc16, yt16, stage16, stage16b,
             sh_all, sh_cnt, sh_cnf, sh_acc, sh_yt, sh_p, sh_c, sem):
    cid = lax.axis_index("c")
    wid = lax.axis_index("s")

    def batch(*copies):
        handles = [pltpu.async_copy(s, d, sem) for s, d in copies]
        for h in handles:
            h.wait()

    @pl.when(cid == 0)
    def _():
        ones = jnp.full((L,), 1.0, jnp.float32)

        base = wid * SPT
        h1 = pltpu.async_copy(cnf_hbm.at[pl.ds(base, SPT)], cnf_v, sem)
        h2 = pltpu.async_copy(prd_hbm.at[pl.ds(base, SPT)], prd_v, sem)
        h3 = pltpu.async_copy(yt_hbm.at[pl.ds(base, SPT)], yt_v, sem)
        zero = jnp.zeros((L,), jnp.float32)

        def zero_body(i, _):
            for u in range(4):
                hist_v[pl.ds(i * (4 * L) + u * L, L)] = zero
            return 0

        lax.fori_loop(0, HTOT // L // 4, zero_body, 0)
        h1.wait()
        h2.wait()
        h3.wait()
        def scatter_body(i, _):
            for u in range(4):
                sl = pl.ds(i * (4 * L) + u * L, L)
                c16 = cnf_v[sl]
                p16 = prd_v[sl].astype(jnp.int32)
                t16 = yt_v[sl]
                a16 = (p16 == t16).astype(jnp.float32)
                t = c16 * jnp.float32(N_BINS)
                f = t.astype(jnp.int32)
                b16 = f - (t == f.astype(jnp.float32)).astype(jnp.int32)
                k16 = b16 * C + p16
                plsc.addupdate_scatter(hist_v, [k16], ones)
                plsc.addupdate_scatter(hist_v, [k16 + OFF_CNF], c16)
                plsc.addupdate_scatter(hist_v, [k16 + OFF_ACC], a16)
                plsc.addupdate_scatter(hist_v, [t16 + OFF_YT], ones)
            return 0

        lax.fori_loop(0, SPT // L // 4, scatter_body, 0)

        pltpu.sync_copy(hist_v, sh_all.at[wid])
        plsc.subcore_barrier()

        batch((sh_all.at[:, pl.ds(OFF_CNT + wid * 256, 256)], blkc),
              (sh_all.at[:, pl.ds(OFF_CNF + wid * 256, 256)], blkf),
              (sh_all.at[:, pl.ds(OFF_ACC + wid * 256, 256)], blka),
              (sh_all.at[:, pl.ds(OFF_YT + wid * 32, 32)], blkyt))

        def reduce_region(blk, red, width):
            def body(j, _):
                sl = pl.ds(j * L, L)
                acc = blk[0, sl]
                for t in range(1, NTILES):
                    acc = acc + blk[t, sl]
                red[sl] = acc
                return 0
            lax.fori_loop(0, width // L, body, 0)

        reduce_region(blkc, redc, 256)
        reduce_region(blkf, redf, 256)
        reduce_region(blka, reda, 256)
        reduce_region(blkyt, redyt, 32)
        batch((redc, sh_cnt.at[wid]),
              (redf, sh_cnf.at[wid]),
              (reda, sh_acc.at[wid]),
              (redyt, sh_yt.at[pl.ds(wid * 32, 32)]))
        plsc.subcore_barrier()

        cls0 = wid * L
        batch((sh_cnt.at[:, pl.ds(cls0, L)], cnt16),
              (sh_cnf.at[:, pl.ds(cls0, L)], cnf16),
              (sh_acc.at[:, pl.ds(cls0, L)], acc16),
              (sh_yt.at[pl.ds(cls0, L)], yt16))
        n_c = jnp.zeros((L,), jnp.float32)
        esum = jnp.zeros((L,), jnp.float32)
        for b in range(NB):
            kv = cnt16[b]
            cv = cnf16[b]
            av = acc16[b]
            n_c = n_c + kv
            esum = esum + jnp.where(kv > 0.0, jnp.abs(cv - av), 0.0)
        ece = esum / jnp.maximum(n_c, 1.0)
        pv = (yt16[...] > 0.0).astype(jnp.float32)
        stage16[...] = jnp.broadcast_to(jnp.sum(pv * ece), (L,))
        stage16b[...] = jnp.broadcast_to(jnp.sum(pv), (L,))
        batch((stage16, sh_p.at[wid]),
              (stage16b, sh_c.at[wid]))
        plsc.subcore_barrier()

        @pl.when(wid == 0)
        def _():
            batch((sh_p, cnt16),
                  (sh_c, cnf16))
            accp = cnt16[0]
            accc = cnf16[0]
            for t in range(1, NTILES):
                accp = accp + cnt16[t]
                accc = accc + cnf16[t]
            stage16[...] = accp / accc
            pltpu.sync_copy(stage16, out_hbm)


@functools.lru_cache(maxsize=1)
def _sc_stage_fn():
    return pl.kernel(
        _sc_body,
        mesh=plsc.VectorSubcoreMesh(core_axis_name="c", subcore_axis_name="s", num_cores=1),
        compiler_params=pltpu.CompilerParams(
            use_tc_tiling_on_sc=False, needs_layout_passes=False,
            skip_device_barrier=True),
        out_type=jax.ShapeDtypeStruct((L,), jnp.float32),
        scratch_types=[
        pltpu.VMEM((SPT,), jnp.float32),
        pltpu.VMEM((SPT,), jnp.float32),
        pltpu.VMEM((SPT,), jnp.int32),
        pltpu.VMEM((HTOT,), jnp.float32),
        pltpu.VMEM((NTILES, 256), jnp.float32),
        pltpu.VMEM((NTILES, 256), jnp.float32),
        pltpu.VMEM((NTILES, 256), jnp.float32),
        pltpu.VMEM((NTILES, 32), jnp.float32),
        pltpu.VMEM((256,), jnp.float32),
        pltpu.VMEM((256,), jnp.float32),
        pltpu.VMEM((256,), jnp.float32),
        pltpu.VMEM((32,), jnp.float32),
        pltpu.VMEM((NB, L), jnp.float32),
        pltpu.VMEM((NB, L), jnp.float32),
        pltpu.VMEM((NB, L), jnp.float32),
        pltpu.VMEM((L,), jnp.float32),
        pltpu.VMEM((L,), jnp.float32),
        pltpu.VMEM((L,), jnp.float32),
        pltpu.VMEM_SHARED((NTILES, HTOT), jnp.float32),
        pltpu.VMEM_SHARED((NB, C), jnp.float32),
        pltpu.VMEM_SHARED((NB, C), jnp.float32),
        pltpu.VMEM_SHARED((NB, C), jnp.float32),
        pltpu.VMEM_SHARED((512,), jnp.float32),
        pltpu.VMEM_SHARED((NTILES, L), jnp.float32),
        pltpu.VMEM_SHARED((NTILES, L), jnp.float32),
        pltpu.SemaphoreType.DMA,
        ],
    )


def kernel(y_pred, y_true):
    conf, pred = _tc_stage(y_pred)
    out = _sc_stage_fn()(conf, pred, y_true)
    return out[0:1]

# --- scband reference (transcript-rebuilt; emitter-appended) ---
"""Pipeline reference for scband-top-label-specific-ece-loss-equal-width-62448824484164 (READ-ONLY COPY).

The authoritative reference and input builder live on the scoring server;
editing this copy changes nothing except your own understanding.
"""

import jax, jax.numpy as jnp
import numpy as np

N = 16384
C = 256
N_BINS = 15


def setup_inputs(seed: int = 0) -> dict:
    key = jax.random.key(seed)
    k1, k2 = jax.random.split(key)
    y_pred = jax.random.normal(k1, (N, C), dtype=jnp.float32) * 2.0
    y_true = jax.random.randint(k2, (N,), 0, C, dtype=jnp.int32)
    return {"y_pred": y_pred, "y_true": y_true}


def reference(y_pred, y_true):
    n_classes = y_pred.shape[1]
    top_label = jnp.argmax(y_pred, axis=1)
    bin_boundaries = np.linspace(0.0, 1.0, N_BINS + 1)
    bin_lowers = bin_boundaries[:-1]
    bin_uppers = bin_boundaries[1:]
    softmaxes = jax.nn.softmax(y_pred, axis=1)
    confidences = jnp.max(softmaxes, axis=1)
    predictions = jnp.argmax(softmaxes, axis=1)
    accuracies = (predictions == y_true)
    class_ids = jnp.arange(n_classes, dtype=y_true.dtype)
    present = (y_true[None, :] == class_ids[:, None]).any(axis=1)
    class_mask = (top_label[None, :] == class_ids[:, None])
    n_c = jnp.sum(class_mask, axis=1)
    eces = jnp.zeros((n_classes,), dtype=y_pred.dtype)
    for bl, bu in zip(bin_lowers, bin_uppers):
        in_bin = (confidences > bl) & (confidences <= bu)
        inb = class_mask & in_bin[None, :]
        k = jnp.sum(inb, axis=1)
        safe_k = jnp.maximum(k, 1).astype(y_pred.dtype)
        accuracy_in_bin = jnp.sum(
            jnp.where(inb, accuracies.astype(jnp.float32), 0.0), axis=1
        ) / safe_k
        avg_confidence_in_bin = jnp.sum(
            jnp.where(inb, confidences, 0.0), axis=1
        ) / safe_k
        prop_in_bin = k.astype(y_pred.dtype) / jnp.maximum(n_c, 1).astype(y_pred.dtype)
        eces = eces + jnp.where(
            k > 0,
            jnp.abs(avg_confidence_in_bin - accuracy_in_bin) * prop_in_bin,
            jnp.zeros((), dtype=y_pred.dtype),
        )
    total = jnp.sum(jnp.where(present, eces, jnp.zeros((), dtype=y_pred.dtype)))
    count = jnp.sum(present).astype(y_pred.dtype)
    return (total / count).reshape((1,))

if __name__ == "__main__":
    import jax
    _d = setup_inputs()
    print(jax.jit(kernel)(*tuple(_d.values())))

</pallas_src>

<mosaic_0001>
#map = affine_map<(d0, d1) -> (0)>
module attributes {stable_mosaic.version = 14 : i64} {
  func.func @_sc_body(%arg0: i32, %arg1: i32, %arg2: memref<16384xf32, #tpu.memory_space<hbm>>, %arg3: memref<16384xf32, #tpu.memory_space<hbm>>, %arg4: memref<16384xi32, #tpu.memory_space<hbm>>, %arg5: memref<16xf32, #tpu.memory_space<hbm>>, %arg6: memref<1024xf32, #tpu.memory_space<vmem>>, %arg7: memref<1024xf32, #tpu.memory_space<vmem>>, %arg8: memref<1024xi32, #tpu.memory_space<vmem>>, %arg9: memref<12800xf32, #tpu.memory_space<vmem>>, %arg10: memref<16x256xf32, #tpu.memory_space<vmem>>, %arg11: memref<16x256xf32, #tpu.memory_space<vmem>>, %arg12: memref<16x256xf32, #tpu.memory_space<vmem>>, %arg13: memref<16x32xf32, #tpu.memory_space<vmem>>, %arg14: memref<256xf32, #tpu.memory_space<vmem>>, %arg15: memref<256xf32, #tpu.memory_space<vmem>>, %arg16: memref<256xf32, #tpu.memory_space<vmem>>, %arg17: memref<32xf32, #tpu.memory_space<vmem>>, %arg18: memref<16x16xf32, #tpu.memory_space<vmem>>, %arg19: memref<16x16xf32, #tpu.memory_space<vmem>>, %arg20: memref<16x16xf32, #tpu.memory_space<vmem>>, %arg21: memref<16xf32, #tpu.memory_space<vmem>>, %arg22: memref<16xf32, #tpu.memory_space<vmem>>, %arg23: memref<16xf32, #tpu.memory_space<vmem>>, %arg24: memref<16x12800xf32, #tpu.memory_space<vmem_shared>>, %arg25: memref<16x256xf32, #tpu.memory_space<vmem_shared>>, %arg26: memref<16x256xf32, #tpu.memory_space<vmem_shared>>, %arg27: memref<16x256xf32, #tpu.memory_space<vmem_shared>>, %arg28: memref<512xf32, #tpu.memory_space<vmem_shared>>, %arg29: memref<16x16xf32, #tpu.memory_space<vmem_shared>>, %arg30: memref<16x16xf32, #tpu.memory_space<vmem_shared>>, %arg31: memref<!tpu.dma_semaphore, #tpu.memory_space<semaphore_mem>>) attributes {dimension_semantics = [#tpu.dimension_semantics<core_parallel>, #tpu.dimension_semantics<subcore_parallel>], iteration_bounds = array<i64: 1, 16>, scalar_prefetch = 0 : i64, scratch_operands = 26 : i64, tpu.core_type = #tpu.core_type<sc_vector_subcore>, window_params = [{transform_indices = #map}, {transform_indices = #map}, {transform_indices = #map}, {transform_indices = #map}]} {
    %eq3A = arith.constant 0 : i32
    %eq3A_0 = arith.cmpi eq, %arg0, %eq3A : i32
    %convert_element_type3A = arith.extui %eq3A_0 : i1 to i32
    %cond3A = arith.constant 0 : i32
    %cond3A_1 = arith.cmpi ne, %convert_element_type3A, %cond3A : i32
    scf.if %cond3A_1 {
      %broadcast_in_dim3A = arith.constant 1.000000e+00 : f32
      %broadcast_in_dim3A_2 = vector.broadcast %broadcast_in_dim3A : f32 to vector<16xf32>
      %mul3A = arith.constant 1024 : i32
      %mul3A_3 = arith.muli %arg1, %mul3A : i32
      %dma_start3A = tpu.memref_slice %arg2[%mul3A_3] : memref<16384xf32, #tpu.memory_space<hbm>> -> memref<1024xf32, #tpu.memory_space<hbm>>
      %dma_start3A_4 = tpu.memref_slice %arg2[%mul3A_3] : memref<16384xf32, #tpu.memory_space<hbm>> -> memref<1024xf32, #tpu.memory_space<hbm>>
      tpu.enqueue_dma source(%dma_start3A_4 : memref<1024xf32, #tpu.memory_space<hbm>>) target(%arg6 : memref<1024xf32, #tpu.memory_space<vmem>>) target_semaphore(%arg31 : memref<!tpu.dma_semaphore, #tpu.memory_space<semaphore_mem>>)
      %dma_start3A_5 = tpu.memref_slice %arg3[%mul3A_3] : memref<16384xf32, #tpu.memory_space<hbm>> -> memref<1024xf32, #tpu.memory_space<hbm>>
      %dma_start3A_6 = tpu.memref_slice %arg3[%mul3A_3] : memref<16384xf32, #tpu.memory_space<hbm>> -> memref<1024xf32, #tpu.memory_space<hbm>>
      tpu.enqueue_dma source(%dma_start3A_6 : memref<1024xf32, #tpu.memory_space<hbm>>) target(%arg7 : memref<1024xf32, #tpu.memory_space<vmem>>) target_semaphore(%arg31 : memref<!tpu.dma_semaphore, #tpu.memory_space<semaphore_mem>>)
      %dma_start3A_7 = tpu.memref_slice %arg4[%mul3A_3] : memref<16384xi32, #tpu.memory_space<hbm>> -> memref<1024xi32, #tpu.memory_space<hbm>>
      %dma_start3A_8 = tpu.memref_slice %arg4[%mul3A_3] : memref<16384xi32, #tpu.memory_space<hbm>> -> memref<1024xi32, #tpu.memory_space<hbm>>
      tpu.enqueue_dma source(%dma_start3A_8 : memref<1024xi32, #tpu.memory_space<hbm>>) target(%arg8 : memref<1024xi32, #tpu.memory_space<vmem>>) target_semaphore(%arg31 : memref<!tpu.dma_semaphore, #tpu.memory_space<semaphore_mem>>)
      %broadcast_in_dim3A_9 = arith.constant 0.000000e+00 : f32
      %broadcast_in_dim3A_10 = vector.broadcast %broadcast_in_dim3A_9 : f32 to vector<16xf32>
      %scan3A = arith.constant 0 : i32
      %scan3A_11 = arith.constant 0 : i32
      %scan3A_12 = arith.constant 200 : i32
      %scan3A_13 = arith.addi %scan3A_11, %scan3A_12 : i32
      %scan3A_14 = arith.constant 1 : i32
      %scan3A_15 = scf.for %scan3A_579 = %scan3A_11 to %scan3A_13 step %scan3A_14 iter_args(%scan3A_580 = %scan3A) -> (i32)  : i32 {
        %mul3A_581 = arith.constant 64 : i32
        %mul3A_582 = arith.muli %scan3A_579, %mul3A_581 : i32
        %add3A_583 = arith.constant 0 : i32
        %add3A_584 = arith.addi %mul3A_582, %add3A_583 : i32
        %swap3A_585 = arith.index_cast %add3A_584 : i32 to index
        %swap3A_586 = tpu.vector_load %arg9[%swap3A_585] {strides = array<i32>} : memref<12800xf32, #tpu.memory_space<vmem>>, vector<16xf32>,
        tpu.vector_store %arg9[%swap3A_585], %broadcast_in_dim3A_10 {strides = array<i32>} : memref<12800xf32, #tpu.memory_space<vmem>>, vector<16xf32>,
        %mul3A_587 = arith.constant 64 : i32
        %mul3A_588 = arith.muli %scan3A_579, %mul3A_587 : i32
        %add3A_589 = arith.constant 16 : i32
        %add3A_590 = arith.addi %mul3A_588, %add3A_589 : i32
        %swap3A_591 = arith.index_cast %add3A_590 : i32 to index
        %swap3A_592 = tpu.vector_load %arg9[%swap3A_591] {strides = array<i32>} : memref<12800xf32, #tpu.memory_space<vmem>>, vector<16xf32>,
        tpu.vector_store %arg9[%swap3A_591], %broadcast_in_dim3A_10 {strides = array<i32>} : memref<12800xf32, #tpu.memory_space<vmem>>, vector<16xf32>,
        %mul3A_593 = arith.constant 64 : i32
        %mul3A_594 = arith.muli %scan3A_579, %mul3A_593 : i32
        %add3A_595 = arith.constant 32 : i32
        %add3A_596 = arith.addi %mul3A_594, %add3A_595 : i32
        %swap3A_597 = arith.index_cast %add3A_596 : i32 to index
        %swap3A_598 = tpu.vector_load %arg9[%swap3A_597] {strides = array<i32>} : memref<12800xf32, #tpu.memory_space<vmem>>, vector<16xf32>,
        tpu.vector_store %arg9[%swap3A_597], %broadcast_in_dim3A_10 {strides = array<i32>} : memref<12800xf32, #tpu.memory_space<vmem>>, vector<16xf32>,
        %mul3A_599 = arith.constant 64 : i32
        %mul3A_600 = arith.muli %scan3A_579, %mul3A_599 : i32
        %add3A_601 = arith.constant 48 : i32
        %add3A_602 = arith.addi %mul3A_600, %add3A_601 : i32
        %swap3A_603 = arith.index_cast %add3A_602 : i32 to index
        %swap3A_604 = tpu.vector_load %arg9[%swap3A_603] {strides = array<i32>} : memref<12800xf32, #tpu.memory_space<vmem>>, vector<16xf32>,
        tpu.vector_store %arg9[%swap3A_603], %broadcast_in_dim3A_10 {strides = array<i32>} : memref<12800xf32, #tpu.memory_space<vmem>>, vector<16xf32>,
        %scan3A_605 = arith.constant 0 : i32
        scf.yield %scan3A_605 : i32
      }
      %scan3A_16 = arith.constant 200 : i32
      %dma_wait3A = tpu.memref_slice %arg2[%mul3A_3] : memref<16384xf32, #tpu.memory_space<hbm>> -> memref<1024xf32, #tpu.memory_space<hbm>>
      %dma_wait3A_17 = tpu.memref_slice %arg2[%mul3A_3] : memref<16384xf32, #tpu.memory_space<hbm>> -> memref<1024xf32, #tpu.memory_space<hbm>>
      tpu.wait_dma2 semaphore(%arg31 : memref<!tpu.dma_semaphore, #tpu.memory_space<semaphore_mem>>) src(%dma_wait3A_17 : memref<1024xf32, #tpu.memory_space<hbm>>) dst(%arg6 : memref<1024xf32, #tpu.memory_space<vmem>>)
      %dma_wait3A_18 = tpu.memref_slice %arg3[%mul3A_3] : memref<16384xf32, #tpu.memory_space<hbm>> -> memref<1024xf32, #tpu.memory_space<hbm>>
      %dma_wait3A_19 = tpu.memref_slice %arg3[%mul3A_3] : memref<16384xf32, #tpu.memory_space<hbm>> -> memref<1024xf32, #tpu.memory_space<hbm>>
      tpu.wait_dma2 semaphore(%arg31 : memref<!tpu.dma_semaphore, #tpu.memory_space<semaphore_mem>>) src(%dma_wait3A_19 : memref<1024xf32, #tpu.memory_space<hbm>>) dst(%arg7 : memref<1024xf32, #tpu.memory_space<vmem>>)
      %dma_wait3A_20 = tpu.memref_slice %arg4[%mul3A_3] : memref<16384xi32, #tpu.memory_space<hbm>> -> memref<1024xi32, #tpu.memory_space<hbm>>
      %dma_wait3A_21 = tpu.memref_slice %arg4[%mul3A_3] : memref<16384xi32, #tpu.memory_space<hbm>> -> memref<1024xi32, #tpu.memory_space<hbm>>
      tpu.wait_dma2 semaphore(%arg31 : memref<!tpu.dma_semaphore, #tpu.memory_space<semaphore_mem>>) src(%dma_wait3A_21 : memref<1024xi32, #tpu.memory_space<hbm>>) dst(%arg8 : memref<1024xi32, #tpu.memory_space<vmem>>)
      %scan3A_22 = arith.constant 0 : i32
      %scan3A_23 = arith.constant 0 : i32
      %scan3A_24 = arith.constant 16 : i32
      %scan3A_25 = arith.addi %scan3A_23, %scan3A_24 : i32
      %scan3A_26 = arith.constant 1 : i32
      %scan3A_27 = scf.for %scan3A_579 = %scan3A_23 to %scan3A_25 step %scan3A_26 iter_args(%scan3A_580 = %scan3A_22) -> (i32)  : i32 {
        %mul3A_581 = arith.constant 64 : i32
        %mul3A_582 = arith.muli %scan3A_579, %mul3A_581 : i32
        %add3A_583 = arith.constant 0 : i32
        %add3A_584 = arith.addi %mul3A_582, %add3A_583 : i32
        %get3A_585 = arith.index_cast %add3A_584 : i32 to index
        %get3A_586 = tpu.vector_load %arg6[%get3A_585] {strides = array<i32>} : memref<1024xf32, #tpu.memory_space<vmem>>, vector<16xf32>,
        %get3A_587 = arith.index_cast %add3A_584 : i32 to index
        %get3A_588 = tpu.vector_load %arg7[%get3A_587] {strides = array<i32>} : memref<1024xf32, #tpu.memory_space<vmem>>, vector<16xf32>,
        %convert_element_type3A_589 = arith.fptosi %get3A_588 : vector<16xf32> to vector<16xi32>
        %get3A_590 = arith.index_cast %add3A_584 : i32 to index
        %get3A_591 = tpu.vector_load %arg8[%get3A_590] {strides = array<i32>} : memref<1024xi32, #tpu.memory_space<vmem>>, vector<16xi32>,
        %eq3A_592 = arith.cmpi eq, %convert_element_type3A_589, %get3A_591 : vector<16xi32>
        %convert_element_type3A_593 = arith.extui %eq3A_592 : vector<16xi1> to vector<16xi32>
        %convert_element_type3A_594 = arith.sitofp %convert_element_type3A_593 : vector<16xi32> to vector<16xf32>
        %mul3A_595 = arith.constant 1.500000e+01 : f32
        %mul3A_596 = vector.broadcast %mul3A_595 : f32 to vector<16xf32>
        %mul3A_597 = arith.mulf %get3A_586, %mul3A_596 : vector<16xf32>
        %convert_element_type3A_598 = arith.fptosi %mul3A_597 : vector<16xf32> to vector<16xi32>
        %convert_element_type3A_599 = arith.sitofp %convert_element_type3A_598 : vector<16xi32> to vector<16xf32>
        %eq3A_600 = arith.cmpf oeq, %mul3A_597, %convert_element_type3A_599 : vector<16xf32>
        %convert_element_type3A_601 = arith.extui %eq3A_600 : vector<16xi1> to vector<16xi32>
        %sub3A_602 = arith.subi %convert_element_type3A_598, %convert_element_type3A_601 : vector<16xi32>
        %mul3A_603 = arith.constant 256 : i32
        %mul3A_604 = vector.broadcast %mul3A_603 : i32 to vector<16xi32>
        %mul3A_605 = arith.muli %sub3A_602, %mul3A_604 : vector<16xi32>
        %add3A_606 = arith.addi %mul3A_605, %convert_element_type3A_589 : vector<16xi32>
        tpu.vector_store_idx %arg9[%add3A_606], %broadcast_in_dim3A_2 {add = true} : memref<12800xf32, #tpu.memory_space<vmem>>[vector<16xi32>], vector<16xf32>,
        %add3A_607 = arith.constant 4096 : i32
        %add3A_608 = vector.broadcast %add3A_607 : i32 to vector<16xi32>
        %add3A_609 = arith.addi %add3A_606, %add3A_608 : vector<16xi32>
        tpu.vector_store_idx %arg9[%add3A_609], %get3A_586 {add = true} : memref<12800xf32, #tpu.memory_space<vmem>>[vector<16xi32>], vector<16xf32>,
        %add3A_610 = arith.constant 8192 : i32
        %add3A_611 = vector.broadcast %add3A_610 : i32 to vector<16xi32>
        %add3A_612 = arith.addi %add3A_606, %add3A_611 : vector<16xi32>
        tpu.vector_store_idx %arg9[%add3A_612], %convert_element_type3A_594 {add = true} : memref<12800xf32, #tpu.memory_space<vmem>>[vector<16xi32>], vector<16xf32>,
        %add3A_613 = arith.constant 12288 : i32
        %add3A_614 = vector.broadcast %add3A_613 : i32 to vector<16xi32>
        %add3A_615 = arith.addi %get3A_591, %add3A_614 : vector<16xi32>
        tpu.vector_store_idx %arg9[%add3A_615], %broadcast_in_dim3A_2 {add = true} : memref<12800xf32, #tpu.memory_space<vmem>>[vector<16xi32>], vector<16xf32>,
        %mul3A_616 = arith.constant 64 : i32
        %mul3A_617 = arith.muli %scan3A_579, %mul3A_616 : i32
        %add3A_618 = arith.constant 16 : i32
        %add3A_619 = arith.addi %mul3A_617, %add3A_618 : i32
        %get3A_620 = arith.index_cast %add3A_619 : i32 to index
        %get3A_621 = tpu.vector_load %arg6[%get3A_620] {strides = array<i32>} : memref<1024xf32, #tpu.memory_space<vmem>>, vector<16xf32>,
        %get3A_622 = arith.index_cast %add3A_619 : i32 to index
        %get3A_623 = tpu.vector_load %arg7[%get3A_622] {strides = array<i32>} : memref<1024xf32, #tpu.memory_space<vmem>>, vector<16xf32>,
        %convert_element_type3A_624 = arith.fptosi %get3A_623 : vector<16xf32> to vector<16xi32>
        %get3A_625 = arith.index_cast %add3A_619 : i32 to index
        %get3A_626 = tpu.vector_load %arg8[%get3A_625] {strides = array<i32>} : memref<1024xi32, #tpu.memory_space<vmem>>, vector<16xi32>,
        %eq3A_627 = arith.cmpi eq, %convert_element_type3A_624, %get3A_626 : vector<16xi32>
        %convert_element_type3A_628 = arith.extui %eq3A_627 : vector<16xi1> to vector<16xi32>
        %convert_element_type3A_629 = arith.sitofp %convert_element_type3A_628 : vector<16xi32> to vector<16xf32>
        %mul3A_630 = arith.constant 1.500000e+01 : f32
        %mul3A_631 = vector.broadcast %mul3A_630 : f32 to vector<16xf32>
        %mul3A_632 = arith.mulf %get3A_621, %mul3A_631 : vector<16xf32>
        %convert_element_type3A_633 = arith.fptosi %mul3A_632 : vector<16xf32> to vector<16xi32>
        %convert_element_type3A_634 = arith.sitofp %convert_element_type3A_633 : vector<16xi32> to vector<16xf32>
        %eq3A_635 = arith.cmpf oeq, %mul3A_632, %convert_element_type3A_634 : vector<16xf32>
        %convert_element_type3A_636 = arith.extui %eq3A_635 : vector<16xi1> to vector<16xi32>
        %sub3A_637 = arith.subi %convert_element_type3A_633, %convert_element_type3A_636 : vector<16xi32>
        %mul3A_638 = arith.constant 256 : i32
        %mul3A_639 = vector.broadcast %mul3A_638 : i32 to vector<16xi32>
        %mul3A_640 = arith.muli %sub3A_637, %mul3A_639 : vector<16xi32>
        %add3A_641 = arith.addi %mul3A_640, %convert_element_type3A_624 : vector<16xi32>
        tpu.vector_store_idx %arg9[%add3A_641], %broadcast_in_dim3A_2 {add = true} : memref<12800xf32, #tpu.memory_space<vmem>>[vector<16xi32>], vector<16xf32>,
        %add3A_642 = arith.constant 4096 : i32
        %add3A_643 = vector.broadcast %add3A_642 : i32 to vector<16xi32>
        %add3A_644 = arith.addi %add3A_641, %add3A_643 : vector<16xi32>
        tpu.vector_store_idx %arg9[%add3A_644], %get3A_621 {add = true} : memref<12800xf32, #tpu.memory_space<vmem>>[vector<16xi32>], vector<16xf32>,
        %add3A_645 = arith.constant 8192 : i32
        %add3A_646 = vector.broadcast %add3A_645 : i32 to vector<16xi32>
        %add3A_647 = arith.addi %add3A_641, %add3A_646 : vector<16xi32>
        tpu.vector_store_idx %arg9[%add3A_647], %convert_element_type3A_629 {add = true} : memref<12800xf32, #tpu.memory_space<vmem>>[vector<16xi32>], vector<16xf32>,
        %add3A_648 = arith.constant 12288 : i32
        %add3A_649 = vector.broadcast %add3A_648 : i32 to vector<16xi32>
        %add3A_650 = arith.addi %get3A_626, %add3A_649 : vector<16xi32>
        tpu.vector_store_idx %arg9[%add3A_650], %broadcast_in_dim3A_2 {add = true} : memref<12800xf32, #tpu.memory_space<vmem>>[vector<16xi32>], vector<16xf32>,
        %mul3A_651 = arith.constant 64 : i32
        %mul3A_652 = arith.muli %scan3A_579, %mul3A_651 : i32
        %add3A_653 = arith.constant 32 : i32
        %add3A_654 = arith.addi %mul3A_652, %add3A_653 : i32
        %get3A_655 = arith.index_cast %add3A_654 : i32 to index
        %get3A_656 = tpu.vector_load %arg6[%get3A_655] {strides = array<i32>} : memref<1024xf32, #tpu.memory_space<vmem>>, vector<16xf32>,
        %get3A_657 = arith.index_cast %add3A_654 : i32 to index
        %get3A_658 = tpu.vector_load %arg7[%get3A_657] {strides = array<i32>} : memref<1024xf32, #tpu.memory_space<vmem>>, vector<16xf32>,
        %convert_element_type3A_659 = arith.fptosi %get3A_658 : vector<16xf32> to vector<16xi32>
        %get3A_660 = arith.index_cast %add3A_654 : i32 to index
        %get3A_661 = tpu.vector_load %arg8[%get3A_660] {strides = array<i32>} : memref<1024xi32, #tpu.memory_space<vmem>>, vector<16xi32>,
        %eq3A_662 = arith.cmpi eq, %convert_element_type3A_659, %get3A_661 : vector<16xi32>
        %convert_element_type3A_663 = arith.extui %eq3A_662 : vector<16xi1> to vector<16xi32>
        %convert_element_type3A_664 = arith.sitofp %convert_element_type3A_663 : vector<16xi32> to vector<16xf32>
        %mul3A_665 = arith.constant 1.500000e+01 : f32
        %mul3A_666 = vector.broadcast %mul3A_665 : f32 to vector<16xf32>
        %mul3A_667 = arith.mulf %get3A_656, %mul3A_666 : vector<16xf32>
        %convert_element_type3A_668 = arith.fptosi %mul3A_667 : vector<16xf32> to vector<16xi32>
        %convert_element_type3A_669 = arith.sitofp %convert_element_type3A_668 : vector<16xi32> to vector<16xf32>
        %eq3A_670 = arith.cmpf oeq, %mul3A_667, %convert_element_type3A_669 : vector<16xf32>
        %convert_element_type3A_671 = arith.extui %eq3A_670 : vector<16xi1> to vector<16xi32>
        %sub3A_672 = arith.subi %convert_element_type3A_668, %convert_element_type3A_671 : vector<16xi32>
        %mul3A_673 = arith.constant 256 : i32
        %mul3A_674 = vector.broadcast %mul3A_673 : i32 to vector<16xi32>
        %mul3A_675 = arith.muli %sub3A_672, %mul3A_674 : vector<16xi32>
        %add3A_676 = arith.addi %mul3A_675, %convert_element_type3A_659 : vector<16xi32>
        tpu.vector_store_idx %arg9[%add3A_676], %broadcast_in_dim3A_2 {add = true} : memref<12800xf32, #tpu.memory_space<vmem>>[vector<16xi32>], vector<16xf32>,
        %add3A_677 = arith.constant 4096 : i32
        %add3A_678 = vector.broadcast %add3A_677 : i32 to vector<16xi32>
        %add3A_679 = arith.addi %add3A_676, %add3A_678 : vector<16xi32>
        tpu.vector_store_idx %arg9[%add3A_679], %get3A_656 {add = true} : memref<12800xf32, #tpu.memory_space<vmem>>[vector<16xi32>], vector<16xf32>,
        %add3A_680 = arith.constant 8192 : i32
        %add3A_681 = vector.broadcast %add3A_680 : i32 to vector<16xi32>
        %add3A_682 = arith.addi %add3A_676, %add3A_681 : vector<16xi32>
        tpu.vector_store_idx %arg9[%add3A_682], %convert_element_type3A_664 {add = true} : memref<12800xf32, #tpu.memory_space<vmem>>[vector<16xi32>], vector<16xf32>,
        %add3A_683 = arith.constant 12288 : i32
        %add3A_684 = vector.broadcast %add3A_683 : i32 to vector<16xi32>
        %add3A_685 = arith.addi %get3A_661, %add3A_684 : vector<16xi32>
        tpu.vector_store_idx %arg9[%add3A_685], %broadcast_in_dim3A_2 {add = true} : memref<12800xf32, #tpu.memory_space<vmem>>[vector<16xi32>], vector<16xf32>,
        %mul3A_686 = arith.constant 64 : i32
        %mul3A_687 = arith.muli %scan3A_579, %mul3A_686 : i32
        %add3A_688 = arith.constant 48 : i32
        %add3A_689 = arith.addi %mul3A_687, %add3A_688 : i32
        %get3A_690 = arith.index_cast %add3A_689 : i32 to index
        %get3A_691 = tpu.vector_load %arg6[%get3A_690] {strides = array<i32>} : memref<1024xf32, #tpu.memory_space<vmem>>, vector<16xf32>,
        %get3A_692 = arith.index_cast %add3A_689 : i32 to index
        %get3A_693 = tpu.vector_load %arg7[%get3A_692] {strides = array<i32>} : memref<1024xf32, #tpu.memory_space<vmem>>, vector<16xf32>,
        %convert_element_type3A_694 = arith.fptosi %get3A_693 : vector<16xf32> to vector<16xi32>
        %get3A_695 = arith.index_cast %add3A_689 : i32 to index
        %get3A_696 = tpu.vector_load %arg8[%get3A_695] {strides = array<i32>} : memref<1024xi32, #tpu.memory_space<vmem>>, vector<16xi32>,
        %eq3A_697 = arith.cmpi eq, %convert_element_type3A_694, %get3A_696 : vector<16xi32>
        %convert_element_type3A_698 = arith.extui %eq3A_697 : vector<16xi1> to vector<16xi32>
        %convert_element_type3A_699 = arith.sitofp %convert_element_type3A_698 : vector<16xi32> to vector<16xf32>
        %mul3A_700 = arith.constant 1.500000e+01 : f32
        %mul3A_701 = vector.broadcast %mul3A_700 : f32 to vector<16xf32>
        %mul3A_702 = arith.mulf %get3A_691, %mul3A_701 : vector<16xf32>
        %convert_element_type3A_703 = arith.fptosi %mul3A_702 : vector<16xf32> to vector<16xi32>
        %convert_element_type3A_704 = arith.sitofp %convert_element_type3A_703 : vector<16xi32> to vector<16xf32>
        %eq3A_705 = arith.cmpf oeq, %mul3A_702, %convert_element_type3A_704 : vector<16xf32>
        %convert_element_type3A_706 = arith.extui %eq3A_705 : vector<16xi1> to vector<16xi32>
        %sub3A_707 = arith.subi %convert_element_type3A_703, %convert_element_type3A_706 : vector<16xi32>
        %mul3A_708 = arith.constant 256 : i32
        %mul3A_709 = vector.broadcast %mul3A_708 : i32 to vector<16xi32>
        %mul3A_710 = arith.muli %sub3A_707, %mul3A_709 : vector<16xi32>
        %add3A_711 = arith.addi %mul3A_710, %convert_element_type3A_694 : vector<16xi32>
        tpu.vector_store_idx %arg9[%add3A_711], %broadcast_in_dim3A_2 {add = true} : memref<12800xf32, #tpu.memory_space<vmem>>[vector<16xi32>], vector<16xf32>,
        %add3A_712 = arith.constant 4096 : i32
        %add3A_713 = vector.broadcast %add3A_712 : i32 to vector<16xi32>
        %add3A_714 = arith.addi %add3A_711, %add3A_713 : vector<16xi32>
        tpu.vector_store_idx %arg9[%add3A_714], %get3A_691 {add = true} : memref<12800xf32, #tpu.memory_space<vmem>>[vector<16xi32>], vector<16xf32>,
        %add3A_715 = arith.constant 8192 : i32
        %add3A_716 = vector.broadcast %add3A_715 : i32 to vector<16xi32>
        %add3A_717 = arith.addi %add3A_711, %add3A_716 : vector<16xi32>
        tpu.vector_store_idx %arg9[%add3A_717], %convert_element_type3A_699 {add = true} : memref<12800xf32, #tpu.memory_space<vmem>>[vector<16xi32>], vector<16xf32>,
        %add3A_718 = arith.constant 12288 : i32
        %add3A_719 = vector.broadcast %add3A_718 : i32 to vector<16xi32>
        %add3A_720 = arith.addi %get3A_696, %add3A_719 : vector<16xi32>
        tpu.vector_store_idx %arg9[%add3A_720], %broadcast_in_dim3A_2 {add = true} : memref<12800xf32, #tpu.memory_space<vmem>>[vector<16xi32>], vector<16xf32>,
        %scan3A_721 = arith.constant 0 : i32
        scf.yield %scan3A_721 : i32
      }
      %scan3A_28 = arith.constant 16 : i32
      "tpu.region"() ({
        %run_scoped3A = tpu.sem_alloc : memref<!tpu.dma_semaphore, #tpu.memory_space<semaphore_mem>>
        %dma_start3A_579 = arith.constant 0 : i32
        %dma_start3A_580 = tpu.memref_slice %arg24[%arg1, %dma_start3A_579] : memref<16x12800xf32, #tpu.memory_space<vmem_shared>> -> memref<1x12800xf32, #tpu.memory_space<vmem_shared>>
        %dma_start3A_581 = tpu.memref_squeeze %dma_start3A_580 : memref<1x12800xf32, #tpu.memory_space<vmem_shared>> -> memref<12800xf32, #tpu.memory_space<vmem_shared>>
        %dma_start3A_582 = arith.constant 0 : i32
        %dma_start3A_583 = tpu.memref_slice %arg24[%arg1, %dma_start3A_582] : memref<16x12800xf32, #tpu.memory_space<vmem_shared>> -> memref<1x12800xf32, #tpu.memory_space<vmem_shared>>
        %dma_start3A_584 = tpu.memref_squeeze %dma_start3A_583 : memref<1x12800xf32, #tpu.memory_space<vmem_shared>> -> memref<12800xf32, #tpu.memory_space<vmem_shared>>
        tpu.enqueue_dma source(%arg9 : memref<12800xf32, #tpu.memory_space<vmem>>) target(%dma_start3A_584 : memref<12800xf32, #tpu.memory_space<vmem_shared>>) target_semaphore(%run_scoped3A : memref<!tpu.dma_semaphore, #tpu.memory_space<semaphore_mem>>)
        %dma_wait3A_585 = arith.constant 0 : i32
        %dma_wait3A_586 = tpu.memref_slice %arg24[%arg1, %dma_wait3A_585] : memref<16x12800xf32, #tpu.memory_space<vmem_shared>> -> memref<1x12800xf32, #tpu.memory_space<vmem_shared>>
        %dma_wait3A_587 = tpu.memref_squeeze %dma_wait3A_586 : memref<1x12800xf32, #tpu.memory_space<vmem_shared>> -> memref<12800xf32, #tpu.memory_space<vmem_shared>>
        %dma_wait3A_588 = arith.constant 0 : i32
        %dma_wait3A_589 = tpu.memref_slice %arg24[%arg1, %dma_wait3A_588] : memref<16x12800xf32, #tpu.memory_space<vmem_shared>> -> memref<1x12800xf32, #tpu.memory_space<vmem_shared>>
        %dma_wait3A_590 = tpu.memref_squeeze %dma_wait3A_589 : memref<1x12800xf32, #tpu.memory_space<vmem_shared>> -> memref<12800xf32, #tpu.memory_space<vmem_shared>>
        tpu.wait_dma2 semaphore(%run_scoped3A : memref<!tpu.dma_semaphore, #tpu.memory_space<semaphore_mem>>) src(%arg9 : memref<12800xf32, #tpu.memory_space<vmem>>) dst(%dma_wait3A_590 : memref<12800xf32, #tpu.memory_space<vmem_shared>>)
        tpu.yield
      }) : () -> ()
      %barrier3A = arith.constant 0 : index
      tpu.barrier barrier_id(%barrier3A)
      %mul3A_29 = arith.constant 256 : i32
      %mul3A_30 = arith.muli %arg1, %mul3A_29 : i32
      %add3A = arith.constant 0 : i32
      %add3A_31 = arith.addi %add3A, %mul3A_30 : i32
      %mul3A_32 = arith.constant 256 : i32
      %mul3A_33 = arith.muli %arg1, %mul3A_32 : i32
      %add3A_34 = arith.constant 4096 : i32
      %add3A_35 = arith.addi %add3A_34, %mul3A_33 : i32
      %mul3A_36 = arith.constant 256 : i32
      %mul3A_37 = arith.muli %arg1, %mul3A_36 : i32
      %add3A_38 = arith.constant 8192 : i32
      %add3A_39 = arith.addi %add3A_38, %mul3A_37 : i32
      %mul3A_40 = arith.constant 32 : i32
      %mul3A_41 = arith.muli %arg1, %mul3A_40 : i32
      %add3A_42 = arith.constant 12288 : i32
      %add3A_43 = arith.addi %add3A_42, %mul3A_41 : i32
      %dma_start3A_44 = arith.constant 0 : i32
      %dma_start3A_45 = tpu.memref_slice %arg24[%dma_start3A_44, %add3A_31] : memref<16x12800xf32, #tpu.memory_space<vmem_shared>> -> memref<16x256xf32, #tpu.memory_space<vmem_shared>>
      %dma_start3A_46 = arith.constant 0 : i32
      %dma_start3A_47 = tpu.memref_slice %arg24[%dma_start3A_46, %add3A_31] : memref<16x12800xf32, #tpu.memory_space<vmem_shared>> -> memref<16x256xf32, #tpu.memory_space<vmem_shared>>
      tpu.enqueue_dma source(%dma_start3A_47 : memref<16x256xf32, #tpu.memory_space<vmem_shared>>) target(%arg10 : memref<16x256xf32, #tpu.memory_space<vmem>>) target_semaphore(%arg31 : memref<!tpu.dma_semaphore, #tpu.memory_space<semaphore_mem>>)
      %dma_start3A_48 = arith.constant 0 : i32
      %dma_start3A_49 = tpu.memref_slice %arg24[%dma_start3A_48, %add3A_35] : memref<16x12800xf32, #tpu.memory_space<vmem_shared>> -> memref<16x256xf32, #tpu.memory_space<vmem_shared>>
      %dma_start3A_50 = arith.constant 0 : i32
      %dma_start3A_51 = tpu.memref_slice %arg24[%dma_start3A_50, %add3A_35] : memref<16x12800xf32, #tpu.memory_space<vmem_shared>> -> memref<16x256xf32, #tpu.memory_space<vmem_shared>>
      tpu.enqueue_dma source(%dma_start3A_51 : memref<16x256xf32, #tpu.memory_space<vmem_shared>>) target(%arg11 : memref<16x256xf32, #tpu.memory_space<vmem>>) target_semaphore(%arg31 : memref<!tpu.dma_semaphore, #tpu.memory_space<semaphore_mem>>)
      %dma_start3A_52 = arith.constant 0 : i32
      %dma_start3A_53 = tpu.memref_slice %arg24[%dma_start3A_52, %add3A_39] : memref<16x12800xf32, #tpu.memory_space<vmem_shared>> -> memref<16x256xf32, #tpu.memory_space<vmem_shared>>
      %dma_start3A_54 = arith.constant 0 : i32
      %dma_start3A_55 = tpu.memref_slice %arg24[%dma_start3A_54, %add3A_39] : memref<16x12800xf32, #tpu.memory_space<vmem_shared>> -> memref<16x256xf32, #tpu.memory_space<vmem_shared>>
      tpu.enqueue_dma source(%dma_start3A_55 : memref<16x256xf32, #tpu.memory_space<vmem_shared>>) target(%arg12 : memref<16x256xf32, #tpu.memory_space<vmem>>) target_semaphore(%arg31 : memref<!tpu.dma_semaphore, #tpu.memory_space<semaphore_mem>>)
      %dma_start3A_56 = arith.constant 0 : i32
      %dma_start3A_57 = tpu.memref_slice %arg24[%dma_start3A_56, %add3A_43] : memref<16x12800xf32, #tpu.memory_space<vmem_shared>> -> memref<16x32xf32, #tpu.memory_space<vmem_shared>>
      %dma_start3A_58 = arith.constant 0 : i32
      %dma_start3A_59 = tpu.memref_slice %arg24[%dma_start3A_58, %add3A_43] : memref<16x12800xf32, #tpu.memory_space<vmem_shared>> -> memref<16x32xf32, #tpu.memory_space<vmem_shared>>
      tpu.enqueue_dma source(%dma_start3A_59 : memref<16x32xf32, #tpu.memory_space<vmem_shared>>) target(%arg13 : memref<16x32xf32, #tpu.memory_space<vmem>>) target_semaphore(%arg31 : memref<!tpu.dma_semaphore, #tpu.memory_space<semaphore_mem>>)
      %dma_wait3A_60 = arith.constant 0 : i32
      %dma_wait3A_61 = tpu.memref_slice %arg24[%dma_wait3A_60, %add3A_31] : memref<16x12800xf32, #tpu.memory_space<vmem_shared>> -> memref<16x256xf32, #tpu.memory_space<vmem_shared>>
      %dma_wait3A_62 = arith.constant 0 : i32
      %dma_wait3A_63 = tpu.memref_slice %arg24[%dma_wait3A_62, %add3A_31] : memref<16x12800xf32, #tpu.memory_space<vmem_shared>> -> memref<16x256xf32, #tpu.memory_space<vmem_shared>>
      tpu.wait_dma2 semaphore(%arg31 : memref<!tpu.dma_semaphore, #tpu.memory_space<semaphore_mem>>) src(%dma_wait3A_63 : memref<16x256xf32, #tpu.memory_space<vmem_shared>>) dst(%arg10 : memref<16x256xf32, #tpu.memory_space<vmem>>)
      %dma_wait3A_64 = arith.constant 0 : i32
      %dma_wait3A_65 = tpu.memref_slice %arg24[%dma_wait3A_64, %add3A_35] : memref<16x12800xf32, #tpu.memory_space<vmem_shared>> -> memref<16x256xf32, #tpu.memory_space<vmem_shared>>
      %dma_wait3A_66 = arith.constant 0 : i32
      %dma_wait3A_67 = tpu.memref_slice %arg24[%dma_wait3A_66, %add3A_35] : memref<16x12800xf32, #tpu.memory_space<vmem_shared>> -> memref<16x256xf32, #tpu.memory_space<vmem_shared>>
      tpu.wait_dma2 semaphore(%arg31 : memref<!tpu.dma_semaphore, #tpu.memory_space<semaphore_mem>>) src(%dma_wait3A_67 : memref<16x256xf32, #tpu.memory_space<vmem_shared>>) dst(%arg11 : memref<16x256xf32, #tpu.memory_space<vmem>>)
      %dma_wait3A_68 = arith.constant 0 : i32
      %dma_wait3A_69 = tpu.memref_slice %arg24[%dma_wait3A_68, %add3A_39] : memref<16x12800xf32, #tpu.memory_space<vmem_shared>> -> memref<16x256xf32, #tpu.memory_space<vmem_shared>>
      %dma_wait3A_70 = arith.constant 0 : i32
      %dma_wait3A_71 = tpu.memref_slice %arg24[%dma_wait3A_70, %add3A_39] : memref<16x12800xf32, #tpu.memory_space<vmem_shared>> -> memref<16x256xf32, #tpu.memory_space<vmem_shared>>
      tpu.wait_dma2 semaphore(%arg31 : memref<!tpu.dma_semaphore, #tpu.memory_space<semaphore_mem>>) src(%dma_wait3A_71 : memref<16x256xf32, #tpu.memory_space<vmem_shared>>) dst(%arg12 : memref<16x256xf32, #tpu.memory_space<vmem>>)
      %dma_wait3A_72 = arith.constant 0 : i32
      %dma_wait3A_73 = tpu.memref_slice %arg24[%dma_wait3A_72, %add3A_43] : memref<16x12800xf32, #tpu.memory_space<vmem_shared>> -> memref<16x32xf32, #tpu.memory_space<vmem_shared>>
      %dma_wait3A_74 = arith.constant 0 : i32
      %dma_wait3A_75 = tpu.memref_slice %arg24[%dma_wait3A_74, %add3A_43] : memref<16x12800xf32, #tpu.memory_space<vmem_shared>> -> memref<16x32xf32, #tpu.memory_space<vmem_shared>>
      tpu.wait_dma2 semaphore(%arg31 : memref<!tpu.dma_semaphore, #tpu.memory_space<semaphore_mem>>) src(%dma_wait3A_75 : memref<16x32xf32, #tpu.memory_space<vmem_shared>>) dst(%arg13 : memref<16x32xf32, #tpu.memory_space<vmem>>)
      %scan3A_76 = arith.constant 0 : i32
      %scan3A_77 = arith.constant 0 : i32
      %scan3A_78 = arith.constant 16 : i32
      %scan3A_79 = arith.addi %scan3A_77, %scan3A_78 : i32
      %scan3A_80 = arith.constant 1 : i32
      %scan3A_81 = scf.for %scan3A_579 = %scan3A_77 to %scan3A_79 step %scan3A_80 iter_args(%scan3A_580 = %scan3A_76) -> (i32)  : i32 {
        %mul3A_581 = arith.constant 16 : i32
        %mul3A_582 = arith.muli %scan3A_579, %mul3A_581 : i32
        %get3A_583 = arith.constant 0 : i32
        %get3A_584 = arith.index_cast %get3A_583 : i32 to index
        %get3A_585 = arith.index_cast %mul3A_582 : i32 to index
        %get3A_586 = tpu.vector_load %arg10[%get3A_584, %get3A_585] {strides = array<i32>} : memref<16x256xf32, #tpu.memory_space<vmem>>, vector<16xf32>,
        %get3A_587 = arith.constant 1 : i32
        %get3A_588 = arith.index_cast %get3A_587 : i32 to index
        %get3A_589 = arith.index_cast %mul3A_582 : i32 to index
        %get3A_590 = tpu.vector_load %arg10[%get3A_588, %get3A_589] {strides = array<i32>} : memref<16x256xf32, #tpu.memory_space<vmem>>, vector<16xf32>,
        %add3A_591 = arith.addf %get3A_586, %get3A_590 : vector<16xf32>
        %get3A_592 = arith.constant 2 : i32
        %get3A_593 = arith.index_cast %get3A_592 : i32 to index
        %get3A_594 = arith.index_cast %mul3A_582 : i32 to index
        %get3A_595 = tpu.vector_load %arg10[%get3A_593, %get3A_594] {strides = array<i32>} : memref<16x256xf32, #tpu.memory_space<vmem>>, vector<16xf32>,
        %add3A_596 = arith.addf %add3A_591, %get3A_595 : vector<16xf32>
        %get3A_597 = arith.constant 3 : i32
        %get3A_598 = arith.index_cast %get3A_597 : i32 to index
        %get3A_599 = arith.index_cast %mul3A_582 : i32 to index
        %get3A_600 = tpu.vector_load %arg10[%get3A_598, %get3A_599] {strides = array<i32>} : memref<16x256xf32, #tpu.memory_space<vmem>>, vector<16xf32>,
        %add3A_601 = arith.addf %add3A_596, %get3A_600 : vector<16xf32>
        %get3A_602 = arith.constant 4 : i32
        %get3A_603 = arith.index_cast %get3A_602 : i32 to index
        %get3A_604 = arith.index_cast %mul3A_582 : i32 to index
        %get3A_605 = tpu.vector_load %arg10[%get3A_603, %get3A_604] {strides = array<i32>} : memref<16x256xf32, #tpu.memory_space<vmem>>, vector<16xf32>,
        %add3A_606 = arith.addf %add3A_601, %get3A_605 : vector<16xf32>
        %get3A_607 = arith.constant 5 : i32
        %get3A_608 = arith.index_cast %get3A_607 : i32 to index
        %get3A_609 = arith.index_cast %mul3A_582 : i32 to index
        %get3A_610 = tpu.vector_load %arg10[%get3A_608, %get3A_609] {strides = array<i32>} : memref<16x256xf32, #tpu.memory_space<vmem>>, vector<16xf32>,
        %add3A_611 = arith.addf %add3A_606, %get3A_610 : vector<16xf32>
        %get3A_612 = arith.constant 6 : i32
        %get3A_613 = arith.index_cast %get3A_612 : i32 to index
        %get3A_614 = arith.index_cast %mul3A_582 : i32 to index
        %get3A_615 = tpu.vector_load %arg10[%get3A_613, %get3A_614] {strides = array<i32>} : memref<16x256xf32, #tpu.memory_space<vmem>>, vector<16xf32>,
        %add3A_616 = arith.addf %add3A_611, %get3A_615 : vector<16xf32>
        %get3A_617 = arith.constant 7 : i32
        %get3A_618 = arith.index_cast %get3A_617 : i32 to index
        %get3A_619 = arith.index_cast %mul3A_582 : i32 to index
        %get3A_620 = tpu.vector_load %arg10[%get3A_618, %get3A_619] {strides = array<i32>} : memref<16x256xf32, #tpu.memory_space<vmem>>, vector<16xf32>,
        %add3A_621 = arith.addf %add3A_616, %get3A_620 : vector<16xf32>
        %get3A_622 = arith.constant 8 : i32
        %get3A_623 = arith.index_cast %get3A_622 : i32 to index
        %get3A_624 = arith.index_cast %mul3A_582 : i32 to index
        %get3A_625 = tpu.vector_load %arg10[%get3A_623, %get3A_624] {strides = array<i32>} : memref<16x256xf32, #tpu.memory_space<vmem>>, vector<16xf32>,
        %add3A_626 = arith.addf %add3A_621, %get3A_625 : vector<16xf32>
        %get3A_627 = arith.constant 9 : i32
        %get3A_628 = arith.index_cast %get3A_627 : i32 to index
        %get3A_629 = arith.index_cast %mul3A_582 : i32 to index
        %get3A_630 = tpu.vector_load %arg10[%get3A_628, %get3A_629] {strides = array<i32>} : memref<16x256xf32, #tpu.memory_space<vmem>>, vector<16xf32>,
        %add3A_631 = arith.addf %add3A_626, %get3A_630 : vector<16xf32>
        %get3A_632 = arith.constant 10 : i32
        %get3A_633 = arith.index_cast %get3A_632 : i32 to index
        %get3A_634 = arith.index_cast %mul3A_582 : i32 to index
        %get3A_635 = tpu.vector_load %arg10[%get3A_633, %get3A_634] {strides = array<i32>} : memref<16x256xf32, #tpu.memory_space<vmem>>, vector<16xf32>,
        %add3A_636 = arith.addf %add3A_631, %get3A_635 : vector<16xf32>
        %get3A_637 = arith.constant 11 : i32
        %get3A_638 = arith.index_cast %get3A_637 : i32 to index
        %get3A_639 = arith.index_cast %mul3A_582 : i32 to index
        %get3A_640 = tpu.vector_load %arg10[%get3A_638, %get3A_639] {strides = array<i32>} : memref<16x256xf32, #tpu.memory_space<vmem>>, vector<16xf32>,
        %add3A_641 = arith.addf %add3A_636, %get3A_640 : vector<16xf32>
        %get3A_642 = arith.constant 12 : i32
        %get3A_643 = arith.index_cast %get3A_642 : i32 to index
        %get3A_644 = arith.index_cast %mul3A_582 : i32 to index
        %get3A_645 = tpu.vector_load %arg10[%get3A_643, %get3A_644] {strides = array<i32>} : memref<16x256xf32, #tpu.memory_space<vmem>>, vector<16xf32>,
        %add3A_646 = arith.addf %add3A_641, %get3A_645 : vector<16xf32>
        %get3A_647 = arith.constant 13 : i32
        %get3A_648 = arith.index_cast %get3A_647 : i32 to index
        %get3A_649 = arith.index_cast %mul3A_582 : i32 to index
        %get3A_650 = tpu.vector_load %arg10[%get3A_648, %get3A_649] {strides = array<i32>} : memref<16x256xf32, #tpu.memory_space<vmem>>, vector<16xf32>,
        %add3A_651 = arith.addf %add3A_646, %get3A_650 : vector<16xf32>
        %get3A_652 = arith.constant 14 : i32
        %get3A_653 = arith.index_cast %get3A_652 : i32 to index
        %get3A_654 = arith.index_cast %mul3A_582 : i32 to index
        %get3A_655 = tpu.vector_load %arg10[%get3A_653, %get3A_654] {strides = array<i32>} : memref<16x256xf32, #tpu.memory_space<vmem>>, vector<16xf32>,
        %add3A_656 = arith.addf %add3A_651, %get3A_655 : vector<16xf32>
        %get3A_657 = arith.constant 15 : i32
        %get3A_658 = arith.index_cast %get3A_657 : i32 to index
        %get3A_659 = arith.index_cast %mul3A_582 : i32 to index
        %get3A_660 = tpu.vector_load %arg10[%get3A_658, %get3A_659] {strides = array<i32>} : memref<16x256xf32, #tpu.memory_space<vmem>>, vector<16xf32>,
        %add3A_661 = arith.addf %add3A_656, %get3A_660 : vector<16xf32>
        %swap3A_662 = arith.index_cast %mul3A_582 : i32 to index
        %swap3A_663 = tpu.vector_load %arg14[%swap3A_662] {strides = array<i32>} : memref<256xf32, #tpu.memory_space<vmem>>, vector<16xf32>,
        tpu.vector_store %arg14[%swap3A_662], %add3A_661 {strides = array<i32>} : memref<256xf32, #tpu.memory_space<vmem>>, vector<16xf32>,
        %scan3A_664 = arith.constant 0 : i32
        scf.yield %scan3A_664 : i32
      }
      %scan3A_82 = arith.constant 16 : i32
      %scan3A_83 = arith.constant 0 : i32
      %scan3A_84 = arith.constant 0 : i32
      %scan3A_85 = arith.constant 16 : i32
      %scan3A_86 = arith.addi %scan3A_84, %scan3A_85 : i32
      %scan3A_87 = arith.constant 1 : i32
      %scan3A_88 = scf.for %scan3A_579 = %scan3A_84 to %scan3A_86 step %scan3A_87 iter_args(%scan3A_580 = %scan3A_83) -> (i32)  : i32 {
        %mul3A_581 = arith.constant 16 : i32
        %mul3A_582 = arith.muli %scan3A_579, %mul3A_581 : i32
        %get3A_583 = arith.constant 0 : i32
        %get3A_584 = arith.index_cast %get3A_583 : i32 to index
        %get3A_585 = arith.index_cast %mul3A_582 : i32 to index
        %get3A_586 = tpu.vector_load %arg11[%get3A_584, %get3A_585] {strides = array<i32>} : memref<16x256xf32, #tpu.memory_space<vmem>>, vector<16xf32>,
        %get3A_587 = arith.constant 1 : i32
        %get3A_588 = arith.index_cast %get3A_587 : i32 to index
        %get3A_589 = arith.index_cast %mul3A_582 : i32 to index
        %get3A_590 = tpu.vector_load %arg11[%get3A_588, %get3A_589] {strides = array<i32>} : memref<16x256xf32, #tpu.memory_space<vmem>>, vector<16xf32>,
        %add3A_591 = arith.addf %get3A_586, %get3A_590 : vector<16xf32>
        %get3A_592 = arith.constant 2 : i32
        %get3A_593 = arith.index_cast %get3A_592 : i32 to index
        %get3A_594 = arith.index_cast %mul3A_582 : i32 to index
        %get3A_595 = tpu.vector_load %arg11[%get3A_593, %get3A_594] {strides = array<i32>} : memref<16x256xf32, #tpu.memory_space<vmem>>, vector<16xf32>,
        %add3A_596 = arith.addf %add3A_591, %get3A_595 : vector<16xf32>
        %get3A_597 = arith.constant 3 : i32
        %get3A_598 = arith.index_cast %get3A_597 : i32 to index
        %get3A_599 = arith.index_cast %mul3A_582 : i32 to index
        %get3A_600 = tpu.vector_load %arg11[%get3A_598, %get3A_599] {strides = array<i32>} : memref<16x256xf32, #tpu.memory_space<vmem>>, vector<16xf32>,
        %add3A_601 = arith.addf %add3A_596, %get3A_600 : vector<16xf32>
        %get3A_602 = arith.constant 4 : i32
        %get3A_603 = arith.index_cast %get3A_602 : i32 to index
        %get3A_604 = arith.index_cast %mul3A_582 : i32 to index
        %get3A_605 = tpu.vector_load %arg11[%get3A_603, %get3A_604] {strides = array<i32>} : memref<16x256xf32, #tpu.memory_space<vmem>>, vector<16xf32>,
        %add3A_606 = arith.addf %add3A_601, %get3A_605 : vector<16xf32>
        %get3A_607 = arith.constant 5 : i32
        %get3A_608 = arith.index_cast %get3A_607 : i32 to index
        %get3A_609 = arith.index_cast %mul3A_582 : i32 to index
        %get3A_610 = tpu.vector_load %arg11[%get3A_608, %get3A_609] {strides = array<i32>} : memref<16x256xf32, #tpu.memory_space<vmem>>, vector<16xf32>,
        %add3A_611 = arith.addf %add3A_606, %get3A_610 : vector<16xf32>
        %get3A_612 = arith.constant 6 : i32
        %get3A_613 = arith.index_cast %get3A_612 : i32 to index
        %get3A_614 = arith.index_cast %mul3A_582 : i32 to index
        %get3A_615 = tpu.vector_load %arg11[%get3A_613, %get3A_614] {strides = array<i32>} : memref<16x256xf32, #tpu.memory_space<vmem>>, vector<16xf32>,
        %add3A_616 = arith.addf %add3A_611, %get3A_615 : vector<16xf32>
        %get3A_617 = arith.constant 7 : i32
        %get3A_618 = arith.index_cast %get3A_617 : i32 to index
        %get3A_619 = arith.index_cast %mul3A_582 : i32 to index
        %get3A_620 = tpu.vector_load %arg11[%get3A_618, %get3A_619] {strides = array<i32>} : memref<16x256xf32, #tpu.memory_space<vmem>>, vector<16xf32>,
        %add3A_621 = arith.addf %add3A_616, %get3A_620 : vector<16xf32>
        %get3A_622 = arith.constant 8 : i32
        %get3A_623 = arith.index_cast %get3A_622 : i32 to index
        %get3A_624 = arith.index_cast %mul3A_582 : i32 to index
        %get3A_625 = tpu.vector_load %arg11[%get3A_623, %get3A_624] {strides = array<i32>} : memref<16x256xf32, #tpu.memory_space<vmem>>, vector<16xf32>,
        %add3A_626 = arith.addf %add3A_621, %get3A_625 : vector<16xf32>
        %get3A_627 = arith.constant 9 : i32
        %get3A_628 = arith.index_cast %get3A_627 : i32 to index
        %get3A_629 = arith.index_cast %mul3A_582 : i32 to index
        %get3A_630 = tpu.vector_load %arg11[%get3A_628, %get3A_629] {strides = array<i32>} : memref<16x256xf32, #tpu.memory_space<vmem>>, vector<16xf32>,
        %add3A_631 = arith.addf %add3A_626, %get3A_630 : vector<16xf32>
        %get3A_632 = arith.constant 10 : i32
        %get3A_633 = arith.index_cast %get3A_632 : i32 to index
        %get3A_634 = arith.index_cast %mul3A_582 : i32 to index
        %get3A_635 = tpu.vector_load %arg11[%get3A_633, %get3A_634] {strides = array<i32>} : memref<16x256xf32, #tpu.memory_space<vmem>>, vector<16xf32>,
        %add3A_636 = arith.addf %add3A_631, %get3A_635 : vector<16xf32>
        %get3A_637 = arith.constant 11 : i32
        %get3A_638 = arith.index_cast %get3A_637 : i32 to index
        %get3A_639 = arith.index_cast %mul3A_582 : i32 to index
        %get3A_640 = tpu.vector_load %arg11[%get3A_638, %get3A_639] {strides = array<i32>} : memref<16x256xf32, #tpu.memory_space<vmem>>, vector<16xf32>,
        %add3A_641 = arith.addf %add3A_636, %get3A_640 : vector<16xf32>
        %get3A_642 = arith.constant 12 : i32
        %get3A_643 = arith.index_cast %get3A_642 : i32 to index
        %get3A_644 = arith.index_cast %mul3A_582 : i32 to index
        %get3A_645 = tpu.vector_load %arg11[%get3A_643, %get3A_644] {strides = array<i32>} : memref<16x256xf32, #tpu.memory_space<vmem>>, vector<16xf32>,
        %add3A_646 = arith.addf %add3A_641, %get3A_645 : vector<16xf32>
        %get3A_647 = arith.constant 13 : i32
        %get3A_648 = arith.index_cast %get3A_647 : i32 to index
        %get3A_649 = arith.index_cast %mul3A_582 : i32 to index
        %get3A_650 = tpu.vector_load %arg11[%get3A_648, %get3A_649] {strides = array<i32>} : memref<16x256xf32, #tpu.memory_space<vmem>>, vector<16xf32>,
        %add3A_651 = arith.addf %add3A_646, %get3A_650 : vector<16xf32>
        %get3A_652 = arith.constant 14 : i32
        %get3A_653 = arith.index_cast %get3A_652 : i32 to index
        %get3A_654 = arith.index_cast %mul3A_582 : i32 to index
        %get3A_655 = tpu.vector_load %arg11[%get3A_653, %get3A_654] {strides = array<i32>} : memref<16x256xf32, #tpu.memory_space<vmem>>, vector<16xf32>,
        %add3A_656 = arith.addf %add3A_651, %get3A_655 : vector<16xf32>
        %get3A_657 = arith.constant 15 : i32
        %get3A_658 = arith.index_cast %get3A_657 : i32 to index
        %get3A_659 = arith.index_cast %mul3A_582 : i32 to index
        %get3A_660 = tpu.vector_load %arg11[%get3A_658, %get3A_659] {strides = array<i32>} : memref<16x256xf32, #tpu.memory_space<vmem>>, vector<16xf32>,
        %add3A_661 = arith.addf %add3A_656, %get3A_660 : vector<16xf32>
        %swap3A_662 = arith.index_cast %mul3A_582 : i32 to index
        %swap3A_663 = tpu.vector_load %arg15[%swap3A_662] {strides = array<i32>} : memref<256xf32, #tpu.memory_space<vmem>>, vector<16xf32>,
        tpu.vector_store %arg15[%swap3A_662], %add3A_661 {strides = array<i32>} : memref<256xf32, #tpu.memory_space<vmem>>, vector<16xf32>,
        %scan3A_664 = arith.constant 0 : i32
        scf.yield %scan3A_664 : i32
      }
      %scan3A_89 = arith.constant 16 : i32
      %scan3A_90 = arith.constant 0 : i32
      %scan3A_91 = arith.constant 0 : i32
      %scan3A_92 = arith.constant 16 : i32
      %scan3A_93 = arith.addi %scan3A_91, %scan3A_92 : i32
      %scan3A_94 = arith.constant 1 : i32
      %scan3A_95 = scf.for %scan3A_579 = %scan3A_91 to %scan3A_93 step %scan3A_94 iter_args(%scan3A_580 = %scan3A_90) -> (i32)  : i32 {
        %mul3A_581 = arith.constant 16 : i32
        %mul3A_582 = arith.muli %scan3A_579, %mul3A_581 : i32
        %get3A_583 = arith.constant 0 : i32
        %get3A_584 = arith.index_cast %get3A_583 : i32 to index
        %get3A_585 = arith.index_cast %mul3A_582 : i32 to index
        %get3A_586 = tpu.vector_load %arg12[%get3A_584, %get3A_585] {strides = array<i32>} : memref<16x256xf32, #tpu.memory_space<vmem>>, vector<16xf32>,
        %get3A_587 = arith.constant 1 : i32
        %get3A_588 = arith.index_cast %get3A_587 : i32 to index
        %get3A_589 = arith.index_cast %mul3A_582 : i32 to index
        %get3A_590 = tpu.vector_load %arg12[%get3A_588, %get3A_589] {strides = array<i32>} : memref<16x256xf32, #tpu.memory_space<vmem>>, vector<16xf32>,
        %add3A_591 = arith.addf %get3A_586, %get3A_590 : vector<16xf32>
        %get3A_592 = arith.constant 2 : i32
        %get3A_593 = arith.index_cast %get3A_592 : i32 to index
        %get3A_594 = arith.index_cast %mul3A_582 : i32 to index
        %get3A_595 = tpu.vector_load %arg12[%get3A_593, %get3A_594] {strides = array<i32>} : memref<16x256xf32, #tpu.memory_space<vmem>>, vector<16xf32>,
        %add3A_596 = arith.addf %add3A_591, %get3A_595 : vector<16xf32>
        %get3A_597 = arith.constant 3 : i32
        %get3A_598 = arith.index_cast %get3A_597 : i32 to index
        %get3A_599 = arith.index_cast %mul3A_582 : i32 to index
        %get3A_600 = tpu.vector_load %arg12[%get3A_598, %get3A_599] {strides = array<i32>} : memref<16x256xf32, #tpu.memory_space<vmem>>, vector<16xf32>,
        %add3A_601 = arith.addf %add3A_596, %get3A_600 : vector<16xf32>
        %get3A_602 = arith.constant 4 : i32
        %get3A_603 = arith.index_cast %get3A_602 : i32 to index
        %get3A_604 = arith.index_cast %mul3A_582 : i32 to index
        %get3A_605 = tpu.vector_load %arg12[%get3A_603, %get3A_604] {strides = array<i32>} : memref<16x256xf32, #tpu.memory_space<vmem>>, vector<16xf32>,
        %add3A_606 = arith.addf %add3A_601, %get3A_605 : vector<16xf32>
        %get3A_607 = arith.constant 5 : i32
        %get3A_608 = arith.index_cast %get3A_607 : i32 to index
        %get3A_609 = arith.index_cast %mul3A_582 : i32 to index
        %get3A_610 = tpu.vector_load %arg12[%get3A_608, %get3A_609] {strides = array<i32>} : memref<16x256xf32, #tpu.memory_space<vmem>>, vector<16xf32>,
        %add3A_611 = arith.addf %add3A_606, %get3A_610 : vector<16xf32>
        %get3A_612 = arith.constant 6 : i32
        %get3A_613 = arith.index_cast %get3A_612 : i32 to index
        %get3A_614 = arith.index_cast %mul3A_582 : i32 to index
        %get3A_615 = tpu.vector_load %arg12[%get3A_613, %get3A_614] {strides = array<i32>} : memref<16x256xf32, #tpu.memory_space<vmem>>, vector<16xf32>,
        %add3A_616 = arith.addf %add3A_611, %get3A_615 : vector<16xf32>
        %get3A_617 = arith.constant 7 : i32
        %get3A_618 = arith.index_cast %get3A_617 : i32 to index
        %get3A_619 = arith.index_cast %mul3A_582 : i32 to index
        %get3A_620 = tpu.vector_load %arg12[%get3A_618, %get3A_619] {strides = array<i32>} : memref<16x256xf32, #tpu.memory_space<vmem>>, vector<16xf32>,
        %add3A_621 = arith.addf %add3A_616, %get3A_620 : vector<16xf32>
        %get3A_622 = arith.constant 8 : i32
        %get3A_623 = arith.index_cast %get3A_622 : i32 to index
        %get3A_624 = arith.index_cast %mul3A_582 : i32 to index
        %get3A_625 = tpu.vector_load %arg12[%get3A_623, %get3A_624] {strides = array<i32>} : memref<16x256xf32, #tpu.memory_space<vmem>>, vector<16xf32>,
        %add3A_626 = arith.addf %add3A_621, %get3A_625 : vector<16xf32>
        %get3A_627 = arith.constant 9 : i32
        %get3A_628 = arith.index_cast %get3A_627 : i32 to index
        %get3A_629 = arith.index_cast %mul3A_582 : i32 to index
        %get3A_630 = tpu.vector_load %arg12[%get3A_628, %get3A_629] {strides = array<i32>} : memref<16x256xf32, #tpu.memory_space<vmem>>, vector<16xf32>,
        %add3A_631 = arith.addf %add3A_626, %get3A_630 : vector<16xf32>
        %get3A_632 = arith.constant 10 : i32
        %get3A_633 = arith.index_cast %get3A_632 : i32 to index
        %get3A_634 = arith.index_cast %mul3A_582 : i32 to index
        %get3A_635 = tpu.vector_load %arg12[%get3A_633, %get3A_634] {strides = array<i32>} : memref<16x256xf32, #tpu.memory_space<vmem>>, vector<16xf32>,
        %add3A_636 = arith.addf %add3A_631, %get3A_635 : vector<16xf32>
        %get3A_637 = arith.constant 11 : i32
        %get3A_638 = arith.index_cast %get3A_637 : i32 to index
        %get3A_639 = arith.index_cast %mul3A_582 : i32 to index
        %get3A_640 = tpu.vector_load %arg12[%get3A_638, %get3A_639] {strides = array<i32>} : memref<16x256xf32, #tpu.memory_space<vmem>>, vector<16xf32>,
        %add3A_641 = arith.addf %add3A_636, %get3A_640 : vector<16xf32>
        %get3A_642 = arith.constant 12 : i32
        %get3A_643 = arith.index_cast %get3A_642 : i32 to index
        %get3A_644 = arith.index_cast %mul3A_582 : i32 to index
        %get3A_645 = tpu.vector_load %arg12[%get3A_643, %get3A_644] {strides = array<i32>} : memref<16x256xf32, #tpu.memory_space<vmem>>, vector<16xf32>,
        %add3A_646 = arith.addf %add3A_641, %get3A_645 : vector<16xf32>
        %get3A_647 = arith.constant 13 : i32
        %get3A_648 = arith.index_cast %get3A_647 : i32 to index
        %get3A_649 = arith.index_cast %mul3A_582 : i32 to index
        %get3A_650 = tpu.vector_load %arg12[%get3A_648, %get3A_649] {strides = array<i32>} : memref<16x256xf32, #tpu.memory_space<vmem>>, vector<16xf32>,
        %add3A_651 = arith.addf %add3A_646, %get3A_650 : vector<16xf32>
        %get3A_652 = arith.constant 14 : i32
        %get3A_653 = arith.index_cast %get3A_652 : i32 to index
        %get3A_654 = arith.index_cast %mul3A_582 : i32 to index
        %get3A_655 = tpu.vector_load %arg12[%get3A_653, %get3A_654] {strides = array<i32>} : memref<16x256xf32, #tpu.memory_space<vmem>>, vector<16xf32>,
        %add3A_656 = arith.addf %add3A_651, %get3A_655 : vector<16xf32>
        %get3A_657 = arith.constant 15 : i32
        %get3A_658 = arith.index_cast %get3A_657 : i32 to index
        %get3A_659 = arith.index_cast %mul3A_582 : i32 to index
        %get3A_660 = tpu.vector_load %arg12[%get3A_658, %get3A_659] {strides = array<i32>} : memref<16x256xf32, #tpu.memory_space<vmem>>, vector<16xf32>,
        %add3A_661 = arith.addf %add3A_656, %get3A_660 : vector<16xf32>
        %swap3A_662 = arith.index_cast %mul3A_582 : i32 to index
        %swap3A_663 = tpu.vector_load %arg16[%swap3A_662] {strides = array<i32>} : memref<256xf32, #tpu.memory_space<vmem>>, vector<16xf32>,
        tpu.vector_store %arg16[%swap3A_662], %add3A_661 {strides = array<i32>} : memref<256xf32, #tpu.memory_space<vmem>>, vector<16xf32>,
        %scan3A_664 = arith.constant 0 : i32
        scf.yield %scan3A_664 : i32
      }
      %scan3A_96 = arith.constant 16 : i32
      %scan3A_97 = arith.constant 0 : i32
      %scan3A_98 = arith.constant 0 : i32
      %scan3A_99 = arith.constant 2 : i32
      %scan3A_100 = arith.addi %scan3A_98, %scan3A_99 : i32
      %scan3A_101 = arith.constant 1 : i32
      %scan3A_102 = scf.for %scan3A_579 = %scan3A_98 to %scan3A_100 step %scan3A_101 iter_args(%scan3A_580 = %scan3A_97) -> (i32)  : i32 {
        %mul3A_581 = arith.constant 16 : i32
        %mul3A_582 = arith.muli %scan3A_579, %mul3A_581 : i32
        %get3A_583 = arith.constant 0 : i32
        %get3A_584 = arith.index_cast %get3A_583 : i32 to index
        %get3A_585 = arith.index_cast %mul3A_582 : i32 to index
        %get3A_586 = tpu.vector_load %arg13[%get3A_584, %get3A_585] {strides = array<i32>} : memref<16x32xf32, #tpu.memory_space<vmem>>, vector<16xf32>,
        %get3A_587 = arith.constant 1 : i32
        %get3A_588 = arith.index_cast %get3A_587 : i32 to index
        %get3A_589 = arith.index_cast %mul3A_582 : i32 to index
        %get3A_590 = tpu.vector_load %arg13[%get3A_588, %get3A_589] {strides = array<i32>} : memref<16x32xf32, #tpu.memory_space<vmem>>, vector<16xf32>,
        %add3A_591 = arith.addf %get3A_586, %get3A_590 : vector<16xf32>
        %get3A_592 = arith.constant 2 : i32
        %get3A_593 = arith.index_cast %get3A_592 : i32 to index
        %get3A_594 = arith.index_cast %mul3A_582 : i32 to index
        %get3A_595 = tpu.vector_load %arg13[%get3A_593, %get3A_594] {strides = array<i32>} : memref<16x32xf32, #tpu.memory_space<vmem>>, vector<16xf32>,
        %add3A_596 = arith.addf %add3A_591, %get3A_595 : vector<16xf32>
        %get3A_597 = arith.constant 3 : i32
        %get3A_598 = arith.index_cast %get3A_597 : i32 to index
        %get3A_599 = arith.index_cast %mul3A_582 : i32 to index
        %get3A_600 = tpu.vector_load %arg13[%get3A_598, %get3A_599] {strides = array<i32>} : memref<16x32xf32, #tpu.memory_space<vmem>>, vector<16xf32>,
        %add3A_601 = arith.addf %add3A_596, %get3A_600 : vector<16xf32>
        %get3A_602 = arith.constant 4 : i32
        %get3A_603 = arith.index_cast %get3A_602 : i32 to index
        %get3A_604 = arith.index_cast %mul3A_582 : i32 to index
        %get3A_605 = tpu.vector_load %arg13[%get3A_603, %get3A_604] {strides = array<i32>} : memref<16x32xf32, #tpu.memory_space<vmem>>, vector<16xf32>,
        %add3A_606 = arith.addf %add3A_601, %get3A_605 : vector<16xf32>
        %get3A_607 = arith.constant 5 : i32
        %get3A_608 = arith.index_cast %get3A_607 : i32 to index
        %get3A_609 = arith.index_cast %mul3A_582 : i32 to index
        %get3A_610 = tpu.vector_load %arg13[%get3A_608, %get3A_609] {strides = array<i32>} : memref<16x32xf32, #tpu.memory_space<vmem>>, vector<16xf32>,
        %add3A_611 = arith.addf %add3A_606, %get3A_610 : vector<16xf32>
        %get3A_612 = arith.constant 6 : i32
        %get3A_613 = arith.index_cast %get3A_612 : i32 to index
        %get3A_614 = arith.index_cast %mul3A_582 : i32 to index
        %get3A_615 = tpu.vector_load %arg13[%get3A_613, %get3A_614] {strides = array<i32>} : memref<16x32xf32, #tpu.memory_space<vmem>>, vector<16xf32>,
        %add3A_616 = arith.addf %add3A_611, %get3A_615 : vector<16xf32>
        %get3A_617 = arith.constant 7 : i32
        %get3A_618 = arith.index_cast %get3A_617 : i32 to index
        %get3A_619 = arith.index_cast %mul3A_582 : i32 to index
        %get3A_620 = tpu.vector_load %arg13[%get3A_618, %get3A_619] {strides = array<i32>} : memref<16x32xf32, #tpu.memory_space<vmem>>, vector<16xf32>,
        %add3A_621 = arith.addf %add3A_616, %get3A_620 : vector<16xf32>
        %get3A_622 = arith.constant 8 : i32
        %get3A_623 = arith.index_cast %get3A_622 : i32 to index
        %get3A_624 = arith.index_cast %mul3A_582 : i32 to index
        %get3A_625 = tpu.vector_load %arg13[%get3A_623, %get3A_624] {strides = array<i32>} : memref<16x32xf32, #tpu.memory_space<vmem>>, vector<16xf32>,
        %add3A_626 = arith.addf %add3A_621, %get3A_625 : vector<16xf32>
        %get3A_627 = arith.constant 9 : i32
        %get3A_628 = arith.index_cast %get3A_627 : i32 to index
        %get3A_629 = arith.index_cast %mul3A_582 : i32 to index
        %get3A_630 = tpu.vector_load %arg13[%get3A_628, %get3A_629] {strides = array<i32>} : memref<16x32xf32, #tpu.memory_space<vmem>>, vector<16xf32>,
        %add3A_631 = arith.addf %add3A_626, %get3A_630 : vector<16xf32>
        %get3A_632 = arith.constant 10 : i32
        %get3A_633 = arith.index_cast %get3A_632 : i32 to index
        %get3A_634 = arith.index_cast %mul3A_582 : i32 to index
        %get3A_635 = tpu.vector_load %arg13[%get3A_633, %get3A_634] {strides = array<i32>} : memref<16x32xf32, #tpu.memory_space<vmem>>, vector<16xf32>,
        %add3A_636 = arith.addf %add3A_631, %get3A_635 : vector<16xf32>
        %get3A_637 = arith.constant 11 : i32
        %get3A_638 = arith.index_cast %get3A_637 : i32 to index
        %get3A_639 = arith.index_cast %mul3A_582 : i32 to index
        %get3A_640 = tpu.vector_load %arg13[%get3A_638, %get3A_639] {strides = array<i32>} : memref<16x32xf32, #tpu.memory_space<vmem>>, vector<16xf32>,
        %add3A_641 = arith.addf %add3A_636, %get3A_640 : vector<16xf32>
        %get3A_642 = arith.constant 12 : i32
        %get3A_643 = arith.index_cast %get3A_642 : i32 to index
        %get3A_644 = arith.index_cast %mul3A_582 : i32 to index
        %get3A_645 = tpu.vector_load %arg13[%get3A_643, %get3A_644] {strides = array<i32>} : memref<16x32xf32, #tpu.memory_space<vmem>>, vector<16xf32>,
        %add3A_646 = arith.addf %add3A_641, %get3A_645 : vector<16xf32>
        %get3A_647 = arith.constant 13 : i32
        %get3A_648 = arith.index_cast %get3A_647 : i32 to index
        %get3A_649 = arith.index_cast %mul3A_582 : i32 to index
        %get3A_650 = tpu.vector_load %arg13[%get3A_648, %get3A_649] {strides = array<i32>} : memref<16x32xf32, #tpu.memory_space<vmem>>, vector<16xf32>,
        %add3A_651 = arith.addf %add3A_646, %get3A_650 : vector<16xf32>
        %get3A_652 = arith.constant 14 : i32
        %get3A_653 = arith.index_cast %get3A_652 : i32 to index
        %get3A_654 = arith.index_cast %mul3A_582 : i32 to index
        %get3A_655 = tpu.vector_load %arg13[%get3A_653, %get3A_654] {strides = array<i32>} : memref<16x32xf32, #tpu.memory_space<vmem>>, vector<16xf32>,
        %add3A_656 = arith.addf %add3A_651, %get3A_655 : vector<16xf32>
        %get3A_657 = arith.constant 15 : i32
        %get3A_658 = arith.index_cast %get3A_657 : i32 to index
        %get3A_659 = arith.index_cast %mul3A_582 : i32 to index
        %get3A_660 = tpu.vector_load %arg13[%get3A_658, %get3A_659] {strides = array<i32>} : memref<16x32xf32, #tpu.memory_space<vmem>>, vector<16xf32>,
        %add3A_661 = arith.addf %add3A_656, %get3A_660 : vector<16xf32>
        %swap3A_662 = arith.index_cast %mul3A_582 : i32 to index
        %swap3A_663 = tpu.vector_load %arg17[%swap3A_662] {strides = array<i32>} : memref<32xf32, #tpu.memory_space<vmem>>, vector<16xf32>,
        tpu.vector_store %arg17[%swap3A_662], %add3A_661 {strides = array<i32>} : memref<32xf32, #tpu.memory_space<vmem>>, vector<16xf32>,
        %scan3A_664 = arith.constant 0 : i32
        scf.yield %scan3A_664 : i32
      }
      %scan3A_103 = arith.constant 2 : i32
      %mul3A_104 = arith.constant 32 : i32
      %mul3A_105 = arith.muli %arg1, %mul3A_104 : i32
      %dma_start3A_106 = arith.constant 0 : i32
      %dma_start3A_107 = tpu.memref_slice %arg25[%arg1, %dma_start3A_106] : memref<16x256xf32, #tpu.memory_space<vmem_shared>> -> memref<1x256xf32, #tpu.memory_space<vmem_shared>>
      %dma_start3A_108 = tpu.memref_squeeze %dma_start3A_107 : memref<1x256xf32, #tpu.memory_space<vmem_shared>> -> memref<256xf32, #tpu.memory_space<vmem_shared>>
      %dma_start3A_109 = arith.constant 0 : i32
      %dma_start3A_110 = tpu.memref_slice %arg25[%arg1, %dma_start3A_109] : memref<16x256xf32, #tpu.memory_space<vmem_shared>> -> memref<1x256xf32, #tpu.memory_space<vmem_shared>>
      %dma_start3A_111 = tpu.memref_squeeze %dma_start3A_110 : memref<1x256xf32, #tpu.memory_space<vmem_shared>> -> memref<256xf32, #tpu.memory_space<vmem_shared>>
      tpu.enqueue_dma source(%arg14 : memref<256xf32, #tpu.memory_space<vmem>>) target(%dma_start3A_111 : memref<256xf32, #tpu.memory_space<vmem_shared>>) target_semaphore(%arg31 : memref<!tpu.dma_semaphore, #tpu.memory_space<semaphore_mem>>)
      %dma_start3A_112 = arith.constant 0 : i32
      %dma_start3A_113 = tpu.memref_slice %arg26[%arg1, %dma_start3A_112] : memref<16x256xf32, #tpu.memory_space<vmem_shared>> -> memref<1x256xf32, #tpu.memory_space<vmem_shared>>
      %dma_start3A_114 = tpu.memref_squeeze %dma_start3A_113 : memref<1x256xf32, #tpu.memory_space<vmem_shared>> -> memref<256xf32, #tpu.memory_space<vmem_shared>>
      %dma_start3A_115 = arith.constant 0 : i32
      %dma_start3A_116 = tpu.memref_slice %arg26[%arg1, %dma_start3A_115] : memref<16x256xf32, #tpu.memory_space<vmem_shared>> -> memref<1x256xf32, #tpu.memory_space<vmem_shared>>
      %dma_start3A_117 = tpu.memref_squeeze %dma_start3A_116 : memref<1x256xf32, #tpu.memory_space<vmem_shared>> -> memref<256xf32, #tpu.memory_space<vmem_shared>>
      tpu.enqueue_dma source(%arg15 : memref<256xf32, #tpu.memory_space<vmem>>) target(%dma_start3A_117 : memref<256xf32, #tpu.memory_space<vmem_shared>>) target_semaphore(%arg31 : memref<!tpu.dma_semaphore, #tpu.memory_space<semaphore_mem>>)
      %dma_start3A_118 = arith.constant 0 : i32
      %dma_start3A_119 = tpu.memref_slice %arg27[%arg1, %dma_start3A_118] : memref<16x256xf32, #tpu.memory_space<vmem_shared>> -> memref<1x256xf32, #tpu.memory_space<vmem_shared>>
      %dma_start3A_120 = tpu.memref_squeeze %dma_start3A_119 : memref<1x256xf32, #tpu.memory_space<vmem_shared>> -> memref<256xf32, #tpu.memory_space<vmem_shared>>
      %dma_start3A_121 = arith.constant 0 : i32
      %dma_start3A_122 = tpu.memref_slice %arg27[%arg1, %dma_start3A_121] : memref<16x256xf32, #tpu.memory_space<vmem_shared>> -> memref<1x256xf32, #tpu.memory_space<vmem_shared>>
      %dma_start3A_123 = tpu.memref_squeeze %dma_start3A_122 : memref<1x256xf32, #tpu.memory_space<vmem_shared>> -> memref<256xf32, #tpu.memory_space<vmem_shared>>
      tpu.enqueue_dma source(%arg16 : memref<256xf32, #tpu.memory_space<vmem>>) target(%dma_start3A_123 : memref<256xf32, #tpu.memory_space<vmem_shared>>) target_semaphore(%arg31 : memref<!tpu.dma_semaphore, #tpu.memory_space<semaphore_mem>>)
      %dma_start3A_124 = tpu.memref_slice %arg28[%mul3A_105] : memref<512xf32, #tpu.memory_space<vmem_shared>> -> memref<32xf32, #tpu.memory_space<vmem_shared>>
      %dma_start3A_125 = tpu.memref_slice %arg28[%mul3A_105] : memref<512xf32, #tpu.memory_space<vmem_shared>> -> memref<32xf32, #tpu.memory_space<vmem_shared>>
      tpu.enqueue_dma source(%arg17 : memref<32xf32, #tpu.memory_space<vmem>>) target(%dma_start3A_125 : memref<32xf32, #tpu.memory_space<vmem_shared>>) target_semaphore(%arg31 : memref<!tpu.dma_semaphore, #tpu.memory_space<semaphore_mem>>)
      %dma_wait3A_126 = arith.constant 0 : i32
      %dma_wait3A_127 = tpu.memref_slice %arg25[%arg1, %dma_wait3A_126] : memref<16x256xf32, #tpu.memory_space<vmem_shared>> -> memref<1x256xf32, #tpu.memory_space<vmem_shared>>
      %dma_wait3A_128 = tpu.memref_squeeze %dma_wait3A_127 : memref<1x256xf32, #tpu.memory_space<vmem_shared>> -> memref<256xf32, #tpu.memory_space<vmem_shared>>
      %dma_wait3A_129 = arith.constant 0 : i32
      %dma_wait3A_130 = tpu.memref_slice %arg25[%arg1, %dma_wait3A_129] : memref<16x256xf32, #tpu.memory_space<vmem_shared>> -> memref<1x256xf32, #tpu.memory_space<vmem_shared>>
      %dma_wait3A_131 = tpu.memref_squeeze %dma_wait3A_130 : memref<1x256xf32, #tpu.memory_space<vmem_shared>> -> memref<256xf32, #tpu.memory_space<vmem_shared>>
      tpu.wait_dma2 semaphore(%arg31 : memref<!tpu.dma_semaphore, #tpu.memory_space<semaphore_mem>>) src(%arg14 : memref<256xf32, #tpu.memory_space<vmem>>) dst(%dma_wait3A_131 : memref<256xf32, #tpu.memory_space<vmem_shared>>)
      %dma_wait3A_132 = arith.constant 0 : i32
      %dma_wait3A_133 = tpu.memref_slice %arg26[%arg1, %dma_wait3A_132] : memref<16x256xf32, #tpu.memory_space<vmem_shared>> -> memref<1x256xf32, #tpu.memory_space<vmem_shared>>
      %dma_wait3A_134 = tpu.memref_squeeze %dma_wait3A_133 : memref<1x256xf32, #tpu.memory_space<vmem_shared>> -> memref<256xf32, #tpu.memory_space<vmem_shared>>
      %dma_wait3A_135 = arith.constant 0 : i32
      %dma_wait3A_136 = tpu.memref_slice %arg26[%arg1, %dma_wait3A_135] : memref<16x256xf32, #tpu.memory_space<vmem_shared>> -> memref<1x256xf32, #tpu.memory_space<vmem_shared>>
      %dma_wait3A_137 = tpu.memref_squeeze %dma_wait3A_136 : memref<1x256xf32, #tpu.memory_space<vmem_shared>> -> memref<256xf32, #tpu.memory_space<vmem_shared>>
      tpu.wait_dma2 semaphore(%arg31 : memref<!tpu.dma_semaphore, #tpu.memory_space<semaphore_mem>>) src(%arg15 : memref<256xf32, #tpu.memory_space<vmem>>) dst(%dma_wait3A_137 : memref<256xf32, #tpu.memory_space<vmem_shared>>)
      %dma_wait3A_138 = arith.constant 0 : i32
      %dma_wait3A_139 = tpu.memref_slice %arg27[%arg1, %dma_wait3A_138] : memref<16x256xf32, #tpu.memory_space<vmem_shared>> -> memref<1x256xf32, #tpu.memory_space<vmem_shared>>
      %dma_wait3A_140 = tpu.memref_squeeze %dma_wait3A_139 : memref<1x256xf32, #tpu.memory_space<vmem_shared>> -> memref<256xf32, #tpu.memory_space<vmem_shared>>
      %dma_wait3A_141 = arith.constant 0 : i32
      %dma_wait3A_142 = tpu.memref_slice %arg27[%arg1, %dma_wait3A_141] : memref<16x256xf32, #tpu.memory_space<vmem_shared>> -> memref<1x256xf32, #tpu.memory_space<vmem_shared>>
      %dma_wait3A_143 = tpu.memref_squeeze %dma_wait3A_142 : memref<1x256xf32, #tpu.memory_space<vmem_shared>> -> memref<256xf32, #tpu.memory_space<vmem_shared>>
      tpu.wait_dma2 semaphore(%arg31 : memref<!tpu.dma_semaphore, #tpu.memory_space<semaphore_mem>>) src(%arg16 : memref<256xf32, #tpu.memory_space<vmem>>) dst(%dma_wait3A_143 : memref<256xf32, #tpu.memory_space<vmem_shared>>)
      %dma_wait3A_144 = tpu.memref_slice %arg28[%mul3A_105] : memref<512xf32, #tpu.memory_space<vmem_shared>> -> memref<32xf32, #tpu.memory_space<vmem_shared>>
      %dma_wait3A_145 = tpu.memref_slice %arg28[%mul3A_105] : memref<512xf32, #tpu.memory_space<vmem_shared>> -> memref<32xf32, #tpu.memory_space<vmem_shared>>
      tpu.wait_dma2 semaphore(%arg31 : memref<!tpu.dma_semaphore, #tpu.memory_space<semaphore_mem>>) src(%arg17 : memref<32xf32, #tpu.memory_space<vmem>>) dst(%dma_wait3A_145 : memref<32xf32, #tpu.memory_space<vmem_shared>>)
      %barrier3A_146 = arith.constant 0 : index
      tpu.barrier barrier_id(%barrier3A_146)
      %mul3A_147 = arith.constant 16 : i32
      %mul3A_148 = arith.muli %arg1, %mul3A_147 : i32
      %dma_start3A_149 = arith.constant 0 : i32
      %dma_start3A_150 = tpu.memref_slice %arg25[%dma_start3A_149, %mul3A_148] : memref<16x256xf32, #tpu.memory_space<vmem_shared>> -> memref<16x16xf32, #tpu.memory_space<vmem_shared>>
      %dma_start3A_151 = arith.constant 0 : i32
      %dma_start3A_152 = tpu.memref_slice %arg25[%dma_start3A_151, %mul3A_148] : memref<16x256xf32, #tpu.memory_space<vmem_shared>> -> memref<16x16xf32, #tpu.memory_space<vmem_shared>>
      tpu.enqueue_dma source(%dma_start3A_152 : memref<16x16xf32, #tpu.memory_space<vmem_shared>>) target(%arg18 : memref<16x16xf32, #tpu.memory_space<vmem>>) target_semaphore(%arg31 : memref<!tpu.dma_semaphore, #tpu.memory_space<semaphore_mem>>)
      %dma_start3A_153 = arith.constant 0 : i32
      %dma_start3A_154 = tpu.memref_slice %arg26[%dma_start3A_153, %mul3A_148] : memref<16x256xf32, #tpu.memory_space<vmem_shared>> -> memref<16x16xf32, #tpu.memory_space<vmem_shared>>
      %dma_start3A_155 = arith.constant 0 : i32
      %dma_start3A_156 = tpu.memref_slice %arg26[%dma_start3A_155, %mul3A_148] : memref<16x256xf32, #tpu.memory_space<vmem_shared>> -> memref<16x16xf32, #tpu.memory_space<vmem_shared>>
      tpu.enqueue_dma source(%dma_start3A_156 : memref<16x16xf32, #tpu.memory_space<vmem_shared>>) target(%arg19 : memref<16x16xf32, #tpu.memory_space<vmem>>) target_semaphore(%arg31 : memref<!tpu.dma_semaphore, #tpu.memory_space<semaphore_mem>>)
      %dma_start3A_157 = arith.constant 0 : i32
      %dma_start3A_158 = tpu.memref_slice %arg27[%dma_start3A_157, %mul3A_148] : memref<16x256xf32, #tpu.memory_space<vmem_shared>> -> memref<16x16xf32, #tpu.memory_space<vmem_shared>>
      %dma_start3A_159 = arith.constant 0 : i32
      %dma_start3A_160 = tpu.memref_slice %arg27[%dma_start3A_159, %mul3A_148] : memref<16x256xf32, #tpu.memory_space<vmem_shared>> -> memref<16x16xf32, #tpu.memory_space<vmem_shared>>
      tpu.enqueue_dma source(%dma_start3A_160 : memref<16x16xf32, #tpu.memory_space<vmem_shared>>) target(%arg20 : memref<16x16xf32, #tpu.memory_space<vmem>>) target_semaphore(%arg31 : memref<!tpu.dma_semaphore, #tpu.memory_space<semaphore_mem>>)
      %dma_start3A_161 = tpu.memref_slice %arg28[%mul3A_148] : memref<512xf32, #tpu.memory_space<vmem_shared>> -> memref<16xf32, #tpu.memory_space<vmem_shared>>
      %dma_start3A_162 = tpu.memref_slice %arg28[%mul3A_148] : memref<512xf32, #tpu.memory_space<vmem_shared>> -> memref<16xf32, #tpu.memory_space<vmem_shared>>
      tpu.enqueue_dma source(%dma_start3A_162 : memref<16xf32, #tpu.memory_space<vmem_shared>>) target(%arg21 : memref<16xf32, #tpu.memory_space<vmem>>) target_semaphore(%arg31 : memref<!tpu.dma_semaphore, #tpu.memory_space<semaphore_mem>>)
      %dma_wait3A_163 = arith.constant 0 : i32
      %dma_wait3A_164 = tpu.memref_slice %arg25[%dma_wait3A_163, %mul3A_148] : memref<16x256xf32, #tpu.memory_space<vmem_shared>> -> memref<16x16xf32, #tpu.memory_space<vmem_shared>>
      %dma_wait3A_165 = arith.constant 0 : i32
      %dma_wait3A_166 = tpu.memref_slice %arg25[%dma_wait3A_165, %mul3A_148] : memref<16x256xf32, #tpu.memory_space<vmem_shared>> -> memref<16x16xf32, #tpu.memory_space<vmem_shared>>
      tpu.wait_dma2 semaphore(%arg31 : memref<!tpu.dma_semaphore, #tpu.memory_space<semaphore_mem>>) src(%dma_wait3A_166 : memref<16x16xf32, #tpu.memory_space<vmem_shared>>) dst(%arg18 : memref<16x16xf32, #tpu.memory_space<vmem>>)
      %dma_wait3A_167 = arith.constant 0 : i32
      %dma_wait3A_168 = tpu.memref_slice %arg26[%dma_wait3A_167, %mul3A_148] : memref<16x256xf32, #tpu.memory_space<vmem_shared>> -> memref<16x16xf32, #tpu.memory_space<vmem_shared>>
      %dma_wait3A_169 = arith.constant 0 : i32
      %dma_wait3A_170 = tpu.memref_slice %arg26[%dma_wait3A_169, %mul3A_148] : memref<16x256xf32, #tpu.memory_space<vmem_shared>> -> memref<16x16xf32, #tpu.memory_space<vmem_shared>>
      tpu.wait_dma2 semaphore(%arg31 : memref<!tpu.dma_semaphore, #tpu.memory_space<semaphore_mem>>) src(%dma_wait3A_170 : memref<16x16xf32, #tpu.memory_space<vmem_shared>>) dst(%arg19 : memref<16x16xf32, #tpu.memory_space<vmem>>)
      %dma_wait3A_171 = arith.constant 0 : i32
      %dma_wait3A_172 = tpu.memref_slice %arg27[%dma_wait3A_171, %mul3A_148] : memref<16x256xf32, #tpu.memory_space<vmem_shared>> -> memref<16x16xf32, #tpu.memory_space<vmem_shared>>
      %dma_wait3A_173 = arith.constant 0 : i32
      %dma_wait3A_174 = tpu.memref_slice %arg27[%dma_wait3A_173, %mul3A_148] : memref<16x256xf32, #tpu.memory_space<vmem_shared>> -> memref<16x16xf32, #tpu.memory_space<vmem_shared>>
      tpu.wait_dma2 semaphore(%arg31 : memref<!tpu.dma_semaphore, #tpu.memory_space<semaphore_mem>>) src(%dma_wait3A_174 : memref<16x16xf32, #tpu.memory_space<vmem_shared>>) dst(%arg20 : memref<16x16xf32, #tpu.memory_space<vmem>>)
      %dma_wait3A_175 = tpu.memref_slice %arg28[%mul3A_148] : memref<512xf32, #tpu.memory_space<vmem_shared>> -> memref<16xf32, #tpu.memory_space<vmem_shared>>
      %dma_wait3A_176 = tpu.memref_slice %arg28[%mul3A_148] : memref<512xf32, #tpu.memory_space<vmem_shared>> -> memref<16xf32, #tpu.memory_space<vmem_shared>>
      tpu.wait_dma2 semaphore(%arg31 : memref<!tpu.dma_semaphore, #tpu.memory_space<semaphore_mem>>) src(%dma_wait3A_176 : memref<16xf32, #tpu.memory_space<vmem_shared>>) dst(%arg21 : memref<16xf32, #tpu.memory_space<vmem>>)
      %broadcast_in_dim3A_177 = arith.constant 0.000000e+00 : f32
      %broadcast_in_dim3A_178 = vector.broadcast %broadcast_in_dim3A_177 : f32 to vector<16xf32>
      %broadcast_in_dim3A_179 = arith.constant 0.000000e+00 : f32
      %broadcast_in_dim3A_180 = vector.broadcast %broadcast_in_dim3A_179 : f32 to vector<16xf32>
      %get3A = arith.constant 0 : i32
      %get3A_181 = arith.index_cast %get3A : i32 to index
      %get3A_182 = arith.constant 0 : index
      %get3A_183 = tpu.vector_load %arg18[%get3A_181, %get3A_182] {strides = array<i32>} : memref<16x16xf32, #tpu.memory_space<vmem>>, vector<16xf32>,
      %get3A_184 = arith.constant 0 : i32
      %get3A_185 = arith.index_cast %get3A_184 : i32 to index
      %get3A_186 = arith.constant 0 : index
      %get3A_187 = tpu.vector_load %arg19[%get3A_185, %get3A_186] {strides = array<i32>} : memref<16x16xf32, #tpu.memory_space<vmem>>, vector<16xf32>,
      %get3A_188 = arith.constant 0 : i32
      %get3A_189 = arith.index_cast %get3A_188 : i32 to index
      %get3A_190 = arith.constant 0 : index
      %get3A_191 = tpu.vector_load %arg20[%get3A_189, %get3A_190] {strides = array<i32>} : memref<16x16xf32, #tpu.memory_space<vmem>>, vector<16xf32>,
      %add3A_192 = arith.addf %broadcast_in_dim3A_178, %get3A_183 : vector<16xf32>
      %gt3A = arith.constant 0.000000e+00 : f32
      %gt3A_193 = vector.broadcast %gt3A : f32 to vector<16xf32>
      %gt3A_194 = arith.cmpf ogt, %get3A_183, %gt3A_193 : vector<16xf32>
      %sub3A = arith.subf %get3A_187, %get3A_191 : vector<16xf32>
      %abs3A = math.absf %sub3A : vector<16xf32>
      %jit3A = arith.constant 0.000000e+00 : f32
      %broadcast_in_dim3A_195 = vector.broadcast %jit3A : f32 to vector<16xf32>
      %select_n3A = arith.select %gt3A_194, %abs3A, %broadcast_in_dim3A_195 : vector<16xi1>, vector<16xf32>
      %add3A_196 = arith.addf %broadcast_in_dim3A_180, %select_n3A : vector<16xf32>
      %get3A_197 = arith.constant 1 : i32
      %get3A_198 = arith.index_cast %get3A_197 : i32 to index
      %get3A_199 = arith.constant 0 : index
      %get3A_200 = tpu.vector_load %arg18[%get3A_198, %get3A_199] {strides = array<i32>} : memref<16x16xf32, #tpu.memory_space<vmem>>, vector<16xf32>,
      %get3A_201 = arith.constant 1 : i32
      %get3A_202 = arith.index_cast %get3A_201 : i32 to index
      %get3A_203 = arith.constant 0 : index
      %get3A_204 = tpu.vector_load %arg19[%get3A_202, %get3A_203] {strides = array<i32>} : memref<16x16xf32, #tpu.memory_space<vmem>>, vector<16xf32>,
      %get3A_205 = arith.constant 1 : i32
      %get3A_206 = arith.index_cast %get3A_205 : i32 to index
      %get3A_207 = arith.constant 0 : index
      %get3A_208 = tpu.vector_load %arg20[%get3A_206, %get3A_207] {strides = array<i32>} : memref<16x16xf32, #tpu.memory_space<vmem>>, vector<16xf32>,
      %add3A_209 = arith.addf %add3A_192, %get3A_200 : vector<16xf32>
      %gt3A_210 = arith.constant 0.000000e+00 : f32
      %gt3A_211 = vector.broadcast %gt3A_210 : f32 to vector<16xf32>
      %gt3A_212 = arith.cmpf ogt, %get3A_200, %gt3A_211 : vector<16xf32>
      %sub3A_213 = arith.subf %get3A_204, %get3A_208 : vector<16xf32>
      %abs3A_214 = math.absf %sub3A_213 : vector<16xf32>
      %jit3A_215 = arith.constant 0.000000e+00 : f32
      %broadcast_in_dim3A_216 = vector.broadcast %jit3A_215 : f32 to vector<16xf32>
      %select_n3A_217 = arith.select %gt3A_212, %abs3A_214, %broadcast_in_dim3A_216 : vector<16xi1>, vector<16xf32>
      %add3A_218 = arith.addf %add3A_196, %select_n3A_217 : vector<16xf32>
      %get3A_219 = arith.constant 2 : i32
      %get3A_220 = arith.index_cast %get3A_219 : i32 to index
      %get3A_221 = arith.constant 0 : index
      %get3A_222 = tpu.vector_load %arg18[%get3A_220, %get3A_221] {strides = array<i32>} : memref<16x16xf32, #tpu.memory_space<vmem>>, vector<16xf32>,
      %get3A_223 = arith.constant 2 : i32
      %get3A_224 = arith.index_cast %get3A_223 : i32 to index
      %get3A_225 = arith.constant 0 : index
      %get3A_226 = tpu.vector_load %arg19[%get3A_224, %get3A_225] {strides = array<i32>} : memref<16x16xf32, #tpu.memory_space<vmem>>, vector<16xf32>,
      %get3A_227 = arith.constant 2 : i32
      %get3A_228 = arith.index_cast %get3A_227 : i32 to index
      %get3A_229 = arith.constant 0 : index
      %get3A_230 = tpu.vector_load %arg20[%get3A_228, %get3A_229] {strides = array<i32>} : memref<16x16xf32, #tpu.memory_space<vmem>>, vector<16xf32>,
      %add3A_231 = arith.addf %add3A_209, %get3A_222 : vector<16xf32>
      %gt3A_232 = arith.constant 0.000000e+00 : f32
      %gt3A_233 = vector.broadcast %gt3A_232 : f32 to vector<16xf32>
      %gt3A_234 = arith.cmpf ogt, %get3A_222, %gt3A_233 : vector<16xf32>
      %sub3A_235 = arith.subf %get3A_226, %get3A_230 : vector<16xf32>
      %abs3A_236 = math.absf %sub3A_235 : vector<16xf32>
      %jit3A_237 = arith.constant 0.000000e+00 : f32
      %broadcast_in_dim3A_238 = vector.broadcast %jit3A_237 : f32 to vector<16xf32>
      %select_n3A_239 = arith.select %gt3A_234, %abs3A_236, %broadcast_in_dim3A_238 : vector<16xi1>, vector<16xf32>
      %add3A_240 = arith.addf %add3A_218, %select_n3A_239 : vector<16xf32>
      %get3A_241 = arith.constant 3 : i32
      %get3A_242 = arith.index_cast %get3A_241 : i32 to index
      %get3A_243 = arith.constant 0 : index
      %get3A_244 = tpu.vector_load %arg18[%get3A_242, %get3A_243] {strides = array<i32>} : memref<16x16xf32, #tpu.memory_space<vmem>>, vector<16xf32>,
      %get3A_245 = arith.constant 3 : i32
      %get3A_246 = arith.index_cast %get3A_245 : i32 to index
      %get3A_247 = arith.constant 0 : index
      %get3A_248 = tpu.vector_load %arg19[%get3A_246, %get3A_247] {strides = array<i32>} : memref<16x16xf32, #tpu.memory_space<vmem>>, vector<16xf32>,
      %get3A_249 = arith.constant 3 : i32
      %get3A_250 = arith.index_cast %get3A_249 : i32 to index
      %get3A_251 = arith.constant 0 : index
      %get3A_252 = tpu.vector_load %arg20[%get3A_250, %get3A_251] {strides = array<i32>} : memref<16x16xf32, #tpu.memory_space<vmem>>, vector<16xf32>,
      %add3A_253 = arith.addf %add3A_231, %get3A_244 : vector<16xf32>
      %gt3A_254 = arith.constant 0.000000e+00 : f32
      %gt3A_255 = vector.broadcast %gt3A_254 : f32 to vector<16xf32>
      %gt3A_256 = arith.cmpf ogt, %get3A_244, %gt3A_255 : vector<16xf32>
      %sub3A_257 = arith.subf %get3A_248, %get3A_252 : vector<16xf32>
      %abs3A_258 = math.absf %sub3A_257 : vector<16xf32>
      %jit3A_259 = arith.constant 0.000000e+00 : f32
      %broadcast_in_dim3A_260 = vector.broadcast %jit3A_259 : f32 to vector<16xf32>
      %select_n3A_261 = arith.select %gt3A_256, %abs3A_258, %broadcast_in_dim3A_260 : vector<16xi1>, vector<16xf32>
      %add3A_262 = arith.addf %add3A_240, %select_n3A_261 : vector<16xf32>
      %get3A_263 = arith.constant 4 : i32
      %get3A_264 = arith.index_cast %get3A_263 : i32 to index
      %get3A_265 = arith.constant 0 : index
      %get3A_266 = tpu.vector_load %arg18[%get3A_264, %get3A_265] {strides = array<i32>} : memref<16x16xf32, #tpu.memory_space<vmem>>, vector<16xf32>,
      %get3A_267 = arith.constant 4 : i32
      %get3A_268 = arith.index_cast %get3A_267 : i32 to index
      %get3A_269 = arith.constant 0 : index
      %get3A_270 = tpu.vector_load %arg19[%get3A_268, %get3A_269] {strides = array<i32>} : memref<16x16xf32, #tpu.memory_space<vmem>>, vector<16xf32>,
      %get3A_271 = arith.constant 4 : i32
      %get3A_272 = arith.index_cast %get3A_271 : i32 to index
      %get3A_273 = arith.constant 0 : index
      %get3A_274 = tpu.vector_load %arg20[%get3A_272, %get3A_273] {strides = array<i32>} : memref<16x16xf32, #tpu.memory_space<vmem>>, vector<16xf32>,
      %add3A_275 = arith.addf %add3A_253, %get3A_266 : vector<16xf32>
      %gt3A_276 = arith.constant 0.000000e+00 : f32
      %gt3A_277 = vector.broadcast %gt3A_276 : f32 to vector<16xf32>
      %gt3A_278 = arith.cmpf ogt, %get3A_266, %gt3A_277 : vector<16xf32>
      %sub3A_279 = arith.subf %get3A_270, %get3A_274 : vector<16xf32>
      %abs3A_280 = math.absf %sub3A_279 : vector<16xf32>
      %jit3A_281 = arith.constant 0.000000e+00 : f32
      %broadcast_in_dim3A_282 = vector.broadcast %jit3A_281 : f32 to vector<16xf32>
      %select_n3A_283 = arith.select %gt3A_278, %abs3A_280, %broadcast_in_dim3A_282 : vector<16xi1>, vector<16xf32>
      %add3A_284 = arith.addf %add3A_262, %select_n3A_283 : vector<16xf32>
      %get3A_285 = arith.constant 5 : i32
      %get3A_286 = arith.index_cast %get3A_285 : i32 to index
      %get3A_287 = arith.constant 0 : index
      %get3A_288 = tpu.vector_load %arg18[%get3A_286, %get3A_287] {strides = array<i32>} : memref<16x16xf32, #tpu.memory_space<vmem>>, vector<16xf32>,
      %get3A_289 = arith.constant 5 : i32
      %get3A_290 = arith.index_cast %get3A_289 : i32 to index
      %get3A_291 = arith.constant 0 : index
      %get3A_292 = tpu.vector_load %arg19[%get3A_290, %get3A_291] {strides = array<i32>} : memref<16x16xf32, #tpu.memory_space<vmem>>, vector<16xf32>,
      %get3A_293 = arith.constant 5 : i32
      %get3A_294 = arith.index_cast %get3A_293 : i32 to index
      %get3A_295 = arith.constant 0 : index
      %get3A_296 = tpu.vector_load %arg20[%get3A_294, %get3A_295] {strides = array<i32>} : memref<16x16xf32, #tpu.memory_space<vmem>>, vector<16xf32>,
      %add3A_297 = arith.addf %add3A_275, %get3A_288 : vector<16xf32>
      %gt3A_298 = arith.constant 0.000000e+00 : f32
      %gt3A_299 = vector.broadcast %gt3A_298 : f32 to vector<16xf32>
      %gt3A_300 = arith.cmpf ogt, %get3A_288, %gt3A_299 : vector<16xf32>
      %sub3A_301 = arith.subf %get3A_292, %get3A_296 : vector<16xf32>
      %abs3A_302 = math.absf %sub3A_301 : vector<16xf32>
      %jit3A_303 = arith.constant 0.000000e+00 : f32
      %broadcast_in_dim3A_304 = vector.broadcast %jit3A_303 : f32 to vector<16xf32>
      %select_n3A_305 = arith.select %gt3A_300, %abs3A_302, %broadcast_in_dim3A_304 : vector<16xi1>, vector<16xf32>
      %add3A_306 = arith.addf %add3A_284, %select_n3A_305 : vector<16xf32>
      %get3A_307 = arith.constant 6 : i32
      %get3A_308 = arith.index_cast %get3A_307 : i32 to index
      %get3A_309 = arith.constant 0 : index
      %get3A_310 = tpu.vector_load %arg18[%get3A_308, %get3A_309] {strides = array<i32>} : memref<16x16xf32, #tpu.memory_space<vmem>>, vector<16xf32>,
      %get3A_311 = arith.constant 6 : i32
      %get3A_312 = arith.index_cast %get3A_311 : i32 to index
      %get3A_313 = arith.constant 0 : index
      %get3A_314 = tpu.vector_load %arg19[%get3A_312, %get3A_313] {strides = array<i32>} : memref<16x16xf32, #tpu.memory_space<vmem>>, vector<16xf32>,
      %get3A_315 = arith.constant 6 : i32
      %get3A_316 = arith.index_cast %get3A_315 : i32 to index
      %get3A_317 = arith.constant 0 : index
      %get3A_318 = tpu.vector_load %arg20[%get3A_316, %get3A_317] {strides = array<i32>} : memref<16x16xf32, #tpu.memory_space<vmem>>, vector<16xf32>,
      %add3A_319 = arith.addf %add3A_297, %get3A_310 : vector<16xf32>
      %gt3A_320 = arith.constant 0.000000e+00 : f32
      %gt3A_321 = vector.broadcast %gt3A_320 : f32 to vector<16xf32>
      %gt3A_322 = arith.cmpf ogt, %get3A_310, %gt3A_321 : vector<16xf32>
      %sub3A_323 = arith.subf %get3A_314, %get3A_318 : vector<16xf32>
      %abs3A_324 = math.absf %sub3A_323 : vector<16xf32>
      %jit3A_325 = arith.constant 0.000000e+00 : f32
      %broadcast_in_dim3A_326 = vector.broadcast %jit3A_325 : f32 to vector<16xf32>
      %select_n3A_327 = arith.select %gt3A_322, %abs3A_324, %broadcast_in_dim3A_326 : vector<16xi1>, vector<16xf32>
      %add3A_328 = arith.addf %add3A_306, %select_n3A_327 : vector<16xf32>
      %get3A_329 = arith.constant 7 : i32
      %get3A_330 = arith.index_cast %get3A_329 : i32 to index
      %get3A_331 = arith.constant 0 : index
      %get3A_332 = tpu.vector_load %arg18[%get3A_330, %get3A_331] {strides = array<i32>} : memref<16x16xf32, #tpu.memory_space<vmem>>, vector<16xf32>,
      %get3A_333 = arith.constant 7 : i32
      %get3A_334 = arith.index_cast %get3A_333 : i32 to index
      %get3A_335 = arith.constant 0 : index
      %get3A_336 = tpu.vector_load %arg19[%get3A_334, %get3A_335] {strides = array<i32>} : memref<16x16xf32, #tpu.memory_space<vmem>>, vector<16xf32>,
      %get3A_337 = arith.constant 7 : i32
      %get3A_338 = arith.index_cast %get3A_337 : i32 to index
      %get3A_339 = arith.constant 0 : index
      %get3A_340 = tpu.vector_load %arg20[%get3A_338, %get3A_339] {strides = array<i32>} : memref<16x16xf32, #tpu.memory_space<vmem>>, vector<16xf32>,
      %add3A_341 = arith.addf %add3A_319, %get3A_332 : vector<16xf32>
      %gt3A_342 = arith.constant 0.000000e+00 : f32
      %gt3A_343 = vector.broadcast %gt3A_342 : f32 to vector<16xf32>
      %gt3A_344 = arith.cmpf ogt, %get3A_332, %gt3A_343 : vector<16xf32>
      %sub3A_345 = arith.subf %get3A_336, %get3A_340 : vector<16xf32>
      %abs3A_346 = math.absf %sub3A_345 : vector<16xf32>
      %jit3A_347 = arith.constant 0.000000e+00 : f32
      %broadcast_in_dim3A_348 = vector.broadcast %jit3A_347 : f32 to vector<16xf32>
      %select_n3A_349 = arith.select %gt3A_344, %abs3A_346, %broadcast_in_dim3A_348 : vector<16xi1>, vector<16xf32>
      %add3A_350 = arith.addf %add3A_328, %select_n3A_349 : vector<16xf32>
      %get3A_351 = arith.constant 8 : i32
      %get3A_352 = arith.index_cast %get3A_351 : i32 to index
      %get3A_353 = arith.constant 0 : index
      %get3A_354 = tpu.vector_load %arg18[%get3A_352, %get3A_353] {strides = array<i32>} : memref<16x16xf32, #tpu.memory_space<vmem>>, vector<16xf32>,
      %get3A_355 = arith.constant 8 : i32
      %get3A_356 = arith.index_cast %get3A_355 : i32 to index
      %get3A_357 = arith.constant 0 : index
      %get3A_358 = tpu.vector_load %arg19[%get3A_356, %get3A_357] {strides = array<i32>} : memref<16x16xf32, #tpu.memory_space<vmem>>, vector<16xf32>,
      %get3A_359 = arith.constant 8 : i32
      %get3A_360 = arith.index_cast %get3A_359 : i32 to index
      %get3A_361 = arith.constant 0 : index
      %get3A_362 = tpu.vector_load %arg20[%get3A_360, %get3A_361] {strides = array<i32>} : memref<16x16xf32, #tpu.memory_space<vmem>>, vector<16xf32>,
      %add3A_363 = arith.addf %add3A_341, %get3A_354 : vector<16xf32>
      %gt3A_364 = arith.constant 0.000000e+00 : f32
      %gt3A_365 = vector.broadcast %gt3A_364 : f32 to vector<16xf32>
      %gt3A_366 = arith.cmpf ogt, %get3A_354, %gt3A_365 : vector<16xf32>
      %sub3A_367 = arith.subf %get3A_358, %get3A_362 : vector<16xf32>
      %abs3A_368 = math.absf %sub3A_367 : vector<16xf32>
      %jit3A_369 = arith.constant 0.000000e+00 : f32
      %broadcast_in_dim3A_370 = vector.broadcast %jit3A_369 : f32 to vector<16xf32>
      %select_n3A_371 = arith.select %gt3A_366, %abs3A_368, %broadcast_in_dim3A_370 : vector<16xi1>, vector<16xf32>
      %add3A_372 = arith.addf %add3A_350, %select_n3A_371 : vector<16xf32>
      %get3A_373 = arith.constant 9 : i32
      %get3A_374 = arith.index_cast %get3A_373 : i32 to index
      %get3A_375 = arith.constant 0 : index
      %get3A_376 = tpu.vector_load %arg18[%get3A_374, %get3A_375] {strides = array<i32>} : memref<16x16xf32, #tpu.memory_space<vmem>>, vector<16xf32>,
      %get3A_377 = arith.constant 9 : i32
      %get3A_378 = arith.index_cast %get3A_377 : i32 to index
      %get3A_379 = arith.constant 0 : index
      %get3A_380 = tpu.vector_load %arg19[%get3A_378, %get3A_379] {strides = array<i32>} : memref<16x16xf32, #tpu.memory_space<vmem>>, vector<16xf32>,
      %get3A_381 = arith.constant 9 : i32
      %get3A_382 = arith.index_cast %get3A_381 : i32 to index
      %get3A_383 = arith.constant 0 : index
      %get3A_384 = tpu.vector_load %arg20[%get3A_382, %get3A_383] {strides = array<i32>} : memref<16x16xf32, #tpu.memory_space<vmem>>, vector<16xf32>,
      %add3A_385 = arith.addf %add3A_363, %get3A_376 : vector<16xf32>
      %gt3A_386 = arith.constant 0.000000e+00 : f32
      %gt3A_387 = vector.broadcast %gt3A_386 : f32 to vector<16xf32>
      %gt3A_388 = arith.cmpf ogt, %get3A_376, %gt3A_387 : vector<16xf32>
      %sub3A_389 = arith.subf %get3A_380, %get3A_384 : vector<16xf32>
      %abs3A_390 = math.absf %sub3A_389 : vector<16xf32>
      %jit3A_391 = arith.constant 0.000000e+00 : f32
      %broadcast_in_dim3A_392 = vector.broadcast %jit3A_391 : f32 to vector<16xf32>
      %select_n3A_393 = arith.select %gt3A_388, %abs3A_390, %broadcast_in_dim3A_392 : vector<16xi1>, vector<16xf32>
      %add3A_394 = arith.addf %add3A_372, %select_n3A_393 : vector<16xf32>
      %get3A_395 = arith.constant 10 : i32
      %get3A_396 = arith.index_cast %get3A_395 : i32 to index
      %get3A_397 = arith.constant 0 : index
      %get3A_398 = tpu.vector_load %arg18[%get3A_396, %get3A_397] {strides = array<i32>} : memref<16x16xf32, #tpu.memory_space<vmem>>, vector<16xf32>,
      %get3A_399 = arith.constant 10 : i32
      %get3A_400 = arith.index_cast %get3A_399 : i32 to index
      %get3A_401 = arith.constant 0 : index
      %get3A_402 = tpu.vector_load %arg19[%get3A_400, %get3A_401] {strides = array<i32>} : memref<16x16xf32, #tpu.memory_space<vmem>>, vector<16xf32>,
      %get3A_403 = arith.constant 10 : i32
      %get3A_404 = arith.index_cast %get3A_403 : i32 to index
      %get3A_405 = arith.constant 0 : index
      %get3A_406 = tpu.vector_load %arg20[%get3A_404, %get3A_405] {strides = array<i32>} : memref<16x16xf32, #tpu.memory_space<vmem>>, vector<16xf32>,
      %add3A_407 = arith.addf %add3A_385, %get3A_398 : vector<16xf32>
      %gt3A_408 = arith.constant 0.000000e+00 : f32
      %gt3A_409 = vector.broadcast %gt3A_408 : f32 to vector<16xf32>
      %gt3A_410 = arith.cmpf ogt, %get3A_398, %gt3A_409 : vector<16xf32>
      %sub3A_411 = arith.subf %get3A_402, %get3A_406 : vector<16xf32>
      %abs3A_412 = math.absf %sub3A_411 : vector<16xf32>
      %jit3A_413 = arith.constant 0.000000e+00 : f32
      %broadcast_in_dim3A_414 = vector.broadcast %jit3A_413 : f32 to vector<16xf32>
      %select_n3A_415 = arith.select %gt3A_410, %abs3A_412, %broadcast_in_dim3A_414 : vector<16xi1>, vector<16xf32>
      %add3A_416 = arith.addf %add3A_394, %select_n3A_415 : vector<16xf32>
      %get3A_417 = arith.constant 11 : i32
      %get3A_418 = arith.index_cast %get3A_417 : i32 to index
      %get3A_419 = arith.constant 0 : index
      %get3A_420 = tpu.vector_load %arg18[%get3A_418, %get3A_419] {strides = array<i32>} : memref<16x16xf32, #tpu.memory_space<vmem>>, vector<16xf32>,
      %get3A_421 = arith.constant 11 : i32
      %get3A_422 = arith.index_cast %get3A_421 : i32 to index
      %get3A_423 = arith.constant 0 : index
      %get3A_424 = tpu.vector_load %arg19[%get3A_422, %get3A_423] {strides = array<i32>} : memref<16x16xf32, #tpu.memory_space<vmem>>, vector<16xf32>,
      %get3A_425 = arith.constant 11 : i32
      %get3A_426 = arith.index_cast %get3A_425 : i32 to index
      %get3A_427 = arith.constant 0 : index
      %get3A_428 = tpu.vector_load %arg20[%get3A_426, %get3A_427] {strides = array<i32>} : memref<16x16xf32, #tpu.memory_space<vmem>>, vector<16xf32>,
      %add3A_429 = arith.addf %add3A_407, %get3A_420 : vector<16xf32>
      %gt3A_430 = arith.constant 0.000000e+00 : f32
      %gt3A_431 = vector.broadcast %gt3A_430 : f32 to vector<16xf32>
      %gt3A_432 = arith.cmpf ogt, %get3A_420, %gt3A_431 : vector<16xf32>
      %sub3A_433 = arith.subf %get3A_424, %get3A_428 : vector<16xf32>
      %abs3A_434 = math.absf %sub3A_433 : vector<16xf32>
      %jit3A_435 = arith.constant 0.000000e+00 : f32
      %broadcast_in_dim3A_436 = vector.broadcast %jit3A_435 : f32 to vector<16xf32>
      %select_n3A_437 = arith.select %gt3A_432, %abs3A_434, %broadcast_in_dim3A_436 : vector<16xi1>, vector<16xf32>
      %add3A_438 = arith.addf %add3A_416, %select_n3A_437 : vector<16xf32>
      %get3A_439 = arith.constant 12 : i32
      %get3A_440 = arith.index_cast %get3A_439 : i32 to index
      %get3A_441 = arith.constant 0 : index
      %get3A_442 = tpu.vector_load %arg18[%get3A_440, %get3A_441] {strides = array<i32>} : memref<16x16xf32, #tpu.memory_space<vmem>>, vector<16xf32>,
      %get3A_443 = arith.constant 12 : i32
      %get3A_444 = arith.index_cast %get3A_443 : i32 to index
      %get3A_445 = arith.constant 0 : index
      %get3A_446 = tpu.vector_load %arg19[%get3A_444, %get3A_445] {strides = array<i32>} : memref<16x16xf32, #tpu.memory_space<vmem>>, vector<16xf32>,
      %get3A_447 = arith.constant 12 : i32
      %get3A_448 = arith.index_cast %get3A_447 : i32 to index
      %get3A_449 = arith.constant 0 : index
      %get3A_450 = tpu.vector_load %arg20[%get3A_448, %get3A_449] {strides = array<i32>} : memref<16x16xf32, #tpu.memory_space<vmem>>, vector<16xf32>,
      %add3A_451 = arith.addf %add3A_429, %get3A_442 : vector<16xf32>
      %gt3A_452 = arith.constant 0.000000e+00 : f32
      %gt3A_453 = vector.broadcast %gt3A_452 : f32 to vector<16xf32>
      %gt3A_454 = arith.cmpf ogt, %get3A_442, %gt3A_453 : vector<16xf32>
      %sub3A_455 = arith.subf %get3A_446, %get3A_450 : vector<16xf32>
      %abs3A_456 = math.absf %sub3A_455 : vector<16xf32>
      %jit3A_457 = arith.constant 0.000000e+00 : f32
      %broadcast_in_dim3A_458 = vector.broadcast %jit3A_457 : f32 to vector<16xf32>
      %select_n3A_459 = arith.select %gt3A_454, %abs3A_456, %broadcast_in_dim3A_458 : vector<16xi1>, vector<16xf32>
      %add3A_460 = arith.addf %add3A_438, %select_n3A_459 : vector<16xf32>
      %get3A_461 = arith.constant 13 : i32
      %get3A_462 = arith.index_cast %get3A_461 : i32 to index
      %get3A_463 = arith.constant 0 : index
      %get3A_464 = tpu.vector_load %arg18[%get3A_462, %get3A_463] {strides = array<i32>} : memref<16x16xf32, #tpu.memory_space<vmem>>, vector<16xf32>,
      %get3A_465 = arith.constant 13 : i32
      %get3A_466 = arith.index_cast %get3A_465 : i32 to index
      %get3A_467 = arith.constant 0 : index
      %get3A_468 = tpu.vector_load %arg19[%get3A_466, %get3A_467] {strides = array<i32>} : memref<16x16xf32, #tpu.memory_space<vmem>>, vector<16xf32>,
      %get3A_469 = arith.constant 13 : i32
      %get3A_470 = arith.index_cast %get3A_469 : i32 to index
      %get3A_471 = arith.constant 0 : index
      %get3A_472 = tpu.vector_load %arg20[%get3A_470, %get3A_471] {strides = array<i32>} : memref<16x16xf32, #tpu.memory_space<vmem>>, vector<16xf32>,
      %add3A_473 = arith.addf %add3A_451, %get3A_464 : vector<16xf32>
      %gt3A_474 = arith.constant 0.000000e+00 : f32
      %gt3A_475 = vector.broadcast %gt3A_474 : f32 to vector<16xf32>
      %gt3A_476 = arith.cmpf ogt, %get3A_464, %gt3A_475 : vector<16xf32>
      %sub3A_477 = arith.subf %get3A_468, %get3A_472 : vector<16xf32>
      %abs3A_478 = math.absf %sub3A_477 : vector<16xf32>
      %jit3A_479 = arith.constant 0.000000e+00 : f32
      %broadcast_in_dim3A_480 = vector.broadcast %jit3A_479 : f32 to vector<16xf32>
      %select_n3A_481 = arith.select %gt3A_476, %abs3A_478, %broadcast_in_dim3A_480 : vector<16xi1>, vector<16xf32>
      %add3A_482 = arith.addf %add3A_460, %select_n3A_481 : vector<16xf32>
      %get3A_483 = arith.constant 14 : i32
      %get3A_484 = arith.index_cast %get3A_483 : i32 to index
      %get3A_485 = arith.constant 0 : index
      %get3A_486 = tpu.vector_load %arg18[%get3A_484, %get3A_485] {strides = array<i32>} : memref<16x16xf32, #tpu.memory_space<vmem>>, vector<16xf32>,
      %get3A_487 = arith.constant 14 : i32
      %get3A_488 = arith.index_cast %get3A_487 : i32 to index
      %get3A_489 = arith.constant 0 : index
      %get3A_490 = tpu.vector_load %arg19[%get3A_488, %get3A_489] {strides = array<i32>} : memref<16x16xf32, #tpu.memory_space<vmem>>, vector<16xf32>,
      %get3A_491 = arith.constant 14 : i32
      %get3A_492 = arith.index_cast %get3A_491 : i32 to index
      %get3A_493 = arith.constant 0 : index
      %get3A_494 = tpu.vector_load %arg20[%get3A_492, %get3A_493] {strides = array<i32>} : memref<16x16xf32, #tpu.memory_space<vmem>>, vector<16xf32>,
      %add3A_495 = arith.addf %add3A_473, %get3A_486 : vector<16xf32>
      %gt3A_496 = arith.constant 0.000000e+00 : f32
      %gt3A_497 = vector.broadcast %gt3A_496 : f32 to vector<16xf32>
      %gt3A_498 = arith.cmpf ogt, %get3A_486, %gt3A_497 : vector<16xf32>
      %sub3A_499 = arith.subf %get3A_490, %get3A_494 : vector<16xf32>
      %abs3A_500 = math.absf %sub3A_499 : vector<16xf32>
      %jit3A_501 = arith.constant 0.000000e+00 : f32
      %broadcast_in_dim3A_502 = vector.broadcast %jit3A_501 : f32 to vector<16xf32>
      %select_n3A_503 = arith.select %gt3A_498, %abs3A_500, %broadcast_in_dim3A_502 : vector<16xi1>, vector<16xf32>
      %add3A_504 = arith.addf %add3A_482, %select_n3A_503 : vector<16xf32>
      %get3A_505 = arith.constant 15 : i32
      %get3A_506 = arith.index_cast %get3A_505 : i32 to index
      %get3A_507 = arith.constant 0 : index
      %get3A_508 = tpu.vector_load %arg18[%get3A_506, %get3A_507] {strides = array<i32>} : memref<16x16xf32, #tpu.memory_space<vmem>>, vector<16xf32>,
      %get3A_509 = arith.constant 15 : i32
      %get3A_510 = arith.index_cast %get3A_509 : i32 to index
      %get3A_511 = arith.constant 0 : index
      %get3A_512 = tpu.vector_load %arg19[%get3A_510, %get3A_511] {strides = array<i32>} : memref<16x16xf32, #tpu.memory_space<vmem>>, vector<16xf32>,
      %get3A_513 = arith.constant 15 : i32
      %get3A_514 = arith.index_cast %get3A_513 : i32 to index
      %get3A_515 = arith.constant 0 : index
      %get3A_516 = tpu.vector_load %arg20[%get3A_514, %get3A_515] {strides = array<i32>} : memref<16x16xf32, #tpu.memory_space<vmem>>, vector<16xf32>,
      %add3A_517 = arith.addf %add3A_495, %get3A_508 : vector<16xf32>
      %gt3A_518 = arith.constant 0.000000e+00 : f32
      %gt3A_519 = vector.broadcast %gt3A_518 : f32 to vector<16xf32>
      %gt3A_520 = arith.cmpf ogt, %get3A_508, %gt3A_519 : vector<16xf32>
      %sub3A_521 = arith.subf %get3A_512, %get3A_516 : vector<16xf32>
      %abs3A_522 = math.absf %sub3A_521 : vector<16xf32>
      %jit3A_523 = arith.constant 0.000000e+00 : f32
      %broadcast_in_dim3A_524 = vector.broadcast %jit3A_523 : f32 to vector<16xf32>
      %select_n3A_525 = arith.select %gt3A_520, %abs3A_522, %broadcast_in_dim3A_524 : vector<16xi1>, vector<16xf32>
      %add3A_526 = arith.addf %add3A_504, %select_n3A_525 : vector<16xf32>
      %max3A = arith.constant 1.000000e+00 : f32
      %max3A_527 = vector.broadcast %max3A : f32 to vector<16xf32>
      %max3A_528 = arith.maximumf %add3A_517, %max3A_527 : vector<16xf32>
      %div3A = arith.divf %add3A_526, %max3A_528 : vector<16xf32>
      %get3A_529 = arith.constant 0 : index
      %get3A_530 = tpu.vector_load %arg21[%get3A_529] {strides = array<i32>} : memref<16xf32, #tpu.memory_space<vmem>>, vector<16xf32>,
      %gt3A_531 = arith.constant 0.000000e+00 : f32
      %gt3A_532 = vector.broadcast %gt3A_531 : f32 to vector<16xf32>
      %gt3A_533 = arith.cmpf ogt, %get3A_530, %gt3A_532 : vector<16xf32>
      %convert_element_type3A_534 = arith.extui %gt3A_533 : vector<16xi1> to vector<16xi32>
      %convert_element_type3A_535 = arith.sitofp %convert_element_type3A_534 : vector<16xi32> to vector<16xf32>
      %mul3A_536 = arith.mulf %convert_element_type3A_535, %div3A : vector<16xf32>
      %reduce_sum3A = arith.constant true
      %reduce_sum3A_537 = vector.broadcast %reduce_sum3A : i1 to vector<16xi1>
      %reduce_sum3A_538 = tpu.scan <sum>, %mul3A_536 masked %reduce_sum3A_537 : vector<16xf32>, vector<16xi1> -> vector<16xf32>
      %reduce_sum3A_539 = vector.extract %reduce_sum3A_538[15] : f32 from vector<16xf32>
      %broadcast_in_dim3A_540 = vector.broadcast %reduce_sum3A_539 : f32 to vector<16xf32>
      %swap3A = arith.constant 0 : index
      %swap3A_541 = tpu.vector_load %arg22[%swap3A] {strides = array<i32>} : memref<16xf32, #tpu.memory_space<vmem>>, vector<16xf32>,
      tpu.vector_store %arg22[%swap3A], %broadcast_in_dim3A_540 {strides = array<i32>} : memref<16xf32, #tpu.memory_space<vmem>>, vector<16xf32>,
      %reduce_sum3A_542 = arith.constant true
      %reduce_sum3A_543 = vector.broadcast %reduce_sum3A_542 : i1 to vector<16xi1>
      %reduce_sum3A_544 = tpu.scan <sum>, %convert_element_type3A_535 masked %reduce_sum3A_543 : vector<16xf32>, vector<16xi1> -> vector<16xf32>
      %reduce_sum3A_545 = vector.extract %reduce_sum3A_544[15] : f32 from vector<16xf32>
      %broadcast_in_dim3A_546 = vector.broadcast %reduce_sum3A_545 : f32 to vector<16xf32>
      %swap3A_547 = arith.constant 0 : index
      %swap3A_548 = tpu.vector_load %arg23[%swap3A_547] {strides = array<i32>} : memref<16xf32, #tpu.memory_space<vmem>>, vector<16xf32>,
      tpu.vector_store %arg23[%swap3A_547], %broadcast_in_dim3A_546 {strides = array<i32>} : memref<16xf32, #tpu.memory_space<vmem>>, vector<16xf32>,
      %dma_start3A_549 = arith.constant 0 : i32
      %dma_start3A_550 = tpu.memref_slice %arg29[%arg1, %dma_start3A_549] : memref<16x16xf32, #tpu.memory_space<vmem_shared>> -> memref<1x16xf32, #tpu.memory_space<vmem_shared>>
      %dma_start3A_551 = tpu.memref_squeeze %dma_start3A_550 : memref<1x16xf32, #tpu.memory_space<vmem_shared>> -> memref<16xf32, #tpu.memory_space<vmem_shared>>
      %dma_start3A_552 = arith.constant 0 : i32
      %dma_start3A_553 = tpu.memref_slice %arg29[%arg1, %dma_start3A_552] : memref<16x16xf32, #tpu.memory_space<vmem_shared>> -> memref<1x16xf32, #tpu.memory_space<vmem_shared>>
      %dma_start3A_554 = tpu.memref_squeeze %dma_start3A_553 : memref<1x16xf32, #tpu.memory_space<vmem_shared>> -> memref<16xf32, #tpu.memory_space<vmem_shared>>
      tpu.enqueue_dma source(%arg22 : memref<16xf32, #tpu.memory_space<vmem>>) target(%dma_start3A_554 : memref<16xf32, #tpu.memory_space<vmem_shared>>) target_semaphore(%arg31 : memref<!tpu.dma_semaphore, #tpu.memory_space<semaphore_mem>>)
      %dma_start3A_555 = arith.constant 0 : i32
      %dma_start3A_556 = tpu.memref_slice %arg30[%arg1, %dma_start3A_555] : memref<16x16xf32, #tpu.memory_space<vmem_shared>> -> memref<1x16xf32, #tpu.memory_space<vmem_shared>>
      %dma_start3A_557 = tpu.memref_squeeze %dma_start3A_556 : memref<1x16xf32, #tpu.memory_space<vmem_shared>> -> memref<16xf32, #tpu.memory_space<vmem_shared>>
      %dma_start3A_558 = arith.constant 0 : i32
      %dma_start3A_559 = tpu.memref_slice %arg30[%arg1, %dma_start3A_558] : memref<16x16xf32, #tpu.memory_space<vmem_shared>> -> memref<1x16xf32, #tpu.memory_space<vmem_shared>>
      %dma_start3A_560 = tpu.memref_squeeze %dma_start3A_559 : memref<1x16xf32, #tpu.memory_space<vmem_shared>> -> memref<16xf32, #tpu.memory_space<vmem_shared>>
      tpu.enqueue_dma source(%arg23 : memref<16xf32, #tpu.memory_space<vmem>>) target(%dma_start3A_560 : memref<16xf32, #tpu.memory_space<vmem_shared>>) target_semaphore(%arg31 : memref<!tpu.dma_semaphore, #tpu.memory_space<semaphore_mem>>)
      %dma_wait3A_561 = arith.constant 0 : i32
      %dma_wait3A_562 = tpu.memref_slice %arg29[%arg1, %dma_wait3A_561] : memref<16x16xf32, #tpu.memory_space<vmem_shared>> -> memref<1x16xf32, #tpu.memory_space<vmem_shared>>
      %dma_wait3A_563 = tpu.memref_squeeze %dma_wait3A_562 : memref<1x16xf32, #tpu.memory_space<vmem_shared>> -> memref<16xf32, #tpu.memory_space<vmem_shared>>
      %dma_wait3A_564 = arith.constant 0 : i32
      %dma_wait3A_565 = tpu.memref_slice %arg29[%arg1, %dma_wait3A_564] : memref<16x16xf32, #tpu.memory_space<vmem_shared>> -> memref<1x16xf32, #tpu.memory_space<vmem_shared>>
      %dma_wait3A_566 = tpu.memref_squeeze %dma_wait3A_565 : memref<1x16xf32, #tpu.memory_space<vmem_shared>> -> memref<16xf32, #tpu.memory_space<vmem_shared>>
      tpu.wait_dma2 semaphore(%arg31 : memref<!tpu.dma_semaphore, #tpu.memory_space<semaphore_mem>>) src(%arg22 : memref<16xf32, #tpu.memory_space<vmem>>) dst(%dma_wait3A_566 : memref<16xf32, #tpu.memory_space<vmem_shared>>)
      %dma_wait3A_567 = arith.constant 0 : i32
      %dma_wait3A_568 = tpu.memref_slice %arg30[%arg1, %dma_wait3A_567] : memref<16x16xf32, #tpu.memory_space<vmem_shared>> -> memref<1x16xf32, #tpu.memory_space<vmem_shared>>
      %dma_wait3A_569 = tpu.memref_squeeze %dma_wait3A_568 : memref<1x16xf32, #tpu.memory_space<vmem_shared>> -> memref<16xf32, #tpu.memory_space<vmem_shared>>
      %dma_wait3A_570 = arith.constant 0 : i32
      %dma_wait3A_571 = tpu.memref_slice %arg30[%arg1, %dma_wait3A_570] : memref<16x16xf32, #tpu.memory_space<vmem_shared>> -> memref<1x16xf32, #tpu.memory_space<vmem_shared>>
      %dma_wait3A_572 = tpu.memref_squeeze %dma_wait3A_571 : memref<1x16xf32, #tpu.memory_space<vmem_shared>> -> memref<16xf32, #tpu.memory_space<vmem_shared>>
      tpu.wait_dma2 semaphore(%arg31 : memref<!tpu.dma_semaphore, #tpu.memory_space<semaphore_mem>>) src(%arg23 : memref<16xf32, #tpu.memory_space<vmem>>) dst(%dma_wait3A_572 : memref<16xf32, #tpu.memory_space<vmem_shared>>)
      %barrier3A_573 = arith.constant 0 : index
      tpu.barrier barrier_id(%barrier3A_573)
      %eq3A_574 = arith.constant 0 : i32
      %eq3A_575 = arith.cmpi eq, %arg1, %eq3A_574 : i32
      %convert_element_type3A_576 = arith.extui %eq3A_575 : i1 to i32
      %cond3A_577 = arith.constant 0 : i32
      %cond3A_578 = arith.cmpi ne, %convert_element_type3A_576, %cond3A_577 : i32
      scf.if %cond3A_578 {
        tpu.enqueue_dma source(%arg29 : memref<16x16xf32, #tpu.memory_space<vmem_shared>>) target(%arg18 : memref<16x16xf32, #tpu.memory_space<vmem>>) target_semaphore(%arg31 : memref<!tpu.dma_semaphore, #tpu.memory_space<semaphore_mem>>)
        tpu.enqueue_dma source(%arg30 : memref<16x16xf32, #tpu.memory_space<vmem_shared>>) target(%arg19 : memref<16x16xf32, #tpu.memory_space<vmem>>) target_semaphore(%arg31 : memref<!tpu.dma_semaphore, #tpu.memory_space<semaphore_mem>>)
        tpu.wait_dma2 semaphore(%arg31 : memref<!tpu.dma_semaphore, #tpu.memory_space<semaphore_mem>>) src(%arg29 : memref<16x16xf32, #tpu.memory_space<vmem_shared>>) dst(%arg18 : memref<16x16xf32, #tpu.memory_space<vmem>>)
        tpu.wait_dma2 semaphore(%arg31 : memref<!tpu.dma_semaphore, #tpu.memory_space<semaphore_mem>>) src(%arg30 : memref<16x16xf32, #tpu.memory_space<vmem_shared>>) dst(%arg19 : memref<16x16xf32, #tpu.memory_space<vmem>>)
        %get3A_579 = arith.constant 0 : i32
        %get3A_580 = arith.index_cast %get3A_579 : i32 to index
        %get3A_581 = arith.constant 0 : index
        %get3A_582 = tpu.vector_load %arg18[%get3A_580, %get3A_581] {strides = array<i32>} : memref<16x16xf32, #tpu.memory_space<vmem>>, vector<16xf32>,
        %get3A_583 = arith.constant 0 : i32
        %get3A_584 = arith.index_cast %get3A_583 : i32 to index
        %get3A_585 = arith.constant 0 : index
        %get3A_586 = tpu.vector_load %arg19[%get3A_584, %get3A_585] {strides = array<i32>} : memref<16x16xf32, #tpu.memory_space<vmem>>, vector<16xf32>,
        %get3A_587 = arith.constant 1 : i32
        %get3A_588 = arith.index_cast %get3A_587 : i32 to index
        %get3A_589 = arith.constant 0 : index
        %get3A_590 = tpu.vector_load %arg18[%get3A_588, %get3A_589] {strides = array<i32>} : memref<16x16xf32, #tpu.memory_space<vmem>>, vector<16xf32>,
        %add3A_591 = arith.addf %get3A_582, %get3A_590 : vector<16xf32>
        %get3A_592 = arith.constant 1 : i32
        %get3A_593 = arith.index_cast %get3A_592 : i32 to index
        %get3A_594 = arith.constant 0 : index
        %get3A_595 = tpu.vector_load %arg19[%get3A_593, %get3A_594] {strides = array<i32>} : memref<16x16xf32, #tpu.memory_space<vmem>>, vector<16xf32>,
        %add3A_596 = arith.addf %get3A_586, %get3A_595 : vector<16xf32>
        %get3A_597 = arith.constant 2 : i32
        %get3A_598 = arith.index_cast %get3A_597 : i32 to index
        %get3A_599 = arith.constant 0 : index
        %get3A_600 = tpu.vector_load %arg18[%get3A_598, %get3A_599] {strides = array<i32>} : memref<16x16xf32, #tpu.memory_space<vmem>>, vector<16xf32>,
        %add3A_601 = arith.addf %add3A_591, %get3A_600 : vector<16xf32>
        %get3A_602 = arith.constant 2 : i32
        %get3A_603 = arith.index_cast %get3A_602 : i32 to index
        %get3A_604 = arith.constant 0 : index
        %get3A_605 = tpu.vector_load %arg19[%get3A_603, %get3A_604] {strides = array<i32>} : memref<16x16xf32, #tpu.memory_space<vmem>>, vector<16xf32>,
        %add3A_606 = arith.addf %add3A_596, %get3A_605 : vector<16xf32>
        %get3A_607 = arith.constant 3 : i32
        %get3A_608 = arith.index_cast %get3A_607 : i32 to index
        %get3A_609 = arith.constant 0 : index
        %get3A_610 = tpu.vector_load %arg18[%get3A_608, %get3A_609] {strides = array<i32>} : memref<16x16xf32, #tpu.memory_space<vmem>>, vector<16xf32>,
        %add3A_611 = arith.addf %add3A_601, %get3A_610 : vector<16xf32>
        %get3A_612 = arith.constant 3 : i32
        %get3A_613 = arith.index_cast %get3A_612 : i32 to index
        %get3A_614 = arith.constant 0 : index
        %get3A_615 = tpu.vector_load %arg19[%get3A_613, %get3A_614] {strides = array<i32>} : memref<16x16xf32, #tpu.memory_space<vmem>>, vector<16xf32>,
        %add3A_616 = arith.addf %add3A_606, %get3A_615 : vector<16xf32>
        %get3A_617 = arith.constant 4 : i32
        %get3A_618 = arith.index_cast %get3A_617 : i32 to index
        %get3A_619 = arith.constant 0 : index
        %get3A_620 = tpu.vector_load %arg18[%get3A_618, %get3A_619] {strides = array<i32>} : memref<16x16xf32, #tpu.memory_space<vmem>>, vector<16xf32>,
        %add3A_621 = arith.addf %add3A_611, %get3A_620 : vector<16xf32>
        %get3A_622 = arith.constant 4 : i32
        %get3A_623 = arith.index_cast %get3A_622 : i32 to index
        %get3A_624 = arith.constant 0 : index
        %get3A_625 = tpu.vector_load %arg19[%get3A_623, %get3A_624] {strides = array<i32>} : memref<16x16xf32, #tpu.memory_space<vmem>>, vector<16xf32>,
        %add3A_626 = arith.addf %add3A_616, %get3A_625 : vector<16xf32>
        %get3A_627 = arith.constant 5 : i32
        %get3A_628 = arith.index_cast %get3A_627 : i32 to index
        %get3A_629 = arith.constant 0 : index
        %get3A_630 = tpu.vector_load %arg18[%get3A_628, %get3A_629] {strides = array<i32>} : memref<16x16xf32, #tpu.memory_space<vmem>>, vector<16xf32>,
        %add3A_631 = arith.addf %add3A_621, %get3A_630 : vector<16xf32>
        %get3A_632 = arith.constant 5 : i32
        %get3A_633 = arith.index_cast %get3A_632 : i32 to index
        %get3A_634 = arith.constant 0 : index
        %get3A_635 = tpu.vector_load %arg19[%get3A_633, %get3A_634] {strides = array<i32>} : memref<16x16xf32, #tpu.memory_space<vmem>>, vector<16xf32>,
        %add3A_636 = arith.addf %add3A_626, %get3A_635 : vector<16xf32>
        %get3A_637 = arith.constant 6 : i32
        %get3A_638 = arith.index_cast %get3A_637 : i32 to index
        %get3A_639 = arith.constant 0 : index
        %get3A_640 = tpu.vector_load %arg18[%get3A_638, %get3A_639] {strides = array<i32>} : memref<16x16xf32, #tpu.memory_space<vmem>>, vector<16xf32>,
        %add3A_641 = arith.addf %add3A_631, %get3A_640 : vector<16xf32>
        %get3A_642 = arith.constant 6 : i32
        %get3A_643 = arith.index_cast %get3A_642 : i32 to index
        %get3A_644 = arith.constant 0 : index
        %get3A_645 = tpu.vector_load %arg19[%get3A_643, %get3A_644] {strides = array<i32>} : memref<16x16xf32, #tpu.memory_space<vmem>>, vector<16xf32>,
        %add3A_646 = arith.addf %add3A_636, %get3A_645 : vector<16xf32>
        %get3A_647 = arith.constant 7 : i32
        %get3A_648 = arith.index_cast %get3A_647 : i32 to index
        %get3A_649 = arith.constant 0 : index
        %get3A_650 = tpu.vector_load %arg18[%get3A_648, %get3A_649] {strides = array<i32>} : memref<16x16xf32, #tpu.memory_space<vmem>>, vector<16xf32>,
        %add3A_651 = arith.addf %add3A_641, %get3A_650 : vector<16xf32>
        %get3A_652 = arith.constant 7 : i32
        %get3A_653 = arith.index_cast %get3A_652 : i32 to index
        %get3A_654 = arith.constant 0 : index
        %get3A_655 = tpu.vector_load %arg19[%get3A_653, %get3A_654] {strides = array<i32>} : memref<16x16xf32, #tpu.memory_space<vmem>>, vector<16xf32>,
        %add3A_656 = arith.addf %add3A_646, %get3A_655 : vector<16xf32>
        %get3A_657 = arith.constant 8 : i32
        %get3A_658 = arith.index_cast %get3A_657 : i32 to index
        %get3A_659 = arith.constant 0 : index
        %get3A_660 = tpu.vector_load %arg18[%get3A_658, %get3A_659] {strides = array<i32>} : memref<16x16xf32, #tpu.memory_space<vmem>>, vector<16xf32>,
        %add3A_661 = arith.addf %add3A_651, %get3A_660 : vector<16xf32>
        %get3A_662 = arith.constant 8 : i32
        %get3A_663 = arith.index_cast %get3A_662 : i32 to index
        %get3A_664 = arith.constant 0 : index
        %get3A_665 = tpu.vector_load %arg19[%get3A_663, %get3A_664] {strides = array<i32>} : memref<16x16xf32, #tpu.memory_space<vmem>>, vector<16xf32>,
        %add3A_666 = arith.addf %add3A_656, %get3A_665 : vector<16xf32>
        %get3A_667 = arith.constant 9 : i32
        %get3A_668 = arith.index_cast %get3A_667 : i32 to index
        %get3A_669 = arith.constant 0 : index
        %get3A_670 = tpu.vector_load %arg18[%get3A_668, %get3A_669] {strides = array<i32>} : memref<16x16xf32, #tpu.memory_space<vmem>>, vector<16xf32>,
        %add3A_671 = arith.addf %add3A_661, %get3A_670 : vector<16xf32>
        %get3A_672 = arith.constant 9 : i32
        %get3A_673 = arith.index_cast %get3A_672 : i32 to index
        %get3A_674 = arith.constant 0 : index
        %get3A_675 = tpu.vector_load %arg19[%get3A_673, %get3A_674] {strides = array<i32>} : memref<16x16xf32, #tpu.memory_space<vmem>>, vector<16xf32>,
        %add3A_676 = arith.addf %add3A_666, %get3A_675 : vector<16xf32>
        %get3A_677 = arith.constant 10 : i32
        %get3A_678 = arith.index_cast %get3A_677 : i32 to index
        %get3A_679 = arith.constant 0 : index
        %get3A_680 = tpu.vector_load %arg18[%get3A_678, %get3A_679] {strides = array<i32>} : memref<16x16xf32, #tpu.memory_space<vmem>>, vector<16xf32>,
        %add3A_681 = arith.addf %add3A_671, %get3A_680 : vector<16xf32>
        %get3A_682 = arith.constant 10 : i32
        %get3A_683 = arith.index_cast %get3A_682 : i32 to index
        %get3A_684 = arith.constant 0 : index
        %get3A_685 = tpu.vector_load %arg19[%get3A_683, %get3A_684] {strides = array<i32>} : memref<16x16xf32, #tpu.memory_space<vmem>>, vector<16xf32>,
        %add3A_686 = arith.addf %add3A_676, %get3A_685 : vector<16xf32>
        %get3A_687 = arith.constant 11 : i32
        %get3A_688 = arith.index_cast %get3A_687 : i32 to index
        %get3A_689 = arith.constant 0 : index
        %get3A_690 = tpu.vector_load %arg18[%get3A_688, %get3A_689] {strides = array<i32>} : memref<16x16xf32, #tpu.memory_space<vmem>>, vector<16xf32>,
        %add3A_691 = arith.addf %add3A_681, %get3A_690 : vector<16xf32>
        %get3A_692 = arith.constant 11 : i32
        %get3A_693 = arith.index_cast %get3A_692 : i32 to index
        %get3A_694 = arith.constant 0 : index
        %get3A_695 = tpu.vector_load %arg19[%get3A_693, %get3A_694] {strides = array<i32>} : memref<16x16xf32, #tpu.memory_space<vmem>>, vector<16xf32>,
        %add3A_696 = arith.addf %add3A_686, %get3A_695 : vector<16xf32>
        %get3A_697 = arith.constant 12 : i32
        %get3A_698 = arith.index_cast %get3A_697 : i32 to index
        %get3A_699 = arith.constant 0 : index
        %get3A_700 = tpu.vector_load %arg18[%get3A_698, %get3A_699] {strides = array<i32>} : memref<16x16xf32, #tpu.memory_space<vmem>>, vector<16xf32>,
        %add3A_701 = arith.addf %add3A_691, %get3A_700 : vector<16xf32>
        %get3A_702 = arith.constant 12 : i32
        %get3A_703 = arith.index_cast %get3A_702 : i32 to index
        %get3A_704 = arith.constant 0 : index
        %get3A_705 = tpu.vector_load %arg19[%get3A_703, %get3A_704] {strides = array<i32>} : memref<16x16xf32, #tpu.memory_space<vmem>>, vector<16xf32>,
        %add3A_706 = arith.addf %add3A_696, %get3A_705 : vector<16xf32>
        %get3A_707 = arith.constant 13 : i32
        %get3A_708 = arith.index_cast %get3A_707 : i32 to index
        %get3A_709 = arith.constant 0 : index
        %get3A_710 = tpu.vector_load %arg18[%get3A_708, %get3A_709] {strides = array<i32>} : memref<16x16xf32, #tpu.memory_space<vmem>>, vector<16xf32>,
        %add3A_711 = arith.addf %add3A_701, %get3A_710 : vector<16xf32>
        %get3A_712 = arith.constant 13 : i32
        %get3A_713 = arith.index_cast %get3A_712 : i32 to index
        %get3A_714 = arith.constant 0 : index
        %get3A_715 = tpu.vector_load %arg19[%get3A_713, %get3A_714] {strides = array<i32>} : memref<16x16xf32, #tpu.memory_space<vmem>>, vector<16xf32>,
        %add3A_716 = arith.addf %add3A_706, %get3A_715 : vector<16xf32>
        %get3A_717 = arith.constant 14 : i32
        %get3A_718 = arith.index_cast %get3A_717 : i32 to index
        %get3A_719 = arith.constant 0 : index
        %get3A_720 = tpu.vector_load %arg18[%get3A_718, %get3A_719] {strides = array<i32>} : memref<16x16xf32, #tpu.memory_space<vmem>>, vector<16xf32>,
        %add3A_721 = arith.addf %add3A_711, %get3A_720 : vector<16xf32>
        %get3A_722 = arith.constant 14 : i32
        %get3A_723 = arith.index_cast %get3A_722 : i32 to index
        %get3A_724 = arith.constant 0 : index
        %get3A_725 = tpu.vector_load %arg19[%get3A_723, %get3A_724] {strides = array<i32>} : memref<16x16xf32, #tpu.memory_space<vmem>>, vector<16xf32>,
        %add3A_726 = arith.addf %add3A_716, %get3A_725 : vector<16xf32>
        %get3A_727 = arith.constant 15 : i32
        %get3A_728 = arith.index_cast %get3A_727 : i32 to index
        %get3A_729 = arith.constant 0 : index
        %get3A_730 = tpu.vector_load %arg18[%get3A_728, %get3A_729] {strides = array<i32>} : memref<16x16xf32, #tpu.memory_space<vmem>>, vector<16xf32>,
        %add3A_731 = arith.addf %add3A_721, %get3A_730 : vector<16xf32>
        %get3A_732 = arith.constant 15 : i32
        %get3A_733 = arith.index_cast %get3A_732 : i32 to index
        %get3A_734 = arith.constant 0 : index
        %get3A_735 = tpu.vector_load %arg19[%get3A_733, %get3A_734] {strides = array<i32>} : memref<16x16xf32, #tpu.memory_space<vmem>>, vector<16xf32>,
        %add3A_736 = arith.addf %add3A_726, %get3A_735 : vector<16xf32>
        %div3A_737 = arith.divf %add3A_731, %add3A_736 : vector<16xf32>
        %swap3A_738 = arith.constant 0 : index
        %swap3A_739 = tpu.vector_load %arg22[%swap3A_738] {strides = array<i32>} : memref<16xf32, #tpu.memory_space<vmem>>, vector<16xf32>,
        tpu.vector_store %arg22[%swap3A_738], %div3A_737 {strides = array<i32>} : memref<16xf32, #tpu.memory_space<vmem>>, vector<16xf32>,
        "tpu.region"() ({
          %run_scoped3A = tpu.sem_alloc : memref<!tpu.dma_semaphore, #tpu.memory_space<semaphore_mem>>
          tpu.enqueue_dma source(%arg22 : memref<16xf32, #tpu.memory_space<vmem>>) target(%arg5 : memref<16xf32, #tpu.memory_space<hbm>>) target_semaphore(%run_scoped3A : memref<!tpu.dma_semaphore, #tpu.memory_space<semaphore_mem>>)
          tpu.wait_dma2 semaphore(%run_scoped3A : memref<!tpu.dma_semaphore, #tpu.memory_space<semaphore_mem>>) src(%arg22 : memref<16xf32, #tpu.memory_space<vmem>>) dst(%arg5 : memref<16xf32, #tpu.memory_space<hbm>>)
          tpu.yield
        }) : () -> ()
      } else {
      }
    } else {
    }
    return
  }
}

module attributes {stable_mosaic.version = 14 : i64} {
  func.func @_tc_body(%arg0: i32, %arg1: memref<4096x256xf32, #tpu.memory_space<vmem>>, %arg2: memref<1x1x4096xf32, #tpu.memory_space<vmem>>, %arg3: memref<1x1x4096xf32, #tpu.memory_space<vmem>>) attributes {dimension_semantics = [#tpu.dimension_semantics<arbitrary>], iteration_bounds = array<i64: 4>, scalar_prefetch = 0 : i64, scratch_operands = 0 : i64, tpu.core_type = #tpu.core_type<tc>, window_params = [{transform_indices = @transform_0, window_bounds = array<i64: 4096, 256>}, {transform_indices = @transform_1, window_bounds = array<i64: 1, 1, 4096>}, {transform_indices = @transform_2, window_bounds = array<i64: 1, 1, 4096>}]} {
    %get3A = arith.constant 0 : index
    %get3A_0 = arith.constant 0 : index
    %get3A_1 = vector.load %arg1[%get3A, %get3A_0] : memref<4096x256xf32, #tpu.memory_space<vmem>>, vector<4096x256xf32>
    %reduce_max3A = arith.constant dense<0xFF800000> : vector<4096xf32>
    %reduce_max3A_2 = vector.multi_reduction <maximumf>, %get3A_1, %reduce_max3A [1] : vector<4096x256xf32> to vector<4096xf32>
    %broadcast_in_dim3A = vector.shape_cast %reduce_max3A_2 : vector<4096xf32> to vector<4096x1xf32>
    %sub3A = vector.broadcast %broadcast_in_dim3A : vector<4096x1xf32> to vector<4096x256xf32>
    %sub3A_3 = arith.subf %get3A_1, %sub3A : vector<4096x256xf32>
    %exp3A = math.exp %sub3A_3 : vector<4096x256xf32>
    %broadcast_in_dim3A_4 = arith.constant 1.000000e+00 : f32
    %broadcast_in_dim3A_5 = vector.broadcast %broadcast_in_dim3A_4 : f32 to vector<256x128xf32>
    %dot_general3A = arith.constant dense<0.000000e+00> : vector<4096x128xf32>
    %dot_general3A_6 = tpu.matmul %exp3A, %broadcast_in_dim3A_5, %dot_general3A {dimension_numbers = #tpu.dot_dimension_numbers<[1], [0], [0], [1], [0, 0, 1, 1], [], []>, transpose_lhs_hint = false} : vector<4096x256xf32>, vector<256x128xf32>, vector<4096x128xf32> -> vector<4096x128xf32>
    %slice3A = vector.extract_strided_slice %dot_general3A_6 {offsets = [0, 0], sizes = [4096, 1], strides = [1, 1]} : vector<4096x128xf32> to vector<4096x1xf32>
    %div3A = arith.constant 1.000000e+00 : f32
    %div3A_7 = vector.broadcast %div3A : f32 to vector<4096x1xf32>
    %div3A_8 = arith.divf %div3A_7, %slice3A : vector<4096x1xf32>
    %iota3A = tpu.iota {dimensions = array<i32: 1>} : vector<4096x256xi32>
    %eq3A = vector.broadcast %broadcast_in_dim3A : vector<4096x1xf32> to vector<4096x256xf32>
    %eq3A_9 = arith.cmpf oeq, %get3A_1, %eq3A : vector<4096x256xf32>
    %jit3A = arith.constant 1073741824 : i32
    %broadcast_in_dim3A_10 = vector.broadcast %jit3A : i32 to vector<4096x256xi32>
    %select_n3A = arith.select %eq3A_9, %iota3A, %broadcast_in_dim3A_10 : vector<4096x256xi1>, vector<4096x256xi32>
    %reduce_min3A = arith.constant dense<2147483647> : vector<4096xi32>
    %reduce_min3A_11 = vector.multi_reduction <minsi>, %select_n3A, %reduce_min3A [1] : vector<4096x256xi32> to vector<4096xi32>
    %broadcast_in_dim3A_12 = vector.shape_cast %reduce_min3A_11 : vector<4096xi32> to vector<4096x1xi32>
    %convert_element_type3A = arith.sitofp %broadcast_in_dim3A_12 : vector<4096x1xi32> to vector<4096x1xf32>
    %concatenate3A = tpu.concatenate %div3A_8, %convert_element_type3A in 1 : vector<4096x1xf32>, vector<4096x1xf32> -> vector<4096x2xf32>
    %iota3A_13 = tpu.iota {dimensions = array<i32: 0>} : vector<128x128xi32>
    %iota3A_14 = tpu.iota {dimensions = array<i32: 1>} : vector<128x128xi32>
    %eq3A_15 = arith.cmpi eq, %iota3A_13, %iota3A_14 : vector<128x128xi32>
    %convert_element_type3A_16 = arith.extui %eq3A_15 : vector<128x128xi1> to vector<128x128xi32>
    %convert_element_type3A_17 = arith.sitofp %convert_element_type3A_16 : vector<128x128xi32> to vector<128x128xf32>
    %slice3A_18 = vector.extract_strided_slice %concatenate3A {offsets = [0, 0], sizes = [128, 2], strides = [1, 1]} : vector<4096x2xf32> to vector<128x2xf32>
    %dot_general3A_19 = arith.constant dense<0.000000e+00> : vector<2x128xf32>
    %dot_general3A_20 = tpu.matmul %slice3A_18, %convert_element_type3A_17, %dot_general3A_19 {dimension_numbers = #tpu.dot_dimension_numbers<[0], [0], [1], [1], [0, 1, 1, 1], [], []>, transpose_lhs_hint = false} : vector<128x2xf32>, vector<128x128xf32>, vector<2x128xf32> -> vector<2x128xf32>
    %slice3A_21 = vector.extract_strided_slice %dot_general3A_20 {offsets = [0, 0], sizes = [1, 128], strides = [1, 1]} : vector<2x128xf32> to vector<1x128xf32>
    %squeeze3A = vector.shape_cast %slice3A_21 : vector<1x128xf32> to vector<128xf32>
    %swap3A = arith.constant 0 : index
    %swap3A_22 = arith.constant 0 : index
    %swap3A_23 = arith.constant 0 : index
    %swap3A_24 = vector.load %arg2[%swap3A, %swap3A_22, %swap3A_23] : memref<1x1x4096xf32, #tpu.memory_space<vmem>>, vector<1x1x128xf32>
    %swap3A_25 = vector.shape_cast %swap3A_24 : vector<1x1x128xf32> to vector<128xf32>
    %swap3A_26 = vector.shape_cast %squeeze3A : vector<128xf32> to vector<1x1x128xf32>
    tpu.vector_store %arg2[%swap3A, %swap3A_22, %swap3A_23], %swap3A_26 {strides = array<i32>} : memref<1x1x4096xf32, #tpu.memory_space<vmem>>, vector<1x1x128xf32>,
    %slice3A_27 = vector.extract_strided_slice %dot_general3A_20 {offsets = [1, 0], sizes = [1, 128], strides = [1, 1]} : vector<2x128xf32> to vector<1x128xf32>
    %squeeze3A_28 = vector.shape_cast %slice3A_27 : vector<1x128xf32> to vector<128xf32>
    %swap3A_29 = arith.constant 0 : index
    %swap3A_30 = arith.constant 0 : index
    %swap3A_31 = arith.constant 0 : index
    %swap3A_32 = vector.load %arg3[%swap3A_29, %swap3A_30, %swap3A_31] : memref<1x1x4096xf32, #tpu.memory_space<vmem>>, vector<1x1x128xf32>
    %swap3A_33 = vector.shape_cast %swap3A_32 : vector<1x1x128xf32> to vector<128xf32>
    %swap3A_34 = vector.shape_cast %squeeze3A_28 : vector<128xf32> to vector<1x1x128xf32>
    tpu.vector_store %arg3[%swap3A_29, %swap3A_30, %swap3A_31], %swap3A_34 {strides = array<i32>} : memref<1x1x4096xf32, #tpu.memory_space<vmem>>, vector<1x1x128xf32>,
    %slice3A_35 = vector.extract_strided_slice %concatenate3A {offsets = [128, 0], sizes = [128, 2], strides = [1, 1]} : vector<4096x2xf32> to vector<128x2xf32>
    %dot_general3A_36 = arith.constant dense<0.000000e+00> : vector<2x128xf32>
    %dot_general3A_37 = tpu.matmul %slice3A_35, %convert_element_type3A_17, %dot_general3A_36 {dimension_numbers = #tpu.dot_dimension_numbers<[0], [0], [1], [1], [0, 1, 1, 1], [], []>, transpose_lhs_hint = false} : vector<128x2xf32>, vector<128x128xf32>, vector<2x128xf32> -> vector<2x128xf32>
    %slice3A_38 = vector.extract_strided_slice %dot_general3A_37 {offsets = [0, 0], sizes = [1, 128], strides = [1, 1]} : vector<2x128xf32> to vector<1x128xf32>
    %squeeze3A_39 = vector.shape_cast %slice3A_38 : vector<1x128xf32> to vector<128xf32>
    %swap3A_40 = arith.constant 0 : index
    %swap3A_41 = arith.constant 0 : index
    %swap3A_42 = arith.constant 128 : index
    %swap3A_43 = vector.load %arg2[%swap3A_40, %swap3A_41, %swap3A_42] : memref<1x1x4096xf32, #tpu.memory_space<vmem>>, vector<1x1x128xf32>
    %swap3A_44 = vector.shape_cast %swap3A_43 : vector<1x1x128xf32> to vector<128xf32>
    %swap3A_45 = vector.shape_cast %squeeze3A_39 : vector<128xf32> to vector<1x1x128xf32>
    tpu.vector_store %arg2[%swap3A_40, %swap3A_41, %swap3A_42], %swap3A_45 {strides = array<i32>} : memref<1x1x4096xf32, #tpu.memory_space<vmem>>, vector<1x1x128xf32>,
    %slice3A_46 = vector.extract_strided_slice %dot_general3A_37 {offsets = [1, 0], sizes = [1, 128], strides = [1, 1]} : vector<2x128xf32> to vector<1x128xf32>
    %squeeze3A_47 = vector.shape_cast %slice3A_46 : vector<1x128xf32> to vector<128xf32>
    %swap3A_48 = arith.constant 0 : index
    %swap3A_49 = arith.constant 0 : index
    %swap3A_50 = arith.constant 128 : index
    %swap3A_51 = vector.load %arg3[%swap3A_48, %swap3A_49, %swap3A_50] : memref<1x1x4096xf32, #tpu.memory_space<vmem>>, vector<1x1x128xf32>
    %swap3A_52 = vector.shape_cast %swap3A_51 : vector<1x1x128xf32> to vector<128xf32>
    %swap3A_53 = vector.shape_cast %squeeze3A_47 : vector<128xf32> to vector<1x1x128xf32>
    tpu.vector_store %arg3[%swap3A_48, %swap3A_49, %swap3A_50], %swap3A_53 {strides = array<i32>} : memref<1x1x4096xf32, #tpu.memory_space<vmem>>, vector<1x1x128xf32>,
    %slice3A_54 = vector.extract_strided_slice %concatenate3A {offsets = [256, 0], sizes = [128, 2], strides = [1, 1]} : vector<4096x2xf32> to vector<128x2xf32>
    %dot_general3A_55 = arith.constant dense<0.000000e+00> : vector<2x128xf32>
    %dot_general3A_56 = tpu.matmul %slice3A_54, %convert_element_type3A_17, %dot_general3A_55 {dimension_numbers = #tpu.dot_dimension_numbers<[0], [0], [1], [1], [0, 1, 1, 1], [], []>, transpose_lhs_hint = false} : vector<128x2xf32>, vector<128x128xf32>, vector<2x128xf32> -> vector<2x128xf32>
    %slice3A_57 = vector.extract_strided_slice %dot_general3A_56 {offsets = [0, 0], sizes = [1, 128], strides = [1, 1]} : vector<2x128xf32> to vector<1x128xf32>
    %squeeze3A_58 = vector.shape_cast %slice3A_57 : vector<1x128xf32> to vector<128xf32>
    %swap3A_59 = arith.constant 0 : index
    %swap3A_60 = arith.constant 0 : index
    %swap3A_61 = arith.constant 256 : index
    %swap3A_62 = vector.load %arg2[%swap3A_59, %swap3A_60, %swap3A_61] : memref<1x1x4096xf32, #tpu.memory_space<vmem>>, vector<1x1x128xf32>
    %swap3A_63 = vector.shape_cast %swap3A_62 : vector<1x1x128xf32> to vector<128xf32>
    %swap3A_64 = vector.shape_cast %squeeze3A_58 : vector<128xf32> to vector<1x1x128xf32>
    tpu.vector_store %arg2[%swap3A_59, %swap3A_60, %swap3A_61], %swap3A_64 {strides = array<i32>} : memref<1x1x4096xf32, #tpu.memory_space<vmem>>, vector<1x1x128xf32>,
    %slice3A_65 = vector.extract_strided_slice %dot_general3A_56 {offsets = [1, 0], sizes = [1, 128], strides = [1, 1]} : vector<2x128xf32> to vector<1x128xf32>
    %squeeze3A_66 = vector.shape_cast %slice3A_65 : vector<1x128xf32> to vector<128xf32>
    %swap3A_67 = arith.constant 0 : index
    %swap3A_68 = arith.constant 0 : index
    %swap3A_69 = arith.constant 256 : index
    %swap3A_70 = vector.load %arg3[%swap3A_67, %swap3A_68, %swap3A_69] : memref<1x1x4096xf32, #tpu.memory_space<vmem>>, vector<1x1x128xf32>
    %swap3A_71 = vector.shape_cast %swap3A_70 : vector<1x1x128xf32> to vector<128xf32>
    %swap3A_72 = vector.shape_cast %squeeze3A_66 : vector<128xf32> to vector<1x1x128xf32>
    tpu.vector_store %arg3[%swap3A_67, %swap3A_68, %swap3A_69], %swap3A_72 {strides = array<i32>} : memref<1x1x4096xf32, #tpu.memory_space<vmem>>, vector<1x1x128xf32>,
    %slice3A_73 = vector.extract_strided_slice %concatenate3A {offsets = [384, 0], sizes = [128, 2], strides = [1, 1]} : vector<4096x2xf32> to vector<128x2xf32>
    %dot_general3A_74 = arith.constant dense<0.000000e+00> : vector<2x128xf32>
    %dot_general3A_75 = tpu.matmul %slice3A_73, %convert_element_type3A_17, %dot_general3A_74 {dimension_numbers = #tpu.dot_dimension_numbers<[0], [0], [1], [1], [0, 1, 1, 1], [], []>, transpose_lhs_hint = false} : vector<128x2xf32>, vector<128x128xf32>, vector<2x128xf32> -> vector<2x128xf32>
    %slice3A_76 = vector.extract_strided_slice %dot_general3A_75 {offsets = [0, 0], sizes = [1, 128], strides = [1, 1]} : vector<2x128xf32> to vector<1x128xf32>
    %squeeze3A_77 = vector.shape_cast %slice3A_76 : vector<1x128xf32> to vector<128xf32>
    %swap3A_78 = arith.constant 0 : index
    %swap3A_79 = arith.constant 0 : index
    %swap3A_80 = arith.constant 384 : index
    %swap3A_81 = vector.load %arg2[%swap3A_78, %swap3A_79, %swap3A_80] : memref<1x1x4096xf32, #tpu.memory_space<vmem>>, vector<1x1x128xf32>
    %swap3A_82 = vector.shape_cast %swap3A_81 : vector<1x1x128xf32> to vector<128xf32>
    %swap3A_83 = vector.shape_cast %squeeze3A_77 : vector<128xf32> to vector<1x1x128xf32>
    tpu.vector_store %arg2[%swap3A_78, %swap3A_79, %swap3A_80], %swap3A_83 {strides = array<i32>} : memref<1x1x4096xf32, #tpu.memory_space<vmem>>, vector<1x1x128xf32>,
    %slice3A_84 = vector.extract_strided_slice %dot_general3A_75 {offsets = [1, 0], sizes = [1, 128], strides = [1, 1]} : vector<2x128xf32> to vector<1x128xf32>
    %squeeze3A_85 = vector.shape_cast %slice3A_84 : vector<1x128xf32> to vector<128xf32>
    %swap3A_86 = arith.constant 0 : index
    %swap3A_87 = arith.constant 0 : index
    %swap3A_88 = arith.constant 384 : index
    %swap3A_89 = vector.load %arg3[%swap3A_86, %swap3A_87, %swap3A_88] : memref<1x1x4096xf32, #tpu.memory_space<vmem>>, vector<1x1x128xf32>
    %swap3A_90 = vector.shape_cast %swap3A_89 : vector<1x1x128xf32> to vector<128xf32>
    %swap3A_91 = vector.shape_cast %squeeze3A_85 : vector<128xf32> to vector<1x1x128xf32>
    tpu.vector_store %arg3[%swap3A_86, %swap3A_87, %swap3A_88], %swap3A_91 {strides = array<i32>} : memref<1x1x4096xf32, #tpu.memory_space<vmem>>, vector<1x1x128xf32>,
    %slice3A_92 = vector.extract_strided_slice %concatenate3A {offsets = [512, 0], sizes = [128, 2], strides = [1, 1]} : vector<4096x2xf32> to vector<128x2xf32>
    %dot_general3A_93 = arith.constant dense<0.000000e+00> : vector<2x128xf32>
    %dot_general3A_94 = tpu.matmul %slice3A_92, %convert_element_type3A_17, %dot_general3A_93 {dimension_numbers = #tpu.dot_dimension_numbers<[0], [0], [1], [1], [0, 1, 1, 1], [], []>, transpose_lhs_hint = false} : vector<128x2xf32>, vector<128x128xf32>, vector<2x128xf32> -> vector<2x128xf32>
    %slice3A_95 = vector.extract_strided_slice %dot_general3A_94 {offsets = [0, 0], sizes = [1, 128], strides = [1, 1]} : vector<2x128xf32> to vector<1x128xf32>
    %squeeze3A_96 = vector.shape_cast %slice3A_95 : vector<1x128xf32> to vector<128xf32>
    %swap3A_97 = arith.constant 0 : index
    %swap3A_98 = arith.constant 0 : index
    %swap3A_99 = arith.constant 512 : index
    %swap3A_100 = vector.load %arg2[%swap3A_97, %swap3A_98, %swap3A_99] : memref<1x1x4096xf32, #tpu.memory_space<vmem>>, vector<1x1x128xf32>
    %swap3A_101 = vector.shape_cast %swap3A_100 : vector<1x1x128xf32> to vector<128xf32>
    %swap3A_102 = vector.shape_cast %squeeze3A_96 : vector<128xf32> to vector<1x1x128xf32>
    tpu.vector_store %arg2[%swap3A_97, %swap3A_98, %swap3A_99], %swap3A_102 {strides = array<i32>} : memref<1x1x4096xf32, #tpu.memory_space<vmem>>, vector<1x1x128xf32>,
    %slice3A_103 = vector.extract_strided_slice %dot_general3A_94 {offsets = [1, 0], sizes = [1, 128], strides = [1, 1]} : vector<2x128xf32> to vector<1x128xf32>
    %squeeze3A_104 = vector.shape_cast %slice3A_103 : vector<1x128xf32> to vector<128xf32>
    %swap3A_105 = arith.constant 0 : index
    %swap3A_106 = arith.constant 0 : index
    %swap3A_107 = arith.constant 512 : index
    %swap3A_108 = vector.load %arg3[%swap3A_105, %swap3A_106, %swap3A_107] : memref<1x1x4096xf32, #tpu.memory_space<vmem>>, vector<1x1x128xf32>
    %swap3A_109 = vector.shape_cast %swap3A_108 : vector<1x1x128xf32> to vector<128xf32>
    %swap3A_110 = vector.shape_cast %squeeze3A_104 : vector<128xf32> to vector<1x1x128xf32>
    tpu.vector_store %arg3[%swap3A_105, %swap3A_106, %swap3A_107], %swap3A_110 {strides = array<i32>} : memref<1x1x4096xf32, #tpu.memory_space<vmem>>, vector<1x1x128xf32>,
    %slice3A_111 = vector.extract_strided_slice %concatenate3A {offsets = [640, 0], sizes = [128, 2], strides = [1, 1]} : vector<4096x2xf32> to vector<128x2xf32>
    %dot_general3A_112 = arith.constant dense<0.000000e+00> : vector<2x128xf32>
    %dot_general3A_113 = tpu.matmul %slice3A_111, %convert_element_type3A_17, %dot_general3A_112 {dimension_numbers = #tpu.dot_dimension_numbers<[0], [0], [1], [1], [0, 1, 1, 1], [], []>, transpose_lhs_hint = false} : vector<128x2xf32>, vector<128x128xf32>, vector<2x128xf32> -> vector<2x128xf32>
    %slice3A_114 = vector.extract_strided_slice %dot_general3A_113 {offsets = [0, 0], sizes = [1, 128], strides = [1, 1]} : vector<2x128xf32> to vector<1x128xf32>
    %squeeze3A_115 = vector.shape_cast %slice3A_114 : vector<1x128xf32> to vector<128xf32>
    %swap3A_116 = arith.constant 0 : index
    %swap3A_117 = arith.constant 0 : index
    %swap3A_118 = arith.constant 640 : index
    %swap3A_119 = vector.load %arg2[%swap3A_116, %swap3A_117, %swap3A_118] : memref<1x1x4096xf32, #tpu.memory_space<vmem>>, vector<1x1x128xf32>
    %swap3A_120 = vector.shape_cast %swap3A_119 : vector<1x1x128xf32> to vector<128xf32>
    %swap3A_121 = vector.shape_cast %squeeze3A_115 : vector<128xf32> to vector<1x1x128xf32>
    tpu.vector_store %arg2[%swap3A_116, %swap3A_117, %swap3A_118], %swap3A_121 {strides = array<i32>} : memref<1x1x4096xf32, #tpu.memory_space<vmem>>, vector<1x1x128xf32>,
    %slice3A_122 = vector.extract_strided_slice %dot_general3A_113 {offsets = [1, 0], sizes = [1, 128], strides = [1, 1]} : vector<2x128xf32> to vector<1x128xf32>
    %squeeze3A_123 = vector.shape_cast %slice3A_122 : vector<1x128xf32> to vector<128xf32>
    %swap3A_124 = arith.constant 0 : index
    %swap3A_125 = arith.constant 0 : index
    %swap3A_126 = arith.constant 640 : index
    %swap3A_127 = vector.load %arg3[%swap3A_124, %swap3A_125, %swap3A_126] : memref<1x1x4096xf32, #tpu.memory_space<vmem>>, vector<1x1x128xf32>
    %swap3A_128 = vector.shape_cast %swap3A_127 : vector<1x1x128xf32> to vector<128xf32>
    %swap3A_129 = vector.shape_cast %squeeze3A_123 : vector<128xf32> to vector<1x1x128xf32>
    tpu.vector_store %arg3[%swap3A_124, %swap3A_125, %swap3A_126], %swap3A_129 {strides = array<i32>} : memref<1x1x4096xf32, #tpu.memory_space<vmem>>, vector<1x1x128xf32>,
    %slice3A_130 = vector.extract_strided_slice %concatenate3A {offsets = [768, 0], sizes = [128, 2], strides = [1, 1]} : vector<4096x2xf32> to vector<128x2xf32>
    %dot_general3A_131 = arith.constant dense<0.000000e+00> : vector<2x128xf32>
    %dot_general3A_132 = tpu.matmul %slice3A_130, %convert_element_type3A_17, %dot_general3A_131 {dimension_numbers = #tpu.dot_dimension_numbers<[0], [0], [1], [1], [0, 1, 1, 1], [], []>, transpose_lhs_hint = false} : vector<128x2xf32>, vector<128x128xf32>, vector<2x128xf32> -> vector<2x128xf32>
    %slice3A_133 = vector.extract_strided_slice %dot_general3A_132 {offsets = [0, 0], sizes = [1, 128], strides = [1, 1]} : vector<2x128xf32> to vector<1x128xf32>
    %squeeze3A_134 = vector.shape_cast %slice3A_133 : vector<1x128xf32> to vector<128xf32>
    %swap3A_135 = arith.constant 0 : index
    %swap3A_136 = arith.constant 0 : index
    %swap3A_137 = arith.constant 768 : index
    %swap3A_138 = vector.load %arg2[%swap3A_135, %swap3A_136, %swap3A_137] : memref<1x1x4096xf32, #tpu.memory_space<vmem>>, vector<1x1x128xf32>
    %swap3A_139 = vector.shape_cast %swap3A_138 : vector<1x1x128xf32> to vector<128xf32>
    %swap3A_140 = vector.shape_cast %squeeze3A_134 : vector<128xf32> to vector<1x1x128xf32>
    tpu.vector_store %arg2[%swap3A_135, %swap3A_136, %swap3A_137], %swap3A_140 {strides = array<i32>} : memref<1x1x4096xf32, #tpu.memory_space<vmem>>, vector<1x1x128xf32>,
    %slice3A_141 = vector.extract_strided_slice %dot_general3A_132 {offsets = [1, 0], sizes = [1, 128], strides = [1, 1]} : vector<2x128xf32> to vector<1x128xf32>
    %squeeze3A_142 = vector.shape_cast %slice3A_141 : vector<1x128xf32> to vector<128xf32>
    %swap3A_143 = arith.constant 0 : index
    %swap3A_144 = arith.constant 0 : index
    %swap3A_145 = arith.constant 768 : index
    %swap3A_146 = vector.load %arg3[%swap3A_143, %swap3A_144, %swap3A_145] : memref<1x1x4096xf32, #tpu.memory_space<vmem>>, vector<1x1x128xf32>
    %swap3A_147 = vector.shape_cast %swap3A_146 : vector<1x1x128xf32> to vector<128xf32>
    %swap3A_148 = vector.shape_cast %squeeze3A_142 : vector<128xf32> to vector<1x1x128xf32>
    tpu.vector_store %arg3[%swap3A_143, %swap3A_144, %swap3A_145], %swap3A_148 {strides = array<i32>} : memref<1x1x4096xf32, #tpu.memory_space<vmem>>, vector<1x1x128xf32>,
    %slice3A_149 = vector.extract_strided_slice %concatenate3A {offsets = [896, 0], sizes = [128, 2], strides = [1, 1]} : vector<4096x2xf32> to vector<128x2xf32>
    %dot_general3A_150 = arith.constant dense<0.000000e+00> : vector<2x128xf32>
    %dot_general3A_151 = tpu.matmul %slice3A_149, %convert_element_type3A_17, %dot_general3A_150 {dimension_numbers = #tpu.dot_dimension_numbers<[0], [0], [1], [1], [0, 1, 1, 1], [], []>, transpose_lhs_hint = false} : vector<128x2xf32>, vector<128x128xf32>, vector<2x128xf32> -> vector<2x128xf32>
    %slice3A_152 = vector.extract_strided_slice %dot_general3A_151 {offsets = [0, 0], sizes = [1, 128], strides = [1, 1]} : vector<2x128xf32> to vector<1x128xf32>
    %squeeze3A_153 = vector.shape_cast %slice3A_152 : vector<1x128xf32> to vector<128xf32>
    %swap3A_154 = arith.constant 0 : index
    %swap3A_155 = arith.constant 0 : index
    %swap3A_156 = arith.constant 896 : index
    %swap3A_157 = vector.load %arg2[%swap3A_154, %swap3A_155, %swap3A_156] : memref<1x1x4096xf32, #tpu.memory_space<vmem>>, vector<1x1x128xf32>
    %swap3A_158 = vector.shape_cast %swap3A_157 : vector<1x1x128xf32> to vector<128xf32>
    %swap3A_159 = vector.shape_cast %squeeze3A_153 : vector<128xf32> to vector<1x1x128xf32>
    tpu.vector_store %arg2[%swap3A_154, %swap3A_155, %swap3A_156], %swap3A_159 {strides = array<i32>} : memref<1x1x4096xf32, #tpu.memory_space<vmem>>, vector<1x1x128xf32>,
    %slice3A_160 = vector.extract_strided_slice %dot_general3A_151 {offsets = [1, 0], sizes = [1, 128], strides = [1, 1]} : vector<2x128xf32> to vector<1x128xf32>
    %squeeze3A_161 = vector.shape_cast %slice3A_160 : vector<1x128xf32> to vector<128xf32>
    %swap3A_162 = arith.constant 0 : index
    %swap3A_163 = arith.constant 0 : index
    %swap3A_164 = arith.constant 896 : index
    %swap3A_165 = vector.load %arg3[%swap3A_162, %swap3A_163, %swap3A_164] : memref<1x1x4096xf32, #tpu.memory_space<vmem>>, vector<1x1x128xf32>
    %swap3A_166 = vector.shape_cast %swap3A_165 : vector<1x1x128xf32> to vector<128xf32>
    %swap3A_167 = vector.shape_cast %squeeze3A_161 : vector<128xf32> to vector<1x1x128xf32>
    tpu.vector_store %arg3[%swap3A_162, %swap3A_163, %swap3A_164], %swap3A_167 {strides = array<i32>} : memref<1x1x4096xf32, #tpu.memory_space<vmem>>, vector<1x1x128xf32>,
    %slice3A_168 = vector.extract_strided_slice %concatenate3A {offsets = [1024, 0], sizes = [128, 2], strides = [1, 1]} : vector<4096x2xf32> to vector<128x2xf32>
    %dot_general3A_169 = arith.constant dense<0.000000e+00> : vector<2x128xf32>
    %dot_general3A_170 = tpu.matmul %slice3A_168, %convert_element_type3A_17, %dot_general3A_169 {dimension_numbers = #tpu.dot_dimension_numbers<[0], [0], [1], [1], [0, 1, 1, 1], [], []>, transpose_lhs_hint = false} : vector<128x2xf32>, vector<128x128xf32>, vector<2x128xf32> -> vector<2x128xf32>
    %slice3A_171 = vector.extract_strided_slice %dot_general3A_170 {offsets = [0, 0], sizes = [1, 128], strides = [1, 1]} : vector<2x128xf32> to vector<1x128xf32>
    %squeeze3A_172 = vector.shape_cast %slice3A_171 : vector<1x128xf32> to vector<128xf32>
    %swap3A_173 = arith.constant 0 : index
    %swap3A_174 = arith.constant 0 : index
    %swap3A_175 = arith.constant 1024 : index
    %swap3A_176 = vector.load %arg2[%swap3A_173, %swap3A_174, %swap3A_175] : memref<1x1x4096xf32, #tpu.memory_space<vmem>>, vector<1x1x128xf32>
    %swap3A_177 = vector.shape_cast %swap3A_176 : vector<1x1x128xf32> to vector<128xf32>
    %swap3A_178 = vector.shape_cast %squeeze3A_172 : vector<128xf32> to vector<1x1x128xf32>
    tpu.vector_store %arg2[%swap3A_173, %swap3A_174, %swap3A_175], %swap3A_178 {strides = array<i32>} : memref<1x1x4096xf32, #tpu.memory_space<vmem>>, vector<1x1x128xf32>,
    %slice3A_179 = vector.extract_strided_slice %dot_general3A_170 {offsets = [1, 0], sizes = [1, 128], strides = [1, 1]} : vector<2x128xf32> to vector<1x128xf32>
    %squeeze3A_180 = vector.shape_cast %slice3A_179 : vector<1x128xf32> to vector<128xf32>
    %swap3A_181 = arith.constant 0 : index
    %swap3A_182 = arith.constant 0 : index
    %swap3A_183 = arith.constant 1024 : index
    %swap3A_184 = vector.load %arg3[%swap3A_181, %swap3A_182, %swap3A_183] : memref<1x1x4096xf32, #tpu.memory_space<vmem>>, vector<1x1x128xf32>
    %swap3A_185 = vector.shape_cast %swap3A_184 : vector<1x1x128xf32> to vector<128xf32>
    %swap3A_186 = vector.shape_cast %squeeze3A_180 : vector<128xf32> to vector<1x1x128xf32>
    tpu.vector_store %arg3[%swap3A_181, %swap3A_182, %swap3A_183], %swap3A_186 {strides = array<i32>} : memref<1x1x4096xf32, #tpu.memory_space<vmem>>, vector<1x1x128xf32>,
    %slice3A_187 = vector.extract_strided_slice %concatenate3A {offsets = [1152, 0], sizes = [128, 2], strides = [1, 1]} : vector<4096x2xf32> to vector<128x2xf32>
    %dot_general3A_188 = arith.constant dense<0.000000e+00> : vector<2x128xf32>
    %dot_general3A_189 = tpu.matmul %slice3A_187, %convert_element_type3A_17, %dot_general3A_188 {dimension_numbers = #tpu.dot_dimension_numbers<[0], [0], [1], [1], [0, 1, 1, 1], [], []>, transpose_lhs_hint = false} : vector<128x2xf32>, vector<128x128xf32>, vector<2x128xf32> -> vector<2x128xf32>
    %slice3A_190 = vector.extract_strided_slice %dot_general3A_189 {offsets = [0, 0], sizes = [1, 128], strides = [1, 1]} : vector<2x128xf32> to vector<1x128xf32>
    %squeeze3A_191 = vector.shape_cast %slice3A_190 : vector<1x128xf32> to vector<128xf32>
    %swap3A_192 = arith.constant 0 : index
    %swap3A_193 = arith.constant 0 : index
    %swap3A_194 = arith.constant 1152 : index
    %swap3A_195 = vector.load %arg2[%swap3A_192, %swap3A_193, %swap3A_194] : memref<1x1x4096xf32, #tpu.memory_space<vmem>>, vector<1x1x128xf32>
    %swap3A_196 = vector.shape_cast %swap3A_195 : vector<1x1x128xf32> to vector<128xf32>
    %swap3A_197 = vector.shape_cast %squeeze3A_191 : vector<128xf32> to vector<1x1x128xf32>
    tpu.vector_store %arg2[%swap3A_192, %swap3A_193, %swap3A_194], %swap3A_197 {strides = array<i32>} : memref<1x1x4096xf32, #tpu.memory_space<vmem>>, vector<1x1x128xf32>,
    %slice3A_198 = vector.extract_strided_slice %dot_general3A_189 {offsets = [1, 0], sizes = [1, 128], strides = [1, 1]} : vector<2x128xf32> to vector<1x128xf32>
    %squeeze3A_199 = vector.shape_cast %slice3A_198 : vector<1x128xf32> to vector<128xf32>
    %swap3A_200 = arith.constant 0 : index
    %swap3A_201 = arith.constant 0 : index
    %swap3A_202 = arith.constant 1152 : index
    %swap3A_203 = vector.load %arg3[%swap3A_200, %swap3A_201, %swap3A_202] : memref<1x1x4096xf32, #tpu.memory_space<vmem>>, vector<1x1x128xf32>
    %swap3A_204 = vector.shape_cast %swap3A_203 : vector<1x1x128xf32> to vector<128xf32>
    %swap3A_205 = vector.shape_cast %squeeze3A_199 : vector<128xf32> to vector<1x1x128xf32>
    tpu.vector_store %arg3[%swap3A_200, %swap3A_201, %swap3A_202], %swap3A_205 {strides = array<i32>} : memref<1x1x4096xf32, #tpu.memory_space<vmem>>, vector<1x1x128xf32>,
    %slice3A_206 = vector.extract_strided_slice %concatenate3A {offsets = [1280, 0], sizes = [128, 2], strides = [1, 1]} : vector<4096x2xf32> to vector<128x2xf32>
    %dot_general3A_207 = arith.constant dense<0.000000e+00> : vector<2x128xf32>
    %dot_general3A_208 = tpu.matmul %slice3A_206, %convert_element_type3A_17, %dot_general3A_207 {dimension_numbers = #tpu.dot_dimension_numbers<[0], [0], [1], [1], [0, 1, 1, 1], [], []>, transpose_lhs_hint = false} : vector<128x2xf32>, vector<128x128xf32>, vector<2x128xf32> -> vector<2x128xf32>
    %slice3A_209 = vector.extract_strided_slice %dot_general3A_208 {offsets = [0, 0], sizes = [1, 128], strides = [1, 1]} : vector<2x128xf32> to vector<1x128xf32>
    %squeeze3A_210 = vector.shape_cast %slice3A_209 : vector<1x128xf32> to vector<128xf32>
    %swap3A_211 = arith.constant 0 : index
    %swap3A_212 = arith.constant 0 : index
    %swap3A_213 = arith.constant 1280 : index
    %swap3A_214 = vector.load %arg2[%swap3A_211, %swap3A_212, %swap3A_213] : memref<1x1x4096xf32, #tpu.memory_space<vmem>>, vector<1x1x128xf32>
    %swap3A_215 = vector.shape_cast %swap3A_214 : vector<1x1x128xf32> to vector<128xf32>
    %swap3A_216 = vector.shape_cast %squeeze3A_210 : vector<128xf32> to vector<1x1x128xf32>
    tpu.vector_store %arg2[%swap3A_211, %swap3A_212, %swap3A_213], %swap3A_216 {strides = array<i32>} : memref<1x1x4096xf32, #tpu.memory_space<vmem>>, vector<1x1x128xf32>,
    %slice3A_217 = vector.extract_strided_slice %dot_general3A_208 {offsets = [1, 0], sizes = [1, 128], strides = [1, 1]} : vector<2x128xf32> to vector<1x128xf32>
    %squeeze3A_218 = vector.shape_cast %slice3A_217 : vector<1x128xf32> to vector<128xf32>
    %swap3A_219 = arith.constant 0 : index
    %swap3A_220 = arith.constant 0 : index
    %swap3A_221 = arith.constant 1280 : index
    %swap3A_222 = vector.load %arg3[%swap3A_219, %swap3A_220, %swap3A_221] : memref<1x1x4096xf32, #tpu.memory_space<vmem>>, vector<1x1x128xf32>
    %swap3A_223 = vector.shape_cast %swap3A_222 : vector<1x1x128xf32> to vector<128xf32>
    %swap3A_224 = vector.shape_cast %squeeze3A_218 : vector<128xf32> to vector<1x1x128xf32>
    tpu.vector_store %arg3[%swap3A_219, %swap3A_220, %swap3A_221], %swap3A_224 {strides = array<i32>} : memref<1x1x4096xf32, #tpu.memory_space<vmem>>, vector<1x1x128xf32>,
    %slice3A_225 = vector.extract_strided_slice %concatenate3A {offsets = [1408, 0], sizes = [128, 2], strides = [1, 1]} : vector<4096x2xf32> to vector<128x2xf32>
    %dot_general3A_226 = arith.constant dense<0.000000e+00> : vector<2x128xf32>
    %dot_general3A_227 = tpu.matmul %slice3A_225, %convert_element_type3A_17, %dot_general3A_226 {dimension_numbers = #tpu.dot_dimension_numbers<[0], [0], [1], [1], [0, 1, 1, 1], [], []>, transpose_lhs_hint = false} : vector<128x2xf32>, vector<128x128xf32>, vector<2x128xf32> -> vector<2x128xf32>
    %slice3A_228 = vector.extract_strided_slice %dot_general3A_227 {offsets = [0, 0], sizes = [1, 128], strides = [1, 1]} : vector<2x128xf32> to vector<1x128xf32>
    %squeeze3A_229 = vector.shape_cast %slice3A_228 : vector<1x128xf32> to vector<128xf32>
    %swap3A_230 = arith.constant 0 : index
    %swap3A_231 = arith.constant 0 : index
    %swap3A_232 = arith.constant 1408 : index
    %swap3A_233 = vector.load %arg2[%swap3A_230, %swap3A_231, %swap3A_232] : memref<1x1x4096xf32, #tpu.memory_space<vmem>>, vector<1x1x128xf32>
    %swap3A_234 = vector.shape_cast %swap3A_233 : vector<1x1x128xf32> to vector<128xf32>
    %swap3A_235 = vector.shape_cast %squeeze3A_229 : vector<128xf32> to vector<1x1x128xf32>
    tpu.vector_store %arg2[%swap3A_230, %swap3A_231, %swap3A_232], %swap3A_235 {strides = array<i32>} : memref<1x1x4096xf32, #tpu.memory_space<vmem>>, vector<1x1x128xf32>,
    %slice3A_236 = vector.extract_strided_slice %dot_general3A_227 {offsets = [1, 0], sizes = [1, 128], strides = [1, 1]} : vector<2x128xf32> to vector<1x128xf32>
    %squeeze3A_237 = vector.shape_cast %slice3A_236 : vector<1x128xf32> to vector<128xf32>
    %swap3A_238 = arith.constant 0 : index
    %swap3A_239 = arith.constant 0 : index
    %swap3A_240 = arith.constant 1408 : index
    %swap3A_241 = vector.load %arg3[%swap3A_238, %swap3A_239, %swap3A_240] : memref<1x1x4096xf32, #tpu.memory_space<vmem>>, vector<1x1x128xf32>
    %swap3A_242 = vector.shape_cast %swap3A_241 : vector<1x1x128xf32> to vector<128xf32>
    %swap3A_243 = vector.shape_cast %squeeze3A_237 : vector<128xf32> to vector<1x1x128xf32>
    tpu.vector_store %arg3[%swap3A_238, %swap3A_239, %swap3A_240], %swap3A_243 {strides = array<i32>} : memref<1x1x4096xf32, #tpu.memory_space<vmem>>, vector<1x1x128xf32>,
    %slice3A_244 = vector.extract_strided_slice %concatenate3A {offsets = [1536, 0], sizes = [128, 2], strides = [1, 1]} : vector<4096x2xf32> to vector<128x2xf32>
    %dot_general3A_245 = arith.constant dense<0.000000e+00> : vector<2x128xf32>
    %dot_general3A_246 = tpu.matmul %slice3A_244, %convert_element_type3A_17, %dot_general3A_245 {dimension_numbers = #tpu.dot_dimension_numbers<[0], [0], [1], [1], [0, 1, 1, 1], [], []>, transpose_lhs_hint = false} : vector<128x2xf32>, vector<128x128xf32>, vector<2x128xf32> -> vector<2x128xf32>
    %slice3A_247 = vector.extract_strided_slice %dot_general3A_246 {offsets = [0, 0], sizes = [1, 128], strides = [1, 1]} : vector<2x128xf32> to vector<1x128xf32>
    %squeeze3A_248 = vector.shape_cast %slice3A_247 : vector<1x128xf32> to vector<128xf32>
    %swap3A_249 = arith.constant 0 : index
    %swap3A_250 = arith.constant 0 : index
    %swap3A_251 = arith.constant 1536 : index
    %swap3A_252 = vector.load %arg2[%swap3A_249, %swap3A_250, %swap3A_251] : memref<1x1x4096xf32, #tpu.memory_space<vmem>>, vector<1x1x128xf32>
    %swap3A_253 = vector.shape_cast %swap3A_252 : vector<1x1x128xf32> to vector<128xf32>
    %swap3A_254 = vector.shape_cast %squeeze3A_248 : vector<128xf32> to vector<1x1x128xf32>
    tpu.vector_store %arg2[%swap3A_249, %swap3A_250, %swap3A_251], %swap3A_254 {strides = array<i32>} : memref<1x1x4096xf32, #tpu.memory_space<vmem>>, vector<1x1x128xf32>,
    %slice3A_255 = vector.extract_strided_slice %dot_general3A_246 {offsets = [1, 0], sizes = [1, 128], strides = [1, 1]} : vector<2x128xf32> to vector<1x128xf32>
    %squeeze3A_256 = vector.shape_cast %slice3A_255 : vector<1x128xf32> to vector<128xf32>
    %swap3A_257 = arith.constant 0 : index
    %swap3A_258 = arith.constant 0 : index
    %swap3A_259 = arith.constant 1536 : index
    %swap3A_260 = vector.load %arg3[%swap3A_257, %swap3A_258, %swap3A_259] : memref<1x1x4096xf32, #tpu.memory_space<vmem>>, vector<1x1x128xf32>
    %swap3A_261 = vector.shape_cast %swap3A_260 : vector<1x1x128xf32> to vector<128xf32>
    %swap3A_262 = vector.shape_cast %squeeze3A_256 : vector<128xf32> to vector<1x1x128xf32>
    tpu.vector_store %arg3[%swap3A_257, %swap3A_258, %swap3A_259], %swap3A_262 {strides = array<i32>} : memref<1x1x4096xf32, #tpu.memory_space<vmem>>, vector<1x1x128xf32>,
    %slice3A_263 = vector.extract_strided_slice %concatenate3A {offsets = [1664, 0], sizes = [128, 2], strides = [1, 1]} : vector<4096x2xf32> to vector<128x2xf32>
    %dot_general3A_264 = arith.constant dense<0.000000e+00> : vector<2x128xf32>
    %dot_general3A_265 = tpu.matmul %slice3A_263, %convert_element_type3A_17, %dot_general3A_264 {dimension_numbers = #tpu.dot_dimension_numbers<[0], [0], [1], [1], [0, 1, 1, 1], [], []>, transpose_lhs_hint = false} : vector<128x2xf32>, vector<128x128xf32>, vector<2x128xf32> -> vector<2x128xf32>
    %slice3A_266 = vector.extract_strided_slice %dot_general3A_265 {offsets = [0, 0], sizes = [1, 128], strides = [1, 1]} : vector<2x128xf32> to vector<1x128xf32>
    %squeeze3A_267 = vector.shape_cast %slice3A_266 : vector<1x128xf32> to vector<128xf32>
    %swap3A_268 = arith.constant 0 : index
    %swap3A_269 = arith.constant 0 : index
    %swap3A_270 = arith.constant 1664 : index
    %swap3A_271 = vector.load %arg2[%swap3A_268, %swap3A_269, %swap3A_270] : memref<1x1x4096xf32, #tpu.memory_space<vmem>>, vector<1x1x128xf32>
    %swap3A_272 = vector.shape_cast %swap3A_271 : vector<1x1x128xf32> to vector<128xf32>
    %swap3A_273 = vector.shape_cast %squeeze3A_267 : vector<128xf32> to vector<1x1x128xf32>
    tpu.vector_store %arg2[%swap3A_268, %swap3A_269, %swap3A_270], %swap3A_273 {strides = array<i32>} : memref<1x1x4096xf32, #tpu.memory_space<vmem>>, vector<1x1x128xf32>,
    %slice3A_274 = vector.extract_strided_slice %dot_general3A_265 {offsets = [1, 0], sizes = [1, 128], strides = [1, 1]} : vector<2x128xf32> to vector<1x128xf32>
    %squeeze3A_275 = vector.shape_cast %slice3A_274 : vector<1x128xf32> to vector<128xf32>
    %swap3A_276 = arith.constant 0 : index
    %swap3A_277 = arith.constant 0 : index
    %swap3A_278 = arith.constant 1664 : index
    %swap3A_279 = vector.load %arg3[%swap3A_276, %swap3A_277, %swap3A_278] : memref<1x1x4096xf32, #tpu.memory_space<vmem>>, vector<1x1x128xf32>
    %swap3A_280 = vector.shape_cast %swap3A_279 : vector<1x1x128xf32> to vector<128xf32>
    %swap3A_281 = vector.shape_cast %squeeze3A_275 : vector<128xf32> to vector<1x1x128xf32>
    tpu.vector_store %arg3[%swap3A_276, %swap3A_277, %swap3A_278], %swap3A_281 {strides = array<i32>} : memref<1x1x4096xf32, #tpu.memory_space<vmem>>, vector<1x1x128xf32>,
    %slice3A_282 = vector.extract_strided_slice %concatenate3A {offsets = [1792, 0], sizes = [128, 2], strides = [1, 1]} : vector<4096x2xf32> to vector<128x2xf32>
    %dot_general3A_283 = arith.constant dense<0.000000e+00> : vector<2x128xf32>
    %dot_general3A_284 = tpu.matmul %slice3A_282, %convert_element_type3A_17, %dot_general3A_283 {dimension_numbers = #tpu.dot_dimension_numbers<[0], [0], [1], [1], [0, 1, 1, 1], [], []>, transpose_lhs_hint = false} : vector<128x2xf32>, vector<128x128xf32>, vector<2x128xf32> -> vector<2x128xf32>
    %slice3A_285 = vector.extract_strided_slice %dot_general3A_284 {offsets = [0, 0], sizes = [1, 128], strides = [1, 1]} : vector<2x128xf32> to vector<1x128xf32>
    %squeeze3A_286 = vector.shape_cast %slice3A_285 : vector<1x128xf32> to vector<128xf32>
    %swap3A_287 = arith.constant 0 : index
    %swap3A_288 = arith.constant 0 : index
    %swap3A_289 = arith.constant 1792 : index
    %swap3A_290 = vector.load %arg2[%swap3A_287, %swap3A_288, %swap3A_289] : memref<1x1x4096xf32, #tpu.memory_space<vmem>>, vector<1x1x128xf32>
    %swap3A_291 = vector.shape_cast %swap3A_290 : vector<1x1x128xf32> to vector<128xf32>
    %swap3A_292 = vector.shape_cast %squeeze3A_286 : vector<128xf32> to vector<1x1x128xf32>
    tpu.vector_store %arg2[%swap3A_287, %swap3A_288, %swap3A_289], %swap3A_292 {strides = array<i32>} : memref<1x1x4096xf32, #tpu.memory_space<vmem>>, vector<1x1x128xf32>,
    %slice3A_293 = vector.extract_strided_slice %dot_general3A_284 {offsets = [1, 0], sizes = [1, 128], strides = [1, 1]} : vector<2x128xf32> to vector<1x128xf32>
    %squeeze3A_294 = vector.shape_cast %slice3A_293 : vector<1x128xf32> to vector<128xf32>
    %swap3A_295 = arith.constant 0 : index
    %swap3A_296 = arith.constant 0 : index
    %swap3A_297 = arith.constant 1792 : index
    %swap3A_298 = vector.load %arg3[%swap3A_295, %swap3A_296, %swap3A_297] : memref<1x1x4096xf32, #tpu.memory_space<vmem>>, vector<1x1x128xf32>
    %swap3A_299 = vector.shape_cast %swap3A_298 : vector<1x1x128xf32> to vector<128xf32>
    %swap3A_300 = vector.shape_cast %squeeze3A_294 : vector<128xf32> to vector<1x1x128xf32>
    tpu.vector_store %arg3[%swap3A_295, %swap3A_296, %swap3A_297], %swap3A_300 {strides = array<i32>} : memref<1x1x4096xf32, #tpu.memory_space<vmem>>, vector<1x1x128xf32>,
    %slice3A_301 = vector.extract_strided_slice %concatenate3A {offsets = [1920, 0], sizes = [128, 2], strides = [1, 1]} : vector<4096x2xf32> to vector<128x2xf32>
    %dot_general3A_302 = arith.constant dense<0.000000e+00> : vector<2x128xf32>
    %dot_general3A_303 = tpu.matmul %slice3A_301, %convert_element_type3A_17, %dot_general3A_302 {dimension_numbers = #tpu.dot_dimension_numbers<[0], [0], [1], [1], [0, 1, 1, 1], [], []>, transpose_lhs_hint = false} : vector<128x2xf32>, vector<128x128xf32>, vector<2x128xf32> -> vector<2x128xf32>
    %slice3A_304 = vector.extract_strided_slice %dot_general3A_303 {offsets = [0, 0], sizes = [1, 128], strides = [1, 1]} : vector<2x128xf32> to vector<1x128xf32>
    %squeeze3A_305 = vector.shape_cast %slice3A_304 : vector<1x128xf32> to vector<128xf32>
    %swap3A_306 = arith.constant 0 : index
    %swap3A_307 = arith.constant 0 : index
    %swap3A_308 = arith.constant 1920 : index
    %swap3A_309 = vector.load %arg2[%swap3A_306, %swap3A_307, %swap3A_308] : memref<1x1x4096xf32, #tpu.memory_space<vmem>>, vector<1x1x128xf32>
    %swap3A_310 = vector.shape_cast %swap3A_309 : vector<1x1x128xf32> to vector<128xf32>
    %swap3A_311 = vector.shape_cast %squeeze3A_305 : vector<128xf32> to vector<1x1x128xf32>
    tpu.vector_store %arg2[%swap3A_306, %swap3A_307, %swap3A_308], %swap3A_311 {strides = array<i32>} : memref<1x1x4096xf32, #tpu.memory_space<vmem>>, vector<1x1x128xf32>,
    %slice3A_312 = vector.extract_strided_slice %dot_general3A_303 {offsets = [1, 0], sizes = [1, 128], strides = [1, 1]} : vector<2x128xf32> to vector<1x128xf32>
    %squeeze3A_313 = vector.shape_cast %slice3A_312 : vector<1x128xf32> to vector<128xf32>
    %swap3A_314 = arith.constant 0 : index
    %swap3A_315 = arith.constant 0 : index
    %swap3A_316 = arith.constant 1920 : index
    %swap3A_317 = vector.load %arg3[%swap3A_314, %swap3A_315, %swap3A_316] : memref<1x1x4096xf32, #tpu.memory_space<vmem>>, vector<1x1x128xf32>
    %swap3A_318 = vector.shape_cast %swap3A_317 : vector<1x1x128xf32> to vector<128xf32>
    %swap3A_319 = vector.shape_cast %squeeze3A_313 : vector<128xf32> to vector<1x1x128xf32>
    tpu.vector_store %arg3[%swap3A_314, %swap3A_315, %swap3A_316], %swap3A_319 {strides = array<i32>} : memref<1x1x4096xf32, #tpu.memory_space<vmem>>, vector<1x1x128xf32>,
    %slice3A_320 = vector.extract_strided_slice %concatenate3A {offsets = [2048, 0], sizes = [128, 2], strides = [1, 1]} : vector<4096x2xf32> to vector<128x2xf32>
    %dot_general3A_321 = arith.constant dense<0.000000e+00> : vector<2x128xf32>
    %dot_general3A_322 = tpu.matmul %slice3A_320, %convert_element_type3A_17, %dot_general3A_321 {dimension_numbers = #tpu.dot_dimension_numbers<[0], [0], [1], [1], [0, 1, 1, 1], [], []>, transpose_lhs_hint = false} : vector<128x2xf32>, vector<128x128xf32>, vector<2x128xf32> -> vector<2x128xf32>
    %slice3A_323 = vector.extract_strided_slice %dot_general3A_322 {offsets = [0, 0], sizes = [1, 128], strides = [1, 1]} : vector<2x128xf32> to vector<1x128xf32>
    %squeeze3A_324 = vector.shape_cast %slice3A_323 : vector<1x128xf32> to vector<128xf32>
    %swap3A_325 = arith.constant 0 : index
    %swap3A_326 = arith.constant 0 : index
    %swap3A_327 = arith.constant 2048 : index
    %swap3A_328 = vector.load %arg2[%swap3A_325, %swap3A_326, %swap3A_327] : memref<1x1x4096xf32, #tpu.memory_space<vmem>>, vector<1x1x128xf32>
    %swap3A_329 = vector.shape_cast %swap3A_328 : vector<1x1x128xf32> to vector<128xf32>
    %swap3A_330 = vector.shape_cast %squeeze3A_324 : vector<128xf32> to vector<1x1x128xf32>
    tpu.vector_store %arg2[%swap3A_325, %swap3A_326, %swap3A_327], %swap3A_330 {strides = array<i32>} : memref<1x1x4096xf32, #tpu.memory_space<vmem>>, vector<1x1x128xf32>,
    %slice3A_331 = vector.extract_strided_slice %dot_general3A_322 {offsets = [1, 0], sizes = [1, 128], strides = [1, 1]} : vector<2x128xf32> to vector<1x128xf32>
    %squeeze3A_332 = vector.shape_cast %slice3A_331 : vector<1x128xf32> to vector<128xf32>
    %swap3A_333 = arith.constant 0 : index
    %swap3A_334 = arith.constant 0 : index
    %swap3A_335 = arith.constant 2048 : index
    %swap3A_336 = vector.load %arg3[%swap3A_333, %swap3A_334, %swap3A_335] : memref<1x1x4096xf32, #tpu.memory_space<vmem>>, vector<1x1x128xf32>
    %swap3A_337 = vector.shape_cast %swap3A_336 : vector<1x1x128xf32> to vector<128xf32>
    %swap3A_338 = vector.shape_cast %squeeze3A_332 : vector<128xf32> to vector<1x1x128xf32>
    tpu.vector_store %arg3[%swap3A_333, %swap3A_334, %swap3A_335], %swap3A_338 {strides = array<i32>} : memref<1x1x4096xf32, #tpu.memory_space<vmem>>, vector<1x1x128xf32>,
    %slice3A_339 = vector.extract_strided_slice %concatenate3A {offsets = [2176, 0], sizes = [128, 2], strides = [1, 1]} : vector<4096x2xf32> to vector<128x2xf32>
    %dot_general3A_340 = arith.constant dense<0.000000e+00> : vector<2x128xf32>
    %dot_general3A_341 = tpu.matmul %slice3A_339, %convert_element_type3A_17, %dot_general3A_340 {dimension_numbers = #tpu.dot_dimension_numbers<[0], [0], [1], [1], [0, 1, 1, 1], [], []>, transpose_lhs_hint = false} : vector<128x2xf32>, vector<128x128xf32>, vector<2x128xf32> -> vector<2x128xf32>
    %slice3A_342 = vector.extract_strided_slice %dot_general3A_341 {offsets = [0, 0], sizes = [1, 128], strides = [1, 1]} : vector<2x128xf32> to vector<1x128xf32>
    %squeeze3A_343 = vector.shape_cast %slice3A_342 : vector<1x128xf32> to vector<128xf32>
    %swap3A_344 = arith.constant 0 : index
    %swap3A_345 = arith.constant 0 : index
    %swap3A_346 = arith.constant 2176 : index
    %swap3A_347 = vector.load %arg2[%swap3A_344, %swap3A_345, %swap3A_346] : memref<1x1x4096xf32, #tpu.memory_space<vmem>>, vector<1x1x128xf32>
    %swap3A_348 = vector.shape_cast %swap3A_347 : vector<1x1x128xf32> to vector<128xf32>
    %swap3A_349 = vector.shape_cast %squeeze3A_343 : vector<128xf32> to vector<1x1x128xf32>
    tpu.vector_store %arg2[%swap3A_344, %swap3A_345, %swap3A_346], %swap3A_349 {strides = array<i32>} : memref<1x1x4096xf32, #tpu.memory_space<vmem>>, vector<1x1x128xf32>,
    %slice3A_350 = vector.extract_strided_slice %dot_general3A_341 {offsets = [1, 0], sizes = [1, 128], strides = [1, 1]} : vector<2x128xf32> to vector<1x128xf32>
    %squeeze3A_351 = vector.shape_cast %slice3A_350 : vector<1x128xf32> to vector<128xf32>
    %swap3A_352 = arith.constant 0 : index
    %swap3A_353 = arith.constant 0 : index
    %swap3A_354 = arith.constant 2176 : index
    %swap3A_355 = vector.load %arg3[%swap3A_352, %swap3A_353, %swap3A_354] : memref<1x1x4096xf32, #tpu.memory_space<vmem>>, vector<1x1x128xf32>
    %swap3A_356 = vector.shape_cast %swap3A_355 : vector<1x1x128xf32> to vector<128xf32>
    %swap3A_357 = vector.shape_cast %squeeze3A_351 : vector<128xf32> to vector<1x1x128xf32>
    tpu.vector_store %arg3[%swap3A_352, %swap3A_353, %swap3A_354], %swap3A_357 {strides = array<i32>} : memref<1x1x4096xf32, #tpu.memory_space<vmem>>, vector<1x1x128xf32>,
    %slice3A_358 = vector.extract_strided_slice %concatenate3A {offsets = [2304, 0], sizes = [128, 2], strides = [1, 1]} : vector<4096x2xf32> to vector<128x2xf32>
    %dot_general3A_359 = arith.constant dense<0.000000e+00> : vector<2x128xf32>
    %dot_general3A_360 = tpu.matmul %slice3A_358, %convert_element_type3A_17, %dot_general3A_359 {dimension_numbers = #tpu.dot_dimension_numbers<[0], [0], [1], [1], [0, 1, 1, 1], [], []>, transpose_lhs_hint = false} : vector<128x2xf32>, vector<128x128xf32>, vector<2x128xf32> -> vector<2x128xf32>
    %slice3A_361 = vector.extract_strided_slice %dot_general3A_360 {offsets = [0, 0], sizes = [1, 128], strides = [1, 1]} : vector<2x128xf32> to vector<1x128xf32>
    %squeeze3A_362 = vector.shape_cast %slice3A_361 : vector<1x128xf32> to vector<128xf32>
    %swap3A_363 = arith.constant 0 : index
    %swap3A_364 = arith.constant 0 : index
    %swap3A_365 = arith.constant 2304 : index
    %swap3A_366 = vector.load %arg2[%swap3A_363, %swap3A_364, %swap3A_365] : memref<1x1x4096xf32, #tpu.memory_space<vmem>>, vector<1x1x128xf32>
    %swap3A_367 = vector.shape_cast %swap3A_366 : vector<1x1x128xf32> to vector<128xf32>
    %swap3A_368 = vector.shape_cast %squeeze3A_362 : vector<128xf32> to vector<1x1x128xf32>
    tpu.vector_store %arg2[%swap3A_363, %swap3A_364, %swap3A_365], %swap3A_368 {strides = array<i32>} : memref<1x1x4096xf32, #tpu.memory_space<vmem>>, vector<1x1x128xf32>,
    %slice3A_369 = vector.extract_strided_slice %dot_general3A_360 {offsets = [1, 0], sizes = [1, 128], strides = [1, 1]} : vector<2x128xf32> to vector<1x128xf32>
    %squeeze3A_370 = vector.shape_cast %slice3A_369 : vector<1x128xf32> to vector<128xf32>
    %swap3A_371 = arith.constant 0 : index
    %swap3A_372 = arith.constant 0 : index
    %swap3A_373 = arith.constant 2304 : index
    %swap3A_374 = vector.load %arg3[%swap3A_371, %swap3A_372, %swap3A_373] : memref<1x1x4096xf32, #tpu.memory_space<vmem>>, vector<1x1x128xf32>
    %swap3A_375 = vector.shape_cast %swap3A_374 : vector<1x1x128xf32> to vector<128xf32>
    %swap3A_376 = vector.shape_cast %squeeze3A_370 : vector<128xf32> to vector<1x1x128xf32>
    tpu.vector_store %arg3[%swap3A_371, %swap3A_372, %swap3A_373], %swap3A_376 {strides = array<i32>} : memref<1x1x4096xf32, #tpu.memory_space<vmem>>, vector<1x1x128xf32>,
    %slice3A_377 = vector.extract_strided_slice %concatenate3A {offsets = [2432, 0], sizes = [128, 2], strides = [1, 1]} : vector<4096x2xf32> to vector<128x2xf32>
    %dot_general3A_378 = arith.constant dense<0.000000e+00> : vector<2x128xf32>
    %dot_general3A_379 = tpu.matmul %slice3A_377, %convert_element_type3A_17, %dot_general3A_378 {dimension_numbers = #tpu.dot_dimension_numbers<[0], [0], [1], [1], [0, 1, 1, 1], [], []>, transpose_lhs_hint = false} : vector<128x2xf32>, vector<128x128xf32>, vector<2x128xf32> -> vector<2x128xf32>
    %slice3A_380 = vector.extract_strided_slice %dot_general3A_379 {offsets = [0, 0], sizes = [1, 128], strides = [1, 1]} : vector<2x128xf32> to vector<1x128xf32>
    %squeeze3A_381 = vector.shape_cast %slice3A_380 : vector<1x128xf32> to vector<128xf32>
    %swap3A_382 = arith.constant 0 : index
    %swap3A_383 = arith.constant 0 : index
    %swap3A_384 = arith.constant 2432 : index
    %swap3A_385 = vector.load %arg2[%swap3A_382, %swap3A_383, %swap3A_384] : memref<1x1x4096xf32, #tpu.memory_space<vmem>>, vector<1x1x128xf32>
    %swap3A_386 = vector.shape_cast %swap3A_385 : vector<1x1x128xf32> to vector<128xf32>
    %swap3A_387 = vector.shape_cast %squeeze3A_381 : vector<128xf32> to vector<1x1x128xf32>
    tpu.vector_store %arg2[%swap3A_382, %swap3A_383, %swap3A_384], %swap3A_387 {strides = array<i32>} : memref<1x1x4096xf32, #tpu.memory_space<vmem>>, vector<1x1x128xf32>,
    %slice3A_388 = vector.extract_strided_slice %dot_general3A_379 {offsets = [1, 0], sizes = [1, 128], strides = [1, 1]} : vector<2x128xf32> to vector<1x128xf32>
    %squeeze3A_389 = vector.shape_cast %slice3A_388 : vector<1x128xf32> to vector<128xf32>
    %swap3A_390 = arith.constant 0 : index
    %swap3A_391 = arith.constant 0 : index
    %swap3A_392 = arith.constant 2432 : index
    %swap3A_393 = vector.load %arg3[%swap3A_390, %swap3A_391, %swap3A_392] : memref<1x1x4096xf32, #tpu.memory_space<vmem>>, vector<1x1x128xf32>
    %swap3A_394 = vector.shape_cast %swap3A_393 : vector<1x1x128xf32> to vector<128xf32>
    %swap3A_395 = vector.shape_cast %squeeze3A_389 : vector<128xf32> to vector<1x1x128xf32>
    tpu.vector_store %arg3[%swap3A_390, %swap3A_391, %swap3A_392], %swap3A_395 {strides = array<i32>} : memref<1x1x4096xf32, #tpu.memory_space<vmem>>, vector<1x1x128xf32>,
    %slice3A_396 = vector.extract_strided_slice %concatenate3A {offsets = [2560, 0], sizes = [128, 2], strides = [1, 1]} : vector<4096x2xf32> to vector<128x2xf32>
    %dot_general3A_397 = arith.constant dense<0.000000e+00> : vector<2x128xf32>
    %dot_general3A_398 = tpu.matmul %slice3A_396, %convert_element_type3A_17, %dot_general3A_397 {dimension_numbers = #tpu.dot_dimension_numbers<[0], [0], [1], [1], [0, 1, 1, 1], [], []>, transpose_lhs_hint = false} : vector<128x2xf32>, vector<128x128xf32>, vector<2x128xf32> -> vector<2x128xf32>
    %slice3A_399 = vector.extract_strided_slice %dot_general3A_398 {offsets = [0, 0], sizes = [1, 128], strides = [1, 1]} : vector<2x128xf32> to vector<1x128xf32>
    %squeeze3A_400 = vector.shape_cast %slice3A_399 : vector<1x128xf32> to vector<128xf32>
    %swap3A_401 = arith.constant 0 : index
    %swap3A_402 = arith.constant 0 : index
    %swap3A_403 = arith.constant 2560 : index
    %swap3A_404 = vector.load %arg2[%swap3A_401, %swap3A_402, %swap3A_403] : memref<1x1x4096xf32, #tpu.memory_space<vmem>>, vector<1x1x128xf32>
    %swap3A_405 = vector.shape_cast %swap3A_404 : vector<1x1x128xf32> to vector<128xf32>
    %swap3A_406 = vector.shape_cast %squeeze3A_400 : vector<128xf32> to vector<1x1x128xf32>
    tpu.vector_store %arg2[%swap3A_401, %swap3A_402, %swap3A_403], %swap3A_406 {strides = array<i32>} : memref<1x1x4096xf32, #tpu.memory_space<vmem>>, vector<1x1x128xf32>,
    %slice3A_407 = vector.extract_strided_slice %dot_general3A_398 {offsets = [1, 0], sizes = [1, 128], strides = [1, 1]} : vector<2x128xf32> to vector<1x128xf32>
    %squeeze3A_408 = vector.shape_cast %slice3A_407 : vector<1x128xf32> to vector<128xf32>
    %swap3A_409 = arith.constant 0 : index
    %swap3A_410 = arith.constant 0 : index
    %swap3A_411 = arith.constant 2560 : index
    %swap3A_412 = vector.load %arg3[%swap3A_409, %swap3A_410, %swap3A_411] : memref<1x1x4096xf32, #tpu.memory_space<vmem>>, vector<1x1x128xf32>
    %swap3A_413 = vector.shape_cast %swap3A_412 : vector<1x1x128xf32> to vector<128xf32>
    %swap3A_414 = vector.shape_cast %squeeze3A_408 : vector<128xf32> to vector<1x1x128xf32>
    tpu.vector_store %arg3[%swap3A_409, %swap3A_410, %swap3A_411], %swap3A_414 {strides = array<i32>} : memref<1x1x4096xf32, #tpu.memory_space<vmem>>, vector<1x1x128xf32>,
    %slice3A_415 = vector.extract_strided_slice %concatenate3A {offsets = [2688, 0], sizes = [128, 2], strides = [1, 1]} : vector<4096x2xf32> to vector<128x2xf32>
    %dot_general3A_416 = arith.constant dense<0.000000e+00> : vector<2x128xf32>
    %dot_general3A_417 = tpu.matmul %slice3A_415, %convert_element_type3A_17, %dot_general3A_416 {dimension_numbers = #tpu.dot_dimension_numbers<[0], [0], [1], [1], [0, 1, 1, 1], [], []>, transpose_lhs_hint = false} : vector<128x2xf32>, vector<128x128xf32>, vector<2x128xf32> -> vector<2x128xf32>
    %slice3A_418 = vector.extract_strided_slice %dot_general3A_417 {offsets = [0, 0], sizes = [1, 128], strides = [1, 1]} : vector<2x128xf32> to vector<1x128xf32>
    %squeeze3A_419 = vector.shape_cast %slice3A_418 : vector<1x128xf32> to vector<128xf32>
    %swap3A_420 = arith.constant 0 : index
    %swap3A_421 = arith.constant 0 : index
    %swap3A_422 = arith.constant 2688 : index
    %swap3A_423 = vector.load %arg2[%swap3A_420, %swap3A_421, %swap3A_422] : memref<1x1x4096xf32, #tpu.memory_space<vmem>>, vector<1x1x128xf32>
    %swap3A_424 = vector.shape_cast %swap3A_423 : vector<1x1x128xf32> to vector<128xf32>
    %swap3A_425 = vector.shape_cast %squeeze3A_419 : vector<128xf32> to vector<1x1x128xf32>
    tpu.vector_store %arg2[%swap3A_420, %swap3A_421, %swap3A_422], %swap3A_425 {strides = array<i32>} : memref<1x1x4096xf32, #tpu.memory_space<vmem>>, vector<1x1x128xf32>,
    %slice3A_426 = vector.extract_strided_slice %dot_general3A_417 {offsets = [1, 0], sizes = [1, 128], strides = [1, 1]} : vector<2x128xf32> to vector<1x128xf32>
    %squeeze3A_427 = vector.shape_cast %slice3A_426 : vector<1x128xf32> to vector<128xf32>
    %swap3A_428 = arith.constant 0 : index
    %swap3A_429 = arith.constant 0 : index
    %swap3A_430 = arith.constant 2688 : index
    %swap3A_431 = vector.load %arg3[%swap3A_428, %swap3A_429, %swap3A_430] : memref<1x1x4096xf32, #tpu.memory_space<vmem>>, vector<1x1x128xf32>
    %swap3A_432 = vector.shape_cast %swap3A_431 : vector<1x1x128xf32> to vector<128xf32>
    %swap3A_433 = vector.shape_cast %squeeze3A_427 : vector<128xf32> to vector<1x1x128xf32>
    tpu.vector_store %arg3[%swap3A_428, %swap3A_429, %swap3A_430], %swap3A_433 {strides = array<i32>} : memref<1x1x4096xf32, #tpu.memory_space<vmem>>, vector<1x1x128xf32>,
    %slice3A_434 = vector.extract_strided_slice %concatenate3A {offsets = [2816, 0], sizes = [128, 2], strides = [1, 1]} : vector<4096x2xf32> to vector<128x2xf32>
    %dot_general3A_435 = arith.constant dense<0.000000e+00> : vector<2x128xf32>
    %dot_general3A_436 = tpu.matmul %slice3A_434, %convert_element_type3A_17, %dot_general3A_435 {dimension_numbers = #tpu.dot_dimension_numbers<[0], [0], [1], [1], [0, 1, 1, 1], [], []>, transpose_lhs_hint = false} : vector<128x2xf32>, vector<128x128xf32>, vector<2x128xf32> -> vector<2x128xf32>
    %slice3A_437 = vector.extract_strided_slice %dot_general3A_436 {offsets = [0, 0], sizes = [1, 128], strides = [1, 1]} : vector<2x128xf32> to vector<1x128xf32>
    %squeeze3A_438 = vector.shape_cast %slice3A_437 : vector<1x128xf32> to vector<128xf32>
    %swap3A_439 = arith.constant 0 : index
    %swap3A_440 = arith.constant 0 : index
    %swap3A_441 = arith.constant 2816 : index
    %swap3A_442 = vector.load %arg2[%swap3A_439, %swap3A_440, %swap3A_441] : memref<1x1x4096xf32, #tpu.memory_space<vmem>>, vector<1x1x128xf32>
    %swap3A_443 = vector.shape_cast %swap3A_442 : vector<1x1x128xf32> to vector<128xf32>
    %swap3A_444 = vector.shape_cast %squeeze3A_438 : vector<128xf32> to vector<1x1x128xf32>
    tpu.vector_store %arg2[%swap3A_439, %swap3A_440, %swap3A_441], %swap3A_444 {strides = array<i32>} : memref<1x1x4096xf32, #tpu.memory_space<vmem>>, vector<1x1x128xf32>,
    %slice3A_445 = vector.extract_strided_slice %dot_general3A_436 {offsets = [1, 0], sizes = [1, 128], strides = [1, 1]} : vector<2x128xf32> to vector<1x128xf32>
    %squeeze3A_446 = vector.shape_cast %slice3A_445 : vector<1x128xf32> to vector<128xf32>
    %swap3A_447 = arith.constant 0 : index
    %swap3A_448 = arith.constant 0 : index
    %swap3A_449 = arith.constant 2816 : index
    %swap3A_450 = vector.load %arg3[%swap3A_447, %swap3A_448, %swap3A_449] : memref<1x1x4096xf32, #tpu.memory_space<vmem>>, vector<1x1x128xf32>
    %swap3A_451 = vector.shape_cast %swap3A_450 : vector<1x1x128xf32> to vector<128xf32>
    %swap3A_452 = vector.shape_cast %squeeze3A_446 : vector<128xf32> to vector<1x1x128xf32>
    tpu.vector_store %arg3[%swap3A_447, %swap3A_448, %swap3A_449], %swap3A_452 {strides = array<i32>} : memref<1x1x4096xf32, #tpu.memory_space<vmem>>, vector<1x1x128xf32>,
    %slice3A_453 = vector.extract_strided_slice %concatenate3A {offsets = [2944, 0], sizes = [128, 2], strides = [1, 1]} : vector<4096x2xf32> to vector<128x2xf32>
    %dot_general3A_454 = arith.constant dense<0.000000e+00> : vector<2x128xf32>
    %dot_general3A_455 = tpu.matmul %slice3A_453, %convert_element_type3A_17, %dot_general3A_454 {dimension_numbers = #tpu.dot_dimension_numbers<[0], [0], [1], [1], [0, 1, 1, 1], [], []>, transpose_lhs_hint = false} : vector<128x2xf32>, vector<128x128xf32>, vector<2x128xf32> -> vector<2x128xf32>
    %slice3A_456 = vector.extract_strided_slice %dot_general3A_455 {offsets = [0, 0], sizes = [1, 128], strides = [1, 1]} : vector<2x128xf32> to vector<1x128xf32>
    %squeeze3A_457 = vector.shape_cast %slice3A_456 : vector<1x128xf32> to vector<128xf32>
    %swap3A_458 = arith.constant 0 : index
    %swap3A_459 = arith.constant 0 : index
    %swap3A_460 = arith.constant 2944 : index
    %swap3A_461 = vector.load %arg2[%swap3A_458, %swap3A_459, %swap3A_460] : memref<1x1x4096xf32, #tpu.memory_space<vmem>>, vector<1x1x128xf32>
    %swap3A_462 = vector.shape_cast %swap3A_461 : vector<1x1x128xf32> to vector<128xf32>
    %swap3A_463 = vector.shape_cast %squeeze3A_457 : vector<128xf32> to vector<1x1x128xf32>
    tpu.vector_store %arg2[%swap3A_458, %swap3A_459, %swap3A_460], %swap3A_463 {strides = array<i32>} : memref<1x1x4096xf32, #tpu.memory_space<vmem>>, vector<1x1x128xf32>,
    %slice3A_464 = vector.extract_strided_slice %dot_general3A_455 {offsets = [1, 0], sizes = [1, 128], strides = [1, 1]} : vector<2x128xf32> to vector<1x128xf32>
    %squeeze3A_465 = vector.shape_cast %slice3A_464 : vector<1x128xf32> to vector<128xf32>
    %swap3A_466 = arith.constant 0 : index
    %swap3A_467 = arith.constant 0 : index
    %swap3A_468 = arith.constant 2944 : index
    %swap3A_469 = vector.load %arg3[%swap3A_466, %swap3A_467, %swap3A_468] : memref<1x1x4096xf32, #tpu.memory_space<vmem>>, vector<1x1x128xf32>
    %swap3A_470 = vector.shape_cast %swap3A_469 : vector<1x1x128xf32> to vector<128xf32>
    %swap3A_471 = vector.shape_cast %squeeze3A_465 : vector<128xf32> to vector<1x1x128xf32>
    tpu.vector_store %arg3[%swap3A_466, %swap3A_467, %swap3A_468], %swap3A_471 {strides = array<i32>} : memref<1x1x4096xf32, #tpu.memory_space<vmem>>, vector<1x1x128xf32>,
    %slice3A_472 = vector.extract_strided_slice %concatenate3A {offsets = [3072, 0], sizes = [128, 2], strides = [1, 1]} : vector<4096x2xf32> to vector<128x2xf32>
    %dot_general3A_473 = arith.constant dense<0.000000e+00> : vector<2x128xf32>
    %dot_general3A_474 = tpu.matmul %slice3A_472, %convert_element_type3A_17, %dot_general3A_473 {dimension_numbers = #tpu.dot_dimension_numbers<[0], [0], [1], [1], [0, 1, 1, 1], [], []>, transpose_lhs_hint = false} : vector<128x2xf32>, vector<128x128xf32>, vector<2x128xf32> -> vector<2x128xf32>
    %slice3A_475 = vector.extract_strided_slice %dot_general3A_474 {offsets = [0, 0], sizes = [1, 128], strides = [1, 1]} : vector<2x128xf32> to vector<1x128xf32>
    %squeeze3A_476 = vector.shape_cast %slice3A_475 : vector<1x128xf32> to vector<128xf32>
    %swap3A_477 = arith.constant 0 : index
    %swap3A_478 = arith.constant 0 : index
    %swap3A_479 = arith.constant 3072 : index
    %swap3A_480 = vector.load %arg2[%swap3A_477, %swap3A_478, %swap3A_479] : memref<1x1x4096xf32, #tpu.memory_space<vmem>>, vector<1x1x128xf32>
    %swap3A_481 = vector.shape_cast %swap3A_480 : vector<1x1x128xf32> to vector<128xf32>
    %swap3A_482 = vector.shape_cast %squeeze3A_476 : vector<128xf32> to vector<1x1x128xf32>
    tpu.vector_store %arg2[%swap3A_477, %swap3A_478, %swap3A_479], %swap3A_482 {strides = array<i32>} : memref<1x1x4096xf32, #tpu.memory_space<vmem>>, vector<1x1x128xf32>,
    %slice3A_483 = vector.extract_strided_slice %dot_general3A_474 {offsets = [1, 0], sizes = [1, 128], strides = [1, 1]} : vector<2x128xf32> to vector<1x128xf32>
    %squeeze3A_484 = vector.shape_cast %slice3A_483 : vector<1x128xf32> to vector<128xf32>
    %swap3A_485 = arith.constant 0 : index
    %swap3A_486 = arith.constant 0 : index
    %swap3A_487 = arith.constant 3072 : index
    %swap3A_488 = vector.load %arg3[%swap3A_485, %swap3A_486, %swap3A_487] : memref<1x1x4096xf32, #tpu.memory_space<vmem>>, vector<1x1x128xf32>
    %swap3A_489 = vector.shape_cast %swap3A_488 : vector<1x1x128xf32> to vector<128xf32>
    %swap3A_490 = vector.shape_cast %squeeze3A_484 : vector<128xf32> to vector<1x1x128xf32>
    tpu.vector_store %arg3[%swap3A_485, %swap3A_486, %swap3A_487], %swap3A_490 {strides = array<i32>} : memref<1x1x4096xf32, #tpu.memory_space<vmem>>, vector<1x1x128xf32>,
    %slice3A_491 = vector.extract_strided_slice %concatenate3A {offsets = [3200, 0], sizes = [128, 2], strides = [1, 1]} : vector<4096x2xf32> to vector<128x2xf32>
    %dot_general3A_492 = arith.constant dense<0.000000e+00> : vector<2x128xf32>
    %dot_general3A_493 = tpu.matmul %slice3A_491, %convert_element_type3A_17, %dot_general3A_492 {dimension_numbers = #tpu.dot_dimension_numbers<[0], [0], [1], [1], [0, 1, 1, 1], [], []>, transpose_lhs_hint = false} : vector<128x2xf32>, vector<128x128xf32>, vector<2x128xf32> -> vector<2x128xf32>
    %slice3A_494 = vector.extract_strided_slice %dot_general3A_493 {offsets = [0, 0], sizes = [1, 128], strides = [1, 1]} : vector<2x128xf32> to vector<1x128xf32>
    %squeeze3A_495 = vector.shape_cast %slice3A_494 : vector<1x128xf32> to vector<128xf32>
    %swap3A_496 = arith.constant 0 : index
    %swap3A_497 = arith.constant 0 : index
    %swap3A_498 = arith.constant 3200 : index
    %swap3A_499 = vector.load %arg2[%swap3A_496, %swap3A_497, %swap3A_498] : memref<1x1x4096xf32, #tpu.memory_space<vmem>>, vector<1x1x128xf32>
    %swap3A_500 = vector.shape_cast %swap3A_499 : vector<1x1x128xf32> to vector<128xf32>
    %swap3A_501 = vector.shape_cast %squeeze3A_495 : vector<128xf32> to vector<1x1x128xf32>
    tpu.vector_store %arg2[%swap3A_496, %swap3A_497, %swap3A_498], %swap3A_501 {strides = array<i32>} : memref<1x1x4096xf32, #tpu.memory_space<vmem>>, vector<1x1x128xf32>,
    %slice3A_502 = vector.extract_strided_slice %dot_general3A_493 {offsets = [1, 0], sizes = [1, 128], strides = [1, 1]} : vector<2x128xf32> to vector<1x128xf32>
    %squeeze3A_503 = vector.shape_cast %slice3A_502 : vector<1x128xf32> to vector<128xf32>
    %swap3A_504 = arith.constant 0 : index
    %swap3A_505 = arith.constant 0 : index
    %swap3A_506 = arith.constant 3200 : index
    %swap3A_507 = vector.load %arg3[%swap3A_504, %swap3A_505, %swap3A_506] : memref<1x1x4096xf32, #tpu.memory_space<vmem>>, vector<1x1x128xf32>
    %swap3A_508 = vector.shape_cast %swap3A_507 : vector<1x1x128xf32> to vector<128xf32>
    %swap3A_509 = vector.shape_cast %squeeze3A_503 : vector<128xf32> to vector<1x1x128xf32>
    tpu.vector_store %arg3[%swap3A_504, %swap3A_505, %swap3A_506], %swap3A_509 {strides = array<i32>} : memref<1x1x4096xf32, #tpu.memory_space<vmem>>, vector<1x1x128xf32>,
    %slice3A_510 = vector.extract_strided_slice %concatenate3A {offsets = [3328, 0], sizes = [128, 2], strides = [1, 1]} : vector<4096x2xf32> to vector<128x2xf32>
    %dot_general3A_511 = arith.constant dense<0.000000e+00> : vector<2x128xf32>
    %dot_general3A_512 = tpu.matmul %slice3A_510, %convert_element_type3A_17, %dot_general3A_511 {dimension_numbers = #tpu.dot_dimension_numbers<[0], [0], [1], [1], [0, 1, 1, 1], [], []>, transpose_lhs_hint = false} : vector<128x2xf32>, vector<128x128xf32>, vector<2x128xf32> -> vector<2x128xf32>
    %slice3A_513 = vector.extract_strided_slice %dot_general3A_512 {offsets = [0, 0], sizes = [1, 128], strides = [1, 1]} : vector<2x128xf32> to vector<1x128xf32>
    %squeeze3A_514 = vector.shape_cast %slice3A_513 : vector<1x128xf32> to vector<128xf32>
    %swap3A_515 = arith.constant 0 : index
    %swap3A_516 = arith.constant 0 : index
    %swap3A_517 = arith.constant 3328 : index
    %swap3A_518 = vector.load %arg2[%swap3A_515, %swap3A_516, %swap3A_517] : memref<1x1x4096xf32, #tpu.memory_space<vmem>>, vector<1x1x128xf32>
    %swap3A_519 = vector.shape_cast %swap3A_518 : vector<1x1x128xf32> to vector<128xf32>
    %swap3A_520 = vector.shape_cast %squeeze3A_514 : vector<128xf32> to vector<1x1x128xf32>
    tpu.vector_store %arg2[%swap3A_515, %swap3A_516, %swap3A_517], %swap3A_520 {strides = array<i32>} : memref<1x1x4096xf32, #tpu.memory_space<vmem>>, vector<1x1x128xf32>,
    %slice3A_521 = vector.extract_strided_slice %dot_general3A_512 {offsets = [1, 0], sizes = [1, 128], strides = [1, 1]} : vector<2x128xf32> to vector<1x128xf32>
    %squeeze3A_522 = vector.shape_cast %slice3A_521 : vector<1x128xf32> to vector<128xf32>
    %swap3A_523 = arith.constant 0 : index
    %swap3A_524 = arith.constant 0 : index
    %swap3A_525 = arith.constant 3328 : index
    %swap3A_526 = vector.load %arg3[%swap3A_523, %swap3A_524, %swap3A_525] : memref<1x1x4096xf32, #tpu.memory_space<vmem>>, vector<1x1x128xf32>
    %swap3A_527 = vector.shape_cast %swap3A_526 : vector<1x1x128xf32> to vector<128xf32>
    %swap3A_528 = vector.shape_cast %squeeze3A_522 : vector<128xf32> to vector<1x1x128xf32>
    tpu.vector_store %arg3[%swap3A_523, %swap3A_524, %swap3A_525], %swap3A_528 {strides = array<i32>} : memref<1x1x4096xf32, #tpu.memory_space<vmem>>, vector<1x1x128xf32>,
    %slice3A_529 = vector.extract_strided_slice %concatenate3A {offsets = [3456, 0], sizes = [128, 2], strides = [1, 1]} : vector<4096x2xf32> to vector<128x2xf32>
    %dot_general3A_530 = arith.constant dense<0.000000e+00> : vector<2x128xf32>
    %dot_general3A_531 = tpu.matmul %slice3A_529, %convert_element_type3A_17, %dot_general3A_530 {dimension_numbers = #tpu.dot_dimension_numbers<[0], [0], [1], [1], [0, 1, 1, 1], [], []>, transpose_lhs_hint = false} : vector<128x2xf32>, vector<128x128xf32>, vector<2x128xf32> -> vector<2x128xf32>
    %slice3A_532 = vector.extract_strided_slice %dot_general3A_531 {offsets = [0, 0], sizes = [1, 128], strides = [1, 1]} : vector<2x128xf32> to vector<1x128xf32>
    %squeeze3A_533 = vector.shape_cast %slice3A_532 : vector<1x128xf32> to vector<128xf32>
    %swap3A_534 = arith.constant 0 : index
    %swap3A_535 = arith.constant 0 : index
    %swap3A_536 = arith.constant 3456 : index
    %swap3A_537 = vector.load %arg2[%swap3A_534, %swap3A_535, %swap3A_536] : memref<1x1x4096xf32, #tpu.memory_space<vmem>>, vector<1x1x128xf32>
    %swap3A_538 = vector.shape_cast %swap3A_537 : vector<1x1x128xf32> to vector<128xf32>
    %swap3A_539 = vector.shape_cast %squeeze3A_533 : vector<128xf32> to vector<1x1x128xf32>
    tpu.vector_store %arg2[%swap3A_534, %swap3A_535, %swap3A_536], %swap3A_539 {strides = array<i32>} : memref<1x1x4096xf32, #tpu.memory_space<vmem>>, vector<1x1x128xf32>,
    %slice3A_540 = vector.extract_strided_slice %dot_general3A_531 {offsets = [1, 0], sizes = [1, 128], strides = [1, 1]} : vector<2x128xf32> to vector<1x128xf32>
    %squeeze3A_541 = vector.shape_cast %slice3A_540 : vector<1x128xf32> to vector<128xf32>
    %swap3A_542 = arith.constant 0 : index
    %swap3A_543 = arith.constant 0 : index
    %swap3A_544 = arith.constant 3456 : index
    %swap3A_545 = vector.load %arg3[%swap3A_542, %swap3A_543, %swap3A_544] : memref<1x1x4096xf32, #tpu.memory_space<vmem>>, vector<1x1x128xf32>
    %swap3A_546 = vector.shape_cast %swap3A_545 : vector<1x1x128xf32> to vector<128xf32>
    %swap3A_547 = vector.shape_cast %squeeze3A_541 : vector<128xf32> to vector<1x1x128xf32>
    tpu.vector_store %arg3[%swap3A_542, %swap3A_543, %swap3A_544], %swap3A_547 {strides = array<i32>} : memref<1x1x4096xf32, #tpu.memory_space<vmem>>, vector<1x1x128xf32>,
    %slice3A_548 = vector.extract_strided_slice %concatenate3A {offsets = [3584, 0], sizes = [128, 2], strides = [1, 1]} : vector<4096x2xf32> to vector<128x2xf32>
    %dot_general3A_549 = arith.constant dense<0.000000e+00> : vector<2x128xf32>
    %dot_general3A_550 = tpu.matmul %slice3A_548, %convert_element_type3A_17, %dot_general3A_549 {dimension_numbers = #tpu.dot_dimension_numbers<[0], [0], [1], [1], [0, 1, 1, 1], [], []>, transpose_lhs_hint = false} : vector<128x2xf32>, vector<128x128xf32>, vector<2x128xf32> -> vector<2x128xf32>
    %slice3A_551 = vector.extract_strided_slice %dot_general3A_550 {offsets = [0, 0], sizes = [1, 128], strides = [1, 1]} : vector<2x128xf32> to vector<1x128xf32>
    %squeeze3A_552 = vector.shape_cast %slice3A_551 : vector<1x128xf32> to vector<128xf32>
    %swap3A_553 = arith.constant 0 : index
    %swap3A_554 = arith.constant 0 : index
    %swap3A_555 = arith.constant 3584 : index
    %swap3A_556 = vector.load %arg2[%swap3A_553, %swap3A_554, %swap3A_555] : memref<1x1x4096xf32, #tpu.memory_space<vmem>>, vector<1x1x128xf32>
    %swap3A_557 = vector.shape_cast %swap3A_556 : vector<1x1x128xf32> to vector<128xf32>
    %swap3A_558 = vector.shape_cast %squeeze3A_552 : vector<128xf32> to vector<1x1x128xf32>
    tpu.vector_store %arg2[%swap3A_553, %swap3A_554, %swap3A_555], %swap3A_558 {strides = array<i32>} : memref<1x1x4096xf32, #tpu.memory_space<vmem>>, vector<1x1x128xf32>,
    %slice3A_559 = vector.extract_strided_slice %dot_general3A_550 {offsets = [1, 0], sizes = [1, 128], strides = [1, 1]} : vector<2x128xf32> to vector<1x128xf32>
    %squeeze3A_560 = vector.shape_cast %slice3A_559 : vector<1x128xf32> to vector<128xf32>
    %swap3A_561 = arith.constant 0 : index
    %swap3A_562 = arith.constant 0 : index
    %swap3A_563 = arith.constant 3584 : index
    %swap3A_564 = vector.load %arg3[%swap3A_561, %swap3A_562, %swap3A_563] : memref<1x1x4096xf32, #tpu.memory_space<vmem>>, vector<1x1x128xf32>
    %swap3A_565 = vector.shape_cast %swap3A_564 : vector<1x1x128xf32> to vector<128xf32>
    %swap3A_566 = vector.shape_cast %squeeze3A_560 : vector<128xf32> to vector<1x1x128xf32>
    tpu.vector_store %arg3[%swap3A_561, %swap3A_562, %swap3A_563], %swap3A_566 {strides = array<i32>} : memref<1x1x4096xf32, #tpu.memory_space<vmem>>, vector<1x1x128xf32>,
    %slice3A_567 = vector.extract_strided_slice %concatenate3A {offsets = [3712, 0], sizes = [128, 2], strides = [1, 1]} : vector<4096x2xf32> to vector<128x2xf32>
    %dot_general3A_568 = arith.constant dense<0.000000e+00> : vector<2x128xf32>
    %dot_general3A_569 = tpu.matmul %slice3A_567, %convert_element_type3A_17, %dot_general3A_568 {dimension_numbers = #tpu.dot_dimension_numbers<[0], [0], [1], [1], [0, 1, 1, 1], [], []>, transpose_lhs_hint = false} : vector<128x2xf32>, vector<128x128xf32>, vector<2x128xf32> -> vector<2x128xf32>
    %slice3A_570 = vector.extract_strided_slice %dot_general3A_569 {offsets = [0, 0], sizes = [1, 128], strides = [1, 1]} : vector<2x128xf32> to vector<1x128xf32>
    %squeeze3A_571 = vector.shape_cast %slice3A_570 : vector<1x128xf32> to vector<128xf32>
    %swap3A_572 = arith.constant 0 : index
    %swap3A_573 = arith.constant 0 : index
    %swap3A_574 = arith.constant 3712 : index
    %swap3A_575 = vector.load %arg2[%swap3A_572, %swap3A_573, %swap3A_574] : memref<1x1x4096xf32, #tpu.memory_space<vmem>>, vector<1x1x128xf32>
    %swap3A_576 = vector.shape_cast %swap3A_575 : vector<1x1x128xf32> to vector<128xf32>
    %swap3A_577 = vector.shape_cast %squeeze3A_571 : vector<128xf32> to vector<1x1x128xf32>
    tpu.vector_store %arg2[%swap3A_572, %swap3A_573, %swap3A_574], %swap3A_577 {strides = array<i32>} : memref<1x1x4096xf32, #tpu.memory_space<vmem>>, vector<1x1x128xf32>,
    %slice3A_578 = vector.extract_strided_slice %dot_general3A_569 {offsets = [1, 0], sizes = [1, 128], strides = [1, 1]} : vector<2x128xf32> to vector<1x128xf32>
    %squeeze3A_579 = vector.shape_cast %slice3A_578 : vector<1x128xf32> to vector<128xf32>
    %swap3A_580 = arith.constant 0 : index
    %swap3A_581 = arith.constant 0 : index
    %swap3A_582 = arith.constant 3712 : index
    %swap3A_583 = vector.load %arg3[%swap3A_580, %swap3A_581, %swap3A_582] : memref<1x1x4096xf32, #tpu.memory_space<vmem>>, vector<1x1x128xf32>
    %swap3A_584 = vector.shape_cast %swap3A_583 : vector<1x1x128xf32> to vector<128xf32>
    %swap3A_585 = vector.shape_cast %squeeze3A_579 : vector<128xf32> to vector<1x1x128xf32>
    tpu.vector_store %arg3[%swap3A_580, %swap3A_581, %swap3A_582], %swap3A_585 {strides = array<i32>} : memref<1x1x4096xf32, #tpu.memory_space<vmem>>, vector<1x1x128xf32>,
    %slice3A_586 = vector.extract_strided_slice %concatenate3A {offsets = [3840, 0], sizes = [128, 2], strides = [1, 1]} : vector<4096x2xf32> to vector<128x2xf32>
    %dot_general3A_587 = arith.constant dense<0.000000e+00> : vector<2x128xf32>
    %dot_general3A_588 = tpu.matmul %slice3A_586, %convert_element_type3A_17, %dot_general3A_587 {dimension_numbers = #tpu.dot_dimension_numbers<[0], [0], [1], [1], [0, 1, 1, 1], [], []>, transpose_lhs_hint = false} : vector<128x2xf32>, vector<128x128xf32>, vector<2x128xf32> -> vector<2x128xf32>
    %slice3A_589 = vector.extract_strided_slice %dot_general3A_588 {offsets = [0, 0], sizes = [1, 128], strides = [1, 1]} : vector<2x128xf32> to vector<1x128xf32>
    %squeeze3A_590 = vector.shape_cast %slice3A_589 : vector<1x128xf32> to vector<128xf32>
    %swap3A_591 = arith.constant 0 : index
    %swap3A_592 = arith.constant 0 : index
    %swap3A_593 = arith.constant 3840 : index
    %swap3A_594 = vector.load %arg2[%swap3A_591, %swap3A_592, %swap3A_593] : memref<1x1x4096xf32, #tpu.memory_space<vmem>>, vector<1x1x128xf32>
    %swap3A_595 = vector.shape_cast %swap3A_594 : vector<1x1x128xf32> to vector<128xf32>
    %swap3A_596 = vector.shape_cast %squeeze3A_590 : vector<128xf32> to vector<1x1x128xf32>
    tpu.vector_store %arg2[%swap3A_591, %swap3A_592, %swap3A_593], %swap3A_596 {strides = array<i32>} : memref<1x1x4096xf32, #tpu.memory_space<vmem>>, vector<1x1x128xf32>,
    %slice3A_597 = vector.extract_strided_slice %dot_general3A_588 {offsets = [1, 0], sizes = [1, 128], strides = [1, 1]} : vector<2x128xf32> to vector<1x128xf32>
    %squeeze3A_598 = vector.shape_cast %slice3A_597 : vector<1x128xf32> to vector<128xf32>
    %swap3A_599 = arith.constant 0 : index
    %swap3A_600 = arith.constant 0 : index
    %swap3A_601 = arith.constant 3840 : index
    %swap3A_602 = vector.load %arg3[%swap3A_599, %swap3A_600, %swap3A_601] : memref<1x1x4096xf32, #tpu.memory_space<vmem>>, vector<1x1x128xf32>
    %swap3A_603 = vector.shape_cast %swap3A_602 : vector<1x1x128xf32> to vector<128xf32>
    %swap3A_604 = vector.shape_cast %squeeze3A_598 : vector<128xf32> to vector<1x1x128xf32>
    tpu.vector_store %arg3[%swap3A_599, %swap3A_600, %swap3A_601], %swap3A_604 {strides = array<i32>} : memref<1x1x4096xf32, #tpu.memory_space<vmem>>, vector<1x1x128xf32>,
    %slice3A_605 = vector.extract_strided_slice %concatenate3A {offsets = [3968, 0], sizes = [128, 2], strides = [1, 1]} : vector<4096x2xf32> to vector<128x2xf32>
    %dot_general3A_606 = arith.constant dense<0.000000e+00> : vector<2x128xf32>
    %dot_general3A_607 = tpu.matmul %slice3A_605, %convert_element_type3A_17, %dot_general3A_606 {dimension_numbers = #tpu.dot_dimension_numbers<[0], [0], [1], [1], [0, 1, 1, 1], [], []>, transpose_lhs_hint = false} : vector<128x2xf32>, vector<128x128xf32>, vector<2x128xf32> -> vector<2x128xf32>
    %slice3A_608 = vector.extract_strided_slice %dot_general3A_607 {offsets = [0, 0], sizes = [1, 128], strides = [1, 1]} : vector<2x128xf32> to vector<1x128xf32>
    %squeeze3A_609 = vector.shape_cast %slice3A_608 : vector<1x128xf32> to vector<128xf32>
    %swap3A_610 = arith.constant 0 : index
    %swap3A_611 = arith.constant 0 : index
    %swap3A_612 = arith.constant 3968 : index
    %swap3A_613 = vector.load %arg2[%swap3A_610, %swap3A_611, %swap3A_612] : memref<1x1x4096xf32, #tpu.memory_space<vmem>>, vector<1x1x128xf32>
    %swap3A_614 = vector.shape_cast %swap3A_613 : vector<1x1x128xf32> to vector<128xf32>
    %swap3A_615 = vector.shape_cast %squeeze3A_609 : vector<128xf32> to vector<1x1x128xf32>
    tpu.vector_store %arg2[%swap3A_610, %swap3A_611, %swap3A_612], %swap3A_615 {strides = array<i32>} : memref<1x1x4096xf32, #tpu.memory_space<vmem>>, vector<1x1x128xf32>,
    %slice3A_616 = vector.extract_strided_slice %dot_general3A_607 {offsets = [1, 0], sizes = [1, 128], strides = [1, 1]} : vector<2x128xf32> to vector<1x128xf32>
    %squeeze3A_617 = vector.shape_cast %slice3A_616 : vector<1x128xf32> to vector<128xf32>
    %swap3A_618 = arith.constant 0 : index
    %swap3A_619 = arith.constant 0 : index
    %swap3A_620 = arith.constant 3968 : index
    %swap3A_621 = vector.load %arg3[%swap3A_618, %swap3A_619, %swap3A_620] : memref<1x1x4096xf32, #tpu.memory_space<vmem>>, vector<1x1x128xf32>
    %swap3A_622 = vector.shape_cast %swap3A_621 : vector<1x1x128xf32> to vector<128xf32>
    %swap3A_623 = vector.shape_cast %squeeze3A_617 : vector<128xf32> to vector<1x1x128xf32>
    tpu.vector_store %arg3[%swap3A_618, %swap3A_619, %swap3A_620], %swap3A_623 {strides = array<i32>} : memref<1x1x4096xf32, #tpu.memory_space<vmem>>, vector<1x1x128xf32>,
    return
  }
  func.func @transform_0(%arg0: i32) -> (i32, i32) {
    %c0_i32 = arith.constant 0 : i32
    %c0_i32_0 = arith.constant 0 : i32
    return %arg0, %c0_i32 : i32, i32
  }
  func.func @transform_1(%arg0: i32) -> (i32, i32, i32) {
    %c0_i32 = arith.constant 0 : i32
    %c0_i32_0 = arith.constant 0 : i32
    %c0_i32_1 = arith.constant 0 : i32
    return %arg0, %c0_i32, %c0_i32_0 : i32, i32, i32
  }
  func.func @transform_2(%arg0: i32) -> (i32, i32, i32) {
    %c0_i32 = arith.constant 0 : i32
    %c0_i32_0 = arith.constant 0 : i32
    %c0_i32_1 = arith.constant 0 : i32
    return %arg0, %c0_i32, %c0_i32_0 : i32, i32, i32
  }
}

</mosaic_0001>

<sc_bundles>
// kernel: kernel.4.cloned.1.call-start
scs
__scs_entry_jumppad:
0x0: {  	(pc) =	sbr.rel $0x88, $3  }
0x1: {  	(tag) =	ssettag $0x0;
	lr =	simm.s32 $0x1  }
0x2: {  	[smem:$0x3F9F] =	sst lr;
	_ =	strace $0xD0000000  }
0x3: {  	_ = 	snop  }
0x4: {  	_ = 	snop  }
0x5: {  	_ = 	snop  }
0x6: {  	_ = 	snop  }
0x7: {  	_ = 	snop  }
__scs_overlays_trampoline_lowered:
0x8: {  	[smem:$0x3FAE] =	sst s0  }
0x9: {  	[smem:$0x3FAF] =	sst s1  }
0xa: {  	[smem:$0x3FB0] =	sst s2  }
0xb: {  	[smem:$0x3FB1] =	sst s3  }
0xc: {  	[smem:$0x3FB2] =	sst s4  }
0xd: {  	[smem:$0x3FB3] =	sst s5  }
0xe: {  	[smem:$0x3FB4] =	sst s6  }
0xf: {  	[smem:$0x3FB5] =	sst s7  }
0x10: {  	[smem:$0x3FB6] =	sst s8  }
0x11: {  	[smem:$0x3FB7] =	sst s9;
	s0 =	simm.s32 @!p0 $0x0  }
0x12: {  	s1 =	sld [smem:$0x3F9D];
	s0 =	simm.s32 @p0 $0x1  }
0x13: {  	[smem:$0x3FB8] =	sst s0;
	s0 =	simm.s32 @!p1 $0x0  }
0x14: {  	s2 =	sld [smem:$0x3F9C];
	s0 =	simm.s32 @p1 $0x1  }
0x15: {  	[smem:$0x3FB9] =	sst s0;
	s0 =	simm.s32 @!p2 $0x0  }
0x16: {  	s3 =	sld [smem:$0x3FDB];
	s0 =	simm.s32 @p2 $0x1  }
0x17: {  	s4 =	simm.s32 $0x1BF5;
	[smem:$0x3FBB] =	sst s0  }
0x18: {  	s0 =	sld [smem:$0x3F9E];
	_ =	swait.ge [sflag:s4], $0x0  }
0x19: {  	s7 =	sld [smem:$0x3F9F]  }
0x1a: {  	s8 =	sadd.s32 $0xFFFFE003, lr  }
0x1b: {  	s9 =	sadd.s32 $0xFFFFFEF7, lr;
	s5 =	simm.s32 $0xFFFFFFFF;
	p2 =	slt.u32 s8, $0xFFFFF086  }
0x1c: {  	p1 =	slt.u32 s9, $0xF7A;
	s5 =	simm.s32 @!p2 $0x0  }
0x1d: {  	s5 =	simm.s32 @p1 $0x1;
	p0 =	seq.s32 s7, s2  }
0x1e: {  	s7 =	smul.u32 @!p0 $0xF7A, s2;
	p2 =	seq.s32 @!p0 s5, $0x0  }
0x1f: {  	s9 =	smul.u32 $0xF7A, s1;
	s8 =	simm.s32 @!p0 $0x1BF5;
	p2 =	por !p2, p0  }
0x20: {  	[sflag:s8] =	ssyncset.s32 @!p0 $0xFFFFF086;
	s6 =	sadd.s32 @!p0 s3, s7;
	s7 =	simm.s32 @!p0 $0x108  }
0x21: {  	s3 =	sadd.s32 s3, s9;
	s6 =	sadd.s32 @!p0 $0x88, s6;
	s7 =	simm.s32 @p2 $0x1082  }
0x22: {  	[simem:s7], [sflag:s8] =	dma.local @!p0 [hbm:s6], $0xF7A  }
0x23: {  	s9 =	sor.u32 $0xD0000000, s2;
	s6 =	simm.s32 $0x108;
	_ =	swait.ge @!p0 [sflag:s8], $0x0  }
0x24: {  	s3 =	sadd.s32 $0x88, s3;
	s6 =	simm.s32 @!p1 $0x1082;
	[sflag:s4] =	ssyncset.s32 $0xFFFFF086  }
0x25: {  	[simem:s6], [sflag:s4] =	dma.local [hbm:s3], $0xF7A  }
0x26: {  	[smem:$0x3F9F] =	sst s1;
	(tag) =	ssettag s2;
	_ =	strace s9  }
0x27: {  	s1 =	sld [smem:$0x3FAF]  }
0x28: {  	s2 =	sld [smem:$0x3FB0]  }
0x29: {  	s4 =	sld [smem:$0x3FB2]  }
0x2a: {  	p0 =	seq.s32 s5, $0x0;
	s5 =	sld [smem:$0x3FB3]  }
0x2b: {  	s6 =	sld [smem:$0x3FB4]  }
0x2c: {  	s7 =	sld [smem:$0x3FB5]  }
0x2d: {  	s3 =	simm.s32 $0x108;
	s8 =	sld [smem:$0x3FB6]  }
0x2e: {  	s3 =	simm.s32 @!p0 $0x1082;
	s9 =	sld [smem:$0x3FB7]  }
0x2f: {  	lr =	sadd.s32 s0, s3;
	s0 =	sld [smem:$0x3FAE]  }
0x30: {  	s3 =	sld [smem:$0x3FB1]  }
0x31: {  	[smem:$0x3FBA] =	sst s10  }
0x32: {  	s10 =	sld [smem:$0x3FB8];
	_ =	sdelay $0x3  }
0x33: {  	p0 =	seq.s32 s10, $0x1;
	s10 =	sld [smem:$0x3FBA];
	_ =	sdelay $0x3  }
0x34: {  	[smem:$0x3FBA] =	sst s10  }
0x35: {  	s10 =	sld [smem:$0x3FB9];
	_ =	sdelay $0x3  }
0x36: {  	p1 =	seq.s32 s10, $0x1;
	s10 =	sld [smem:$0x3FBA];
	_ =	sdelay $0x3  }
0x37: {  	[smem:$0x3FBA] =	sst s10  }
0x38: {  	s10 =	sld [smem:$0x3FBB]  }
0x39: {  	_ = 	snop;
	(pc) =	sbr.ind lr, $3  }
0x3a: {  	_ = 	snop  }
0x3b: {  	_ = 	snop  }
0x3c: {  	p2 =	seq.s32 s10, $0x1;
	s10 =	sld [smem:$0x3FBA]  }
0x3d: {  	_ =	shalt  }
0x3e: {  	_ =	shalt  }
0x3f: {  	_ =	shalt  }
0x40: {  	_ =	shalt  }
0x41: {  	_ =	shalt  }
0x42: {  	_ =	shalt  }
0x43: {  	_ =	shalt  }
0x44: {  	_ =	shalt  }
0x45: {  	_ =	shalt  }
0x46: {  	_ =	shalt  }
0x47: {  	_ =	shalt  }
0x48: {  	_ =	shalt  }
0x49: {  	_ =	shalt  }
0x4a: {  	_ =	shalt  }
0x4b: {  	_ =	shalt  }
0x4c: {  	_ =	shalt  }
0x4d: {  	_ =	shalt  }
0x4e: {  	_ =	shalt  }
0x4f: {  	_ =	shalt  }
0x50: {  	_ =	shalt  }
0x51: {  	_ =	shalt  }
0x52: {  	_ =	shalt  }
0x53: {  	_ =	shalt  }
0x54: {  	_ =	shalt  }
0x55: {  	_ =	shalt  }
0x56: {  	_ =	shalt  }
0x57: {  	_ =	shalt  }
0x58: {  	_ =	shalt  }
0x59: {  	_ =	shalt  }
0x5a: {  	_ =	shalt  }
0x5b: {  	_ =	shalt  }
0x5c: {  	_ =	shalt  }
0x5d: {  	_ =	shalt  }
0x5e: {  	_ =	shalt  }
0x5f: {  	_ =	shalt  }
0x60: {  	_ =	shalt  }
0x61: {  	_ =	shalt  }
0x62: {  	_ =	shalt  }
0x63: {  	_ =	shalt  }
0x64: {  	_ =	shalt  }
0x65: {  	_ =	shalt  }
0x66: {  	_ =	shalt  }
0x67: {  	_ =	shalt  }
0x68: {  	_ =	shalt  }
0x69: {  	_ =	shalt  }
0x6a: {  	_ =	shalt  }
0x6b: {  	_ =	shalt  }
0x6c: {  	_ =	shalt  }
0x6d: {  	_ =	shalt  }
0x6e: {  	_ =	shalt  }
0x6f: {  	_ =	shalt  }
0x70: {  	_ =	shalt  }
0x71: {  	_ =	shalt  }
0x72: {  	_ =	shalt  }
0x73: {  	_ =	shalt  }
0x74: {  	_ =	shalt  }
0x75: {  	_ =	shalt  }
0x76: {  	_ =	shalt  }
0x77: {  	_ =	shalt  }
0x78: {  	_ =	shalt  }
0x79: {  	_ =	shalt  }
0x7a: {  	_ =	shalt  }
0x7b: {  	_ =	shalt  }
0x7c: {  	_ =	shalt  }
0x7d: {  	_ =	shalt  }
0x7e: {  	_ =	shalt  }
0x7f: {  	_ =	shalt  }
0x80: {  	_ =	shalt  }
0x81: {  	_ =	shalt  }
0x82: {  	_ =	shalt  }
0x83: {  	_ =	shalt  }
0x84: {  	_ =	shalt  }
0x85: {  	_ =	shalt  }
0x86: {  	_ =	shalt  }
0x87: {  	_ =	shalt  }
.Lfunc_end0:
.L_simem_size_0:
called_computation_lowered:
.L_overlay_start_0:
0x88: {  	s0 =	sld [smem:$0x3FD9]  }
0x89: {  	s1 =	sld [smem:$0x3FFE];
	_ =	sdelay $0x3  }
0x8a: {  	s0 =	sadd.s32 s1, s0  }
0x8b: {  	[smem:$0x3FC6] =	sst s0  }
0x8c: {  	_ = 	snop  }
0x8d: {  	s0 =	sld [smem:$0x3FC8]  }
0x8e: {  	s16 =	sld [smem:$0x3FD0];
	(tm) =	ssettm $0x1  }
0x8f: {  	s2 =	sld [smem:$0x3FFB];
	_ =	sdelay $0x3  }
0x90: {  	_ =	strace s2  }
0x91: {  	s2 =	sld [smem:$0x3FFC];
	_ =	sdelay $0x3  }
0x92: {  	_ =	strace s2  }
0x93: {  	s2 =	sld [smem:$0x3FFD];
	_ =	sdelay $0x3  }
0x94: {  	_ =	strace s2  }
0x95: {  	_ =	strace $0x8FFFFFFF  }
0x96: {  	s17 =	sld [smem:$0x3FDB];
	_ =	sdelay $0x1  }
0x97: {  	s3 =	simm.s32 $_scs_section_size  }
0x98: {  	s4 =	simm.s32 $_size__tile_overlayer_lowered;
	s5 =	simm.s32 $_tile_overlayer_lowered  }
0x99: {  	s20 =	simm.s32 $0x1BFF;
	s19 =	sshll.u32 s5, $0x1;
	s2 =	sadd.s32 s3, s17  }
0x9a: {  	s6 =	simm.s32 $0x0;
	s18 =	sshll.u32 s4, $0x1;
	s4 =	sadd.s32 s19, s2  }
0x9b: {  	[timem:s6], [sflag:s20] =	dma.local [hbm:s4], s18  }
0x9c: {  	_ =	swait.ge [sflag:s20], s18  }
0x9d: {  	s3 =	ssub.s32 $0x0, s18;
	[sflag:s20] =	ssyncset.done $0x0  }
0x9e: {  	[sflag:s20] =	ssyncadd.s32 s3;
	_ =	sdelay $0x1  }
0x9f: {  	s21 =	simm.s32 $0x1B8B  }
0xa0: {  	_ =	swait.ge [sflag:s21], $0x1  }
0xa1: {  	[sflag:s21] =	ssyncset.done $0x0  }
0xa2: {  	s23 =	simm.s32 $0x1B8E;
	s22 =	sld [smem:$0x3FFE];
	[sflag:s21] =	ssyncadd.s32 $0xFFFFFFFF  }
0xa3: {  	s24 =	simm.s32 $execute0_lowered;
	[smem:$0x3FD2] =	sst s23  }
0xa4: {  	s4 =	sshll.u32 s24, $0x1;
	_ =	strace $0x80000046;
	[dreg:$0x1] =	wrdreg $0xFFFFFFFF  }
0xa5: {  	s25 =	simm.s32 $_size_execute0_lowered;
	s2 =	sadd.s32 s2, s4;
	[dreg:$0x0] =	wrdreg $0x0  }
0xa6: {  	s4 =	sshll.u32 s25, $0x1;
	[dreg:$0x2] =	wrdreg s2  }
0xa7: {  	[dreg:$0x3] =	wrdreg s4  }
0xa8: {  	[dreg:$0x4] =	wrdreg $0xC0  }
0xa9: {  	_ =	task [dreg:s6], $0x5FFFF  }
0xaa: {  	[dreg:$0x1] =	wrdreg $0xFFFFFFFF  }
0xab: {  	[dreg:$0x0] =	wrdreg $0x60  }
0xac: {  	[dreg:$0x2] =	wrdreg s22  }
0xad: {  	[dreg:$0x3] =	wrdreg s0  }
0xae: {  	[dreg:$0x4] =	wrdreg s16  }
0xaf: {  	[dreg:$0x5] =	wrdreg $0x76500  }
0xb0: {  	[dreg:$0x6] =	wrdreg $0xA8500  }
0xb1: {  	[dreg:$0x7] =	wrdreg $0xA9500  }
0xb2: {  	[dreg:$0x8] =	wrdreg $0xAA500  }
0xb3: {  	[dreg:$0x9] =	wrdreg $0xAB500  }
0xb4: {  	[dreg:$0xa] =	wrdreg $0xAB700  }
0xb5: {  	[dreg:$0xb] =	wrdreg $0xAB800  }
0xb6: {  	[dreg:$0xc] =	wrdreg $0x9  }
0xb7: {  	_ =	task.clear_ibuf [dreg:s6], $0xDFFFF;
	_ =	strace $0x90000046  }
0xb8: {  	s26 =	simm.s32 $0x9;
	_ =	strace $0x80000048  }
0xb9: {  	_ =	swait.ge [sflag:s26], $0x1  }
0xba: {  	[sflag:s26] =	ssyncadd.s32 $0xFFFFFFFF  }
0xbb: {  	_ =	strace $0x90000048  }
0xbc: {  	_ =	sfence  }
0xbd: {  	s28 =	sld [smem:$0x0];
	_ =	sdelay $0x1  }
0xbe: {  	s29 =	srdreg.scid  }
0xbf: {  	s30 =	sshll.u32 s29, $0xD;
	s31 =	sshrl.u32 s29, $0x2  }
0xc0: {  	s1 =	sand.u32 $0x1, s29;
	s2 =	sand.u32 $0x4000, s30;
	s0 =	sadd.s32 s31, s28  }
0xc1: {  	s1 =	sor.u32 s2, s1;
	s0 =	sshll.u32 s0, $0x11  }
0xc2: {  	s0 =	sor.u32 s0, s1  }
0xc3: {  	s0 =	sadd.s32 $0x8F2B, s0  }
0xc4: {  	[sflag:s0] =	ssyncadd.remote.s32 $0x1  }
0xc5: {  	_ =	sfence.sel $0xFFFF  }
0xc6: {  	[dreg:$0x0] =	wrdreg $0xFFFFFFFF;
	(pc) =	sbr.abs _section_cstart, $3  }
0xc7: {  	[dreg:$0x1] =	wrdreg $0xFFFFFFFF  }
0xc8: {  	_ =	task.clear_ibuf [dreg:s6], $0x2FFFF;
	_ =	strace $0x9FFFFFFF  }
0xc9: {  	(tm) =	ssettm $0x7FFFFFFF  }
tec
execute0_lowered:
.L_overlay_start_1:
0x0: {  	(tag) =	ssettag $0x1  }
0x1: {  	s9 =	rddreg [dreg:$0x0]  }
0x2: {  	s10 =	rddreg [dreg:$0x1]  }
0x3: {  	s1 =	rddreg [dreg:$0x2]  }
0x4: {  	s11 =	rddreg [dreg:$0x3]  }
0x5: {  	s8 =	rddreg [dreg:$0x4]  }
0x6: {  	s7 =	rddreg [dreg:$0x5]  }
0x7: {  	s6 =	rddreg [dreg:$0x6]  }
0x8: {  	s5 =	rddreg [dreg:$0x7]  }
0x9: {  	s2 =	rddreg [dreg:$0x8];
	s4 =	stileid.u32  }
0xa: {  	s3 =	rddreg [dreg:$0x9];
	s12 =	simm.s32 $0x0;
	s13 =	sshll.u32 s4, $0x7  }
0xb: {  	[smem:$0x7FF] =	sst s12;
	s9 =	sadd.s32 s13, s9  }
0xc: {  	s0 =	rddreg [dreg:$0xa];
	_ =	strace $0x80000047;
	s14 =	sadd.s32 $0xC00, s9  }
0xd: {  	[tilespmem:s12], [sflag:$0x1] =	stream.linear.gather [hbm4b:s14+s12], $0x400, $0x38;
	[tilespmem:$0xAB90] =	vst v63  }
0xe: {  	s29 =	simm.s32 $0x400;
	s31 =	simm.s32 $0x800;
	s9 =	sadd.s32 $0x1400, s9  }
0xf: {  	[tilespmem:s29], [sflag:$0x1] =	stream.linear.gather [hbm4b:s9+s12], $0x400, $0x38;
	[tilespmem:$0xAB90] =	vst v63  }
0x10: {  	s30 =	sadd.s32 s10, s13;
	s10 =	simm.s32 $0x100;
	s9 =	simm.s32 $0x0  }
0x11: {  	v0 =	vimm.f32 $0.0e+00;
	[tilespmem:s31], [sflag:$0x1] =	stream.linear.gather [hbm4b:s30+s12], $0x400, $0x38;
	[tilespmem:$0xAB90] =	vst v63  }
.LBB2_1:
0x12: {  	p0 =	sne.s32 s10, $0xC700;
	[tilespmem:s9+$0xC30] =	vst v0;
	s12 =	smov.u32 s10;
	s10 =	sadd.s32 $0x100, s10  }
.Ltmp0:
0x13: {  	[tilespmem:s9+$0xC20] =	vst v0;
	(pc) =	sbr.rel @p0 .LBB2_1-.Ltmp0, $3  }
0x14: {  	[tilespmem:s9+$0xC00] =	vst v0  }
0x15: {  	[tilespmem:s9+$0xC10] =	vst v0;
	_ =	sdelay $0x1  }
0x16: {  	s9 =	sshra.s32 s12, $0x2  }
0x17: {  	[tilespmem:s9+$0xC30] =	vst v0  }
0x18: {  	[tilespmem:s9+$0xC20] =	vst v0  }
0x19: {  	[tilespmem:s9+$0xC00] =	vst v0  }
0x1a: {  	[tilespmem:s9+$0xC10] =	vst v0;
	s31 =	simm.s32 $0x1  }
0x1b: {  	_ =	swait.ge [sflag:s31], $0x400  }
0x1c: {  	[sflag:s31] =	ssyncset.done $0x0  }
0x1d: {  	[sflag:s31] =	ssyncadd.s32 $0xFFFFFC00  }
0x1e: {  	_ =	swait.ge [sflag:s31], $0x400  }
0x1f: {  	[sflag:s31] =	ssyncset.done $0x0  }
0x20: {  	[sflag:s31] =	ssyncadd.s32 $0xFFFFFC00  }
0x21: {  	_ =	swait.ge [sflag:s31], $0x400  }
0x22: {  	[sflag:s31] =	ssyncset.done $0x0  }
0x23: {  	s9 =	simm.s32 $0x0;
	v0 =	vimm.s32 $0x0;
	v1 =	vimm.f32 $1.000000000e+00;
	s10 =	simm.s32 $0xC00;
	[sflag:s31] =	ssyncadd.s32 $0xFFFFFC00  }
.LBB2_3:
0x24: {  	s12 =	sshra.s32 s9, $0x2  }
0x25: {  	v2 =	vld [tilespmem:s12+$0x0];
	_ =	sdelay $0x3  }
0x26: {  	v3 =	vld [tilespmem:s12+$0x400]  }
0x27: {  	v4 =	vmul.f32 $1.500000000e+01, v2;
	_ =	sdelay $0x1  }
0x28: {  	v5 =	vtrunc.f32 v4  }
0x29: {  	v6 =	vcvt.f32.s32 v5;
	vm0 =	veq.f32 v4, v5  }
0x2a: {  	v3 =	vtrunc.f32 v3;
	v4 =	vsel vm0, $0xFFFFFFFF, v0  }
0x2b: {  	v3 =	vcvt.f32.s32 v3;
	v4 =	vadd.s32 v6, v4  }
0x2c: {  	v4 =	vshll.u32 v4, $0x8  }
0x2d: {  	v41 =	vld [tilespmem:s12+$0x800];
	v4 =	vadd.s32 v3, v4  }
0x2e: {  	v7 =	vand.u32 $0x7, v3;
	v42 =	vand.u32 $0xFFFFFFF8, v4  }
0x2f: {  	v6 =	vor.u32 v7, v42  }
0x30: {  	v7 =	vadd.s32 $0x1000, v6  }
0x31: {  	v6 =	vadd.s32 $0x2000, v6  }
0x32: {  	v8 =	vadd.s32 $0x3000, v41;
	_ =	sdelay $0x1  }
0x33: {  	vm9 =	veq.s32 v41, v3;
	[tilespmem:v4+s10+$0x0] =	vst.idx.add.f32.msk $0xffff, v1  }
0x34: {  	v3 =	vsel vm9, $0x3F800000, v0;
	[tilespmem:v7+s10+$0x0] =	vst.idx.add.f32.msk $0xffff, v2  }
0x35: {  	[tilespmem:v6+s10+$0x0] =	vst.idx.add.f32.msk $0xffff, v3  }
0x36: {  	[tilespmem:v8+s10+$0x0] =	vst.idx.add.f32.msk $0xffff, v1  }
0x37: {  	v2 =	vld [tilespmem:s12+$0x10];
	_ =	sdelay $0x3  }
0x38: {  	v3 =	vld [tilespmem:s12+$0x410]  }
0x39: {  	v43 =	vmul.f32 $1.500000000e+01, v2;
	_ =	sdelay $0x1  }
0x3a: {  	v44 =	vtrunc.f32 v43  }
0x3b: {  	v45 =	vcvt.f32.s32 v44;
	vm10 =	veq.f32 v43, v44  }
0x3c: {  	v3 =	vtrunc.f32 v3;
	v4 =	vsel vm10, $0xFFFFFFFF, v0  }
0x3d: {  	v3 =	vcvt.f32.s32 v3;
	v4 =	vadd.s32 v45, v4  }
0x3e: {  	v4 =	vshll.u32 v4, $0x8  }
0x3f: {  	v46 =	vld [tilespmem:s12+$0x810];
	v4 =	vadd.s32 v3, v4  }
0x40: {  	v48 =	vand.u32 $0x7, v3;
	v47 =	vand.u32 $0xFFFFFFF8, v4  }
0x41: {  	v6 =	vor.u32 v48, v47  }
0x42: {  	v7 =	vadd.s32 $0x1000, v6  }
0x43: {  	v6 =	vadd.s32 $0x2000, v6  }
0x44: {  	v49 =	vadd.s32 $0x3000, v46;
	_ =	sdelay $0x1  }
0x45: {  	vm11 =	veq.s32 v46, v3;
	[tilespmem:v4+s10+$0x0] =	vst.idx.add.f32.msk $0xffff, v1  }
0x46: {  	v3 =	vsel vm11, $0x3F800000, v0;
	[tilespmem:v7+s10+$0x0] =	vst.idx.add.f32.msk $0xffff, v2  }
0x47: {  	[tilespmem:v6+s10+$0x0] =	vst.idx.add.f32.msk $0xffff, v3  }
0x48: {  	[tilespmem:v49+s10+$0x0] =	vst.idx.add.f32.msk $0xffff, v1  }
0x49: {  	v2 =	vld [tilespmem:s12+$0x20];
	_ =	sdelay $0x3  }
0x4a: {  	v3 =	vld [tilespmem:s12+$0x420]  }
0x4b: {  	v50 =	vmul.f32 $1.500000000e+01, v2;
	_ =	sdelay $0x1  }
0x4c: {  	v51 =	vtrunc.f32 v50  }
0x4d: {  	v52 =	vcvt.f32.s32 v51;
	vm12 =	veq.f32 v50, v51  }
0x4e: {  	v3 =	vtrunc.f32 v3;
	v4 =	vsel vm12, $0xFFFFFFFF, v0  }
0x4f: {  	v3 =	vcvt.f32.s32 v3;
	v4 =	vadd.s32 v52, v4  }
0x50: {  	v4 =	vshll.u32 v4, $0x8  }
0x51: {  	v53 =	vld [tilespmem:s12+$0x820];
	v4 =	vadd.s32 v3, v4  }
0x52: {  	v55 =	vand.u32 $0x7, v3;
	v54 =	vand.u32 $0xFFFFFFF8, v4  }
0x53: {  	v6 =	vor.u32 v55, v54  }
0x54: {  	v7 =	vadd.s32 $0x1000, v6  }
0x55: {  	v6 =	vadd.s32 $0x2000, v6  }
0x56: {  	v56 =	vadd.s32 $0x3000, v53;
	_ =	sdelay $0x1  }
0x57: {  	vm13 =	veq.s32 v53, v3;
	[tilespmem:v4+s10+$0x0] =	vst.idx.add.f32.msk $0xffff, v1  }
0x58: {  	v3 =	vsel vm13, $0x3F800000, v0;
	[tilespmem:v7+s10+$0x0] =	vst.idx.add.f32.msk $0xffff, v2  }
0x59: {  	[tilespmem:v6+s10+$0x0] =	vst.idx.add.f32.msk $0xffff, v3  }
0x5a: {  	[tilespmem:v56+s10+$0x0] =	vst.idx.add.f32.msk $0xffff, v1  }
0x5b: {  	v2 =	vld [tilespmem:s12+$0x30];
	_ =	sdelay $0x3  }
0x5c: {  	v3 =	vld [tilespmem:s12+$0x430]  }
0x5d: {  	v57 =	vmul.f32 $1.500000000e+01, v2;
	_ =	sdelay $0x1  }
0x5e: {  	v58 =	vtrunc.f32 v57  }
0x5f: {  	v59 =	vcvt.f32.s32 v58;
	vm14 =	veq.f32 v57, v58  }
0x60: {  	v3 =	vtrunc.f32 v3;
	v4 =	vsel vm14, $0xFFFFFFFF, v0  }
0x61: {  	v3 =	vcvt.f32.s32 v3;
	v4 =	vadd.s32 v59, v4  }
0x62: {  	v4 =	vshll.u32 v4, $0x8  }
0x63: {  	v60 =	vld [tilespmem:s12+$0x830];
	v4 =	vadd.s32 v3, v4  }
0x64: {  	v62 =	vand.u32 $0x7, v3;
	v61 =	vand.u32 $0xFFFFFFF8, v4  }
0x65: {  	v6 =	vor.u32 v62, v61  }
0x66: {  	v7 =	vadd.s32 $0x1000, v6  }
0x67: {  	v6 =	vadd.s32 $0x2000, v6  }
0x68: {  	p0 =	sne.s32 s9, $0xF00;
	v63 =	vadd.s32 $0x3000, v60  }
.Ltmp1:
0x69: {  	_ = 	snop;
	(pc) =	sbr.rel @p0 .LBB2_3-.Ltmp1, $4  }
0x6a: {  	vm15 =	veq.s32 v60, v3;
	[tilespmem:v4+s10+$0x0] =	vst.idx.add.f32.msk $0xffff, v1  }
0x6b: {  	v3 =	vsel vm15, $0x3F800000, v0;
	[tilespmem:v7+s10+$0x0] =	vst.idx.add.f32.msk $0xffff, v2  }
0x6c: {  	[tilespmem:v6+s10+$0x0] =	vst.idx.add.f32.msk $0xffff, v3  }
0x6d: {  	s9 =	sadd.s32 $0x100, s9;
	[tilespmem:v63+s10+$0x0] =	vst.idx.add.f32.msk $0xffff, v1  }
0x6e: {  	s9 =	smul.u32 $0xC800, s4;
	_ =	sdelay $0x1  }
0x6f: {  	s9 =	sshrl.u32 s9, $0x2  }
0x70: {  	s10 =	simm.s32 $0xC00;
	s24 =	simm.s32 $0x2;
	s9 =	sadd.s32 s9, s11  }
0x71: {  	[spmem:s9] =	stream.linear.scatter [tilespmem:s10], [sflag:$0x2], $0x3200, $0x38;
	[tilespmem:$0xAB90] =	vst v63  }
0x72: {  	_ =	swait.ge [sflag:s24], $0x3200  }
0x73: {  	s13 =	simm.s32 $0x100;
	s14 =	simm.s32 $0x3200;
	[sflag:s24] =	ssyncset.done $0x0  }
0x74: {  	s25 =	simm.s32 $0x3E00;
	s9 =	sshll.u32 s4, $0x8;
	[sflag:s24] =	ssyncadd.s32 $0xFFFFCE00  }
0x75: {  	s16 =	simm.s32 $0x4E00;
	s12 =	sadd.s32 s9, s11;
	[bflag:$0x0] =	sbarrier.arrive $0xFFFF  }
0x76: {  	[tilespmem:s25], [sflag:$0x1] =	stream.strided.gather [spmem:s12], $0x1000, s14, s13, $0x38;
	[tilespmem:$0xAB90] =	vst v63  }
0x77: {  	s28 =	simm.s32 $0x5E00;
	s10 =	sshll.u32 s4, $0x5;
	s15 =	sadd.s32 $0x1000, s12  }
0x78: {  	[tilespmem:s16], [sflag:$0x1] =	stream.strided.gather [spmem:s15], $0x1000, s14, s13, $0x38;
	[tilespmem:$0xAB90] =	vst v63  }
0x79: {  	s29 =	simm.s32 $0x20;
	s26 =	sadd.s32 s10, s11;
	s12 =	sadd.s32 $0x2000, s12  }
0x7a: {  	[tilespmem:s28], [sflag:$0x1] =	stream.strided.gather [spmem:s12], $0x1000, s14, s13, $0x38;
	[tilespmem:$0xAB90] =	vst v63  }
0x7b: {  	s30 =	simm.s32 $0x6E00;
	s31 =	simm.s32 $0x1;
	s11 =	sadd.s32 $0x3000, s26  }
0x7c: {  	[tilespmem:s30], [sflag:$0x1] =	stream.strided.gather [spmem:s11], $0x200, s14, s29, $0x38;
	[tilespmem:$0xAB90] =	vst v63  }
0x7d: {  	_ =	swait.ge [sflag:s31], $0x1000  }
0x7e: {  	[sflag:s31] =	ssyncset.done $0x0  }
0x7f: {  	[sflag:s31] =	ssyncadd.s32 $0xFFFFF000  }
0x80: {  	_ =	swait.ge [sflag:s31], $0x1000  }
0x81: {  	[sflag:s31] =	ssyncset.done $0x0  }
0x82: {  	[sflag:s31] =	ssyncadd.s32 $0xFFFFF000  }
0x83: {  	_ =	swait.ge [sflag:s31], $0x1000  }
0x84: {  	[sflag:s31] =	ssyncset.done $0x0  }
0x85: {  	[sflag:s31] =	ssyncadd.s32 $0xFFFFF000  }
0x86: {  	_ =	swait.ge [sflag:s31], $0x200  }
0x87: {  	[sflag:s31] =	ssyncset.done $0x0  }
0x88: {  	s12 =	simm.s32 $0x0;
	[sflag:s31] =	ssyncadd.s32 $0xFFFFFE00  }
0x89: {  	v0 =	vld [tilespmem:s12+$0x3E00]  }
0x8a: {  	v1 =	vld [tilespmem:s12+$0x3F00];
	_ =	sdelay $0x1  }
0x8b: {  	v2 =	vld [tilespmem:s12+$0x4000];
	_ =	sdelay $0x1  }
0x8c: {  	v3 =	vld [tilespmem:s12+$0x4100]  }
0x8d: {  	v0 =	vadd.f32 v1, v0  }
0x8e: {  	v1 =	vld [tilespmem:s12+$0x4200]  }
0x8f: {  	v0 =	vadd.f32 v2, v0  }
0x90: {  	v2 =	vld [tilespmem:s12+$0x4300]  }
0x91: {  	v0 =	vadd.f32 v3, v0  }
0x92: {  	v3 =	vld [tilespmem:s12+$0x4400]  }
0x93: {  	v0 =	vadd.f32 v1, v0  }
0x94: {  	v1 =	vld [tilespmem:s12+$0x4500]  }
0x95: {  	s11 =	simm.s32 $0x10;
	v4 =	vld [tilespmem:s12+$0x4600];
	v0 =	vadd.f32 v2, v0  }
0x96: {  	v5 =	vld [tilespmem:s11+$0x3E00]  }
0x97: {  	v2 =	vld [tilespmem:s12+$0x4700];
	v0 =	vadd.f32 v3, v0  }
0x98: {  	v3 =	vld [tilespmem:s11+$0x3F00]  }
0x99: {  	v6 =	vld [tilespmem:s11+$0x4000];
	v0 =	vadd.f32 v1, v0  }
0x9a: {  	v1 =	vld [tilespmem:s12+$0x4800]  }
0x9b: {  	v7 =	vld [tilespmem:s11+$0x4100];
	v0 =	vadd.f32 v4, v0  }
0x9c: {  	v4 =	vld [tilespmem:s12+$0x4900]  }
0x9d: {  	v3 =	vadd.f32 v3, v5;
	v5 =	vld [tilespmem:s11+$0x4200];
	v0 =	vadd.f32 v2, v0  }
0x9e: {  	v2 =	vld [tilespmem:s12+$0x4A00]  }
0x9f: {  	v3 =	vadd.f32 v6, v3;
	v6 =	vld [tilespmem:s11+$0x4300];
	v0 =	vadd.f32 v1, v0  }
0xa0: {  	v1 =	vld [tilespmem:s12+$0x4B00]  }
0xa1: {  	v8 =	vld [tilespmem:s11+$0x4400];
	v3 =	vadd.f32 v7, v3;
	v0 =	vadd.f32 v4, v0  }
0xa2: {  	v7 =	vld [tilespmem:s12+$0x4C00]  }
0xa3: {  	v4 =	vadd.f32 v5, v3;
	v3 =	vld [tilespmem:s11+$0x4500];
	v5 =	vadd.f32 v2, v0  }
0xa4: {  	v2 =	vld [tilespmem:s12+$0x4D00]  }
0xa5: {  	v0 =	vld [tilespmem:s11+$0x4700];
	v6 =	vadd.f32 v6, v4;
	v9 =	vadd.f32 v1, v5  }
0xa6: {  	s13 =	simm.s32 $0x20;
	v4 =	vld [tilespmem:s11+$0x4600]  }
0xa7: {  	s14 =	simm.s32 $0xC0;
	v1 =	vld [tilespmem:s13+$0x3E00];
	v5 =	vadd.f32 v8, v6;
	v6 =	vadd.f32 v7, v9  }
.LBB2_5:
0xa8: {  	p0 =	sne.s32 s14, $0x3C0;
	v7 =	vld [tilespmem:s13+$0x3F00]  }
0xa9: {  	v3 =	vadd.f32 v3, v5;
	v5 =	vld [tilespmem:s11+$0x4800];
	v2 =	vadd.f32 v2, v6  }
0xaa: {  	v6 =	vld [tilespmem:s13+$0x4000]  }
0xab: {  	v3 =	vadd.f32 v4, v3;
	v4 =	vld [tilespmem:s11+$0x4900];
	[tilespmem:s12+$0x7000] =	vst v2;
	s12 =	smov.u32 s11;
	s11 =	smov.u32 s13  }
0xac: {  	v2 =	vld [tilespmem:s11+$0x4100]  }
0xad: {  	v1 =	vadd.f32 v7, v1;
	v0 =	vadd.f32 v0, v3;
	v3 =	vld [tilespmem:s12+$0x4A00]  }
0xae: {  	v7 =	vld [tilespmem:s11+$0x4200]  }
0xaf: {  	v1 =	vadd.f32 v6, v1;
	v0 =	vadd.f32 v5, v0;
	v5 =	vld [tilespmem:s12+$0x4B00]  }
0xb0: {  	v6 =	vld [tilespmem:s11+$0x4300]  }
0xb1: {  	v1 =	vadd.f32 v2, v1;
	v0 =	vadd.f32 v4, v0;
	v8 =	vld [tilespmem:s12+$0x4C00]  }
0xb2: {  	v9 =	vld [tilespmem:s11+$0x4400]  }
.Ltmp2:
0xb3: {  	v1 =	vadd.f32 v7, v1;
	v4 =	vadd.f32 v3, v0;
	v2 =	vld [tilespmem:s12+$0x4D00];
	(pc) =	sbr.rel @p0 .LBB2_5-.Ltmp2, $4  }
0xb4: {  	v3 =	vld [tilespmem:s11+$0x4500]  }
0xb5: {  	v6 =	vadd.f32 v6, v1;
	v0 =	vld [tilespmem:s11+$0x4700];
	v7 =	vadd.f32 v5, v4  }
0xb6: {  	s13 =	sshra.s32 s14, $0x2;
	v4 =	vld [tilespmem:s11+$0x4600]  }
0xb7: {  	s14 =	sadd.s32 $0x40, s14;
	v1 =	vld [tilespmem:s13+$0x3E00];
	v5 =	vadd.f32 v9, v6;
	v6 =	vadd.f32 v8, v7  }
0xb8: {  	v7 =	vld [tilespmem:s13+$0x3F00]  }
0xb9: {  	v8 =	vld [tilespmem:s11+$0x4800];
	v2 =	vadd.f32 v2, v6  }
0xba: {  	v6 =	vld [tilespmem:s13+$0x4000]  }
0xbb: {  	v9 =	vld [tilespmem:s11+$0x4900];
	v3 =	vadd.f32 v3, v5;
	[tilespmem:s12+$0x7000] =	vst v2  }
0xbc: {  	v2 =	vld [tilespmem:s13+$0x4100]  }
0xbd: {  	v3 =	vadd.f32 v4, v3;
	v1 =	vadd.f32 v7, v1  }
0xbe: {  	v4 =	vld [tilespmem:s13+$0x4200]  }
0xbf: {  	v5 =	vld [tilespmem:s13+$0x4300];
	v0 =	vadd.f32 v0, v3;
	v1 =	vadd.f32 v6, v1  }
0xc0: {  	v3 =	vld [tilespmem:s11+$0x4A00]  }
0xc1: {  	v0 =	vadd.f32 v8, v0;
	v6 =	vld [tilespmem:s11+$0x4B00];
	v1 =	vadd.f32 v2, v1  }
0xc2: {  	v2 =	vld [tilespmem:s13+$0x4400]  }
0xc3: {  	v7 =	vld [tilespmem:s11+$0x4C00];
	v0 =	vadd.f32 v9, v0;
	v1 =	vadd.f32 v4, v1  }
0xc4: {  	v4 =	vld [tilespmem:s13+$0x4500]  }
0xc5: {  	v0 =	vadd.f32 v3, v0;
	v3 =	vld [tilespmem:s11+$0x4D00];
	v1 =	vadd.f32 v5, v1  }
0xc6: {  	v5 =	vld [tilespmem:s13+$0x4600]  }
0xc7: {  	v0 =	vadd.f32 v6, v0;
	v1 =	vadd.f32 v2, v1  }
0xc8: {  	v2 =	vld [tilespmem:s13+$0x4700]  }
0xc9: {  	v0 =	vadd.f32 v7, v0;
	v1 =	vadd.f32 v4, v1  }
0xca: {  	v4 =	vld [tilespmem:s13+$0x4800]  }
0xcb: {  	v0 =	vadd.f32 v3, v0;
	v1 =	vadd.f32 v5, v1  }
0xcc: {  	v3 =	vld [tilespmem:s13+$0x4900]  }
0xcd: {  	[tilespmem:s11+$0x7000] =	vst v0;
	v0 =	vadd.f32 v2, v1  }
0xce: {  	v1 =	vld [tilespmem:s13+$0x4A00]  }
0xcf: {  	v0 =	vadd.f32 v4, v0  }
0xd0: {  	v2 =	vld [tilespmem:s13+$0x4B00]  }
0xd1: {  	v0 =	vadd.f32 v3, v0  }
0xd2: {  	v3 =	vld [tilespmem:s13+$0x4C00]  }
0xd3: {  	v0 =	vadd.f32 v1, v0  }
0xd4: {  	v1 =	vld [tilespmem:s13+$0x4D00]  }
0xd5: {  	v0 =	vadd.f32 v2, v0;
	_ =	sdelay $0x1  }
0xd6: {  	v0 =	vadd.f32 v3, v0;
	_ =	sdelay $0x1  }
0xd7: {  	v0 =	vadd.f32 v1, v0;
	_ =	sdelay $0x1  }
0xd8: {  	s12 =	simm.s32 $0x0;
	[tilespmem:s13+$0x7000] =	vst v0  }
0xd9: {  	v0 =	vld [tilespmem:s12+$0x4E00]  }
0xda: {  	v1 =	vld [tilespmem:s12+$0x4F00];
	_ =	sdelay $0x1  }
0xdb: {  	v2 =	vld [tilespmem:s12+$0x5000];
	_ =	sdelay $0x1  }
0xdc: {  	v3 =	vld [tilespmem:s12+$0x5100]  }
0xdd: {  	v0 =	vadd.f32 v1, v0  }
0xde: {  	v1 =	vld [tilespmem:s12+$0x5200]  }
0xdf: {  	v0 =	vadd.f32 v2, v0  }
0xe0: {  	v2 =	vld [tilespmem:s12+$0x5300]  }
0xe1: {  	v0 =	vadd.f32 v3, v0  }
0xe2: {  	v3 =	vld [tilespmem:s12+$0x5400]  }
0xe3: {  	v0 =	vadd.f32 v1, v0  }
0xe4: {  	v1 =	vld [tilespmem:s12+$0x5500]  }
0xe5: {  	s11 =	simm.s32 $0x10;
	v4 =	vld [tilespmem:s12+$0x5600];
	v0 =	vadd.f32 v2, v0  }
0xe6: {  	v5 =	vld [tilespmem:s11+$0x4E00]  }
0xe7: {  	v2 =	vld [tilespmem:s12+$0x5700];
	v0 =	vadd.f32 v3, v0  }
0xe8: {  	v3 =	vld [tilespmem:s11+$0x4F00]  }
0xe9: {  	v6 =	vld [tilespmem:s11+$0x5000];
	v0 =	vadd.f32 v1, v0  }
0xea: {  	v1 =	vld [tilespmem:s12+$0x5800]  }
0xeb: {  	v7 =	vld [tilespmem:s11+$0x5100];
	v0 =	vadd.f32 v4, v0  }
0xec: {  	v4 =	vld [tilespmem:s12+$0x5900]  }
0xed: {  	v3 =	vadd.f32 v3, v5;
	v5 =	vld [tilespmem:s11+$0x5200];
	v0 =	vadd.f32 v2, v0  }
0xee: {  	v2 =	vld [tilespmem:s12+$0x5A00]  }
0xef: {  	v3 =	vadd.f32 v6, v3;
	v6 =	vld [tilespmem:s11+$0x5300];
	v0 =	vadd.f32 v1, v0  }
0xf0: {  	v1 =	vld [tilespmem:s12+$0x5B00]  }
0xf1: {  	v8 =	vld [tilespmem:s11+$0x5400];
	v3 =	vadd.f32 v7, v3;
	v0 =	vadd.f32 v4, v0  }
0xf2: {  	v7 =	vld [tilespmem:s12+$0x5C00]  }
0xf3: {  	v4 =	vadd.f32 v5, v3;
	v3 =	vld [tilespmem:s11+$0x5500];
	v5 =	vadd.f32 v2, v0  }
0xf4: {  	v2 =	vld [tilespmem:s12+$0x5D00]  }
0xf5: {  	v0 =	vld [tilespmem:s11+$0x5700];
	v6 =	vadd.f32 v6, v4;
	v63 =	vadd.f32 v1, v5  }
0xf6: {  	s13 =	simm.s32 $0x20;
	v4 =	vld [tilespmem:s11+$0x5600]  }
0xf7: {  	s14 =	simm.s32 $0xC0;
	v1 =	vld [tilespmem:s13+$0x4E00];
	v5 =	vadd.f32 v8, v6;
	v6 =	vadd.f32 v7, v63  }
.LBB2_7:
0xf8: {  	p0 =	sne.s32 s14, $0x3C0;
	v7 =	vld [tilespmem:s13+$0x4F00]  }
0xf9: {  	v3 =	vadd.f32 v3, v5;
	v5 =	vld [tilespmem:s11+$0x5800];
	v2 =	vadd.f32 v2, v6  }
0xfa: {  	v6 =	vld [tilespmem:s13+$0x5000]  }
0xfb: {  	v3 =	vadd.f32 v4, v3;
	v4 =	vld [tilespmem:s11+$0x5900];
	[tilespmem:s12+$0x7100] =	vst v2;
	s12 =	smov.u32 s11;
	s11 =	smov.u32 s13  }
0xfc: {  	v2 =	vld [tilespmem:s11+$0x5100]  }
0xfd: {  	v1 =	vadd.f32 v7, v1;
	v0 =	vadd.f32 v0, v3;
	v3 =	vld [tilespmem:s12+$0x5A00]  }
0xfe: {  	v7 =	vld [tilespmem:s11+$0x5200]  }
0xff: {  	v1 =	vadd.f32 v6, v1;
	v0 =	vadd.f32 v5, v0;
	v5 =	vld [tilespmem:s12+$0x5B00]  }
0x100: {  	v6 =	vld [tilespmem:s11+$0x5300]  }
0x101: {  	v1 =	vadd.f32 v2, v1;
	v0 =	vadd.f32 v4, v0;
	v8 =	vld [tilespmem:s12+$0x5C00]  }
0x102: {  	v9 =	vld [tilespmem:s11+$0x5400]  }
.Ltmp3:
0x103: {  	v1 =	vadd.f32 v7, v1;
	v4 =	vadd.f32 v3, v0;
	v2 =	vld [tilespmem:s12+$0x5D00];
	(pc) =	sbr.rel @p0 .LBB2_7-.Ltmp3, $4  }
0x104: {  	v3 =	vld [tilespmem:s11+$0x5500]  }
0x105: {  	v6 =	vadd.f32 v6, v1;
	v0 =	vld [tilespmem:s11+$0x5700];
	v7 =	vadd.f32 v5, v4  }
0x106: {  	s13 =	sshra.s32 s14, $0x2;
	v4 =	vld [tilespmem:s11+$0x5600]  }
0x107: {  	s14 =	sadd.s32 $0x40, s14;
	v1 =	vld [tilespmem:s13+$0x4E00];
	v5 =	vadd.f32 v9, v6;
	v6 =	vadd.f32 v8, v7  }
0x108: {  	v7 =	vld [tilespmem:s13+$0x4F00]  }
0x109: {  	v8 =	vld [tilespmem:s11+$0x5800];
	v2 =	vadd.f32 v2, v6  }
0x10a: {  	v6 =	vld [tilespmem:s13+$0x5000]  }
0x10b: {  	v9 =	vld [tilespmem:s11+$0x5900];
	v3 =	vadd.f32 v3, v5;
	[tilespmem:s12+$0x7100] =	vst v2  }
0x10c: {  	v2 =	vld [tilespmem:s13+$0x5100]  }
0x10d: {  	v3 =	vadd.f32 v4, v3;
	v1 =	vadd.f32 v7, v1  }
0x10e: {  	v4 =	vld [tilespmem:s13+$0x5200]  }
0x10f: {  	v5 =	vld [tilespmem:s13+$0x5300];
	v0 =	vadd.f32 v0, v3;
	v1 =	vadd.f32 v6, v1  }
0x110: {  	v3 =	vld [tilespmem:s11+$0x5A00]  }
0x111: {  	v0 =	vadd.f32 v8, v0;
	v6 =	vld [tilespmem:s11+$0x5B00];
	v1 =	vadd.f32 v2, v1  }
0x112: {  	v2 =	vld [tilespmem:s13+$0x5400]  }
0x113: {  	v7 =	vld [tilespmem:s11+$0x5C00];
	v0 =	vadd.f32 v9, v0;
	v1 =	vadd.f32 v4, v1  }
0x114: {  	v4 =	vld [tilespmem:s13+$0x5500]  }
0x115: {  	v0 =	vadd.f32 v3, v0;
	v3 =	vld [tilespmem:s11+$0x5D00];
	v1 =	vadd.f32 v5, v1  }
0x116: {  	v5 =	vld [tilespmem:s13+$0x5600]  }
0x117: {  	v0 =	vadd.f32 v6, v0;
	v1 =	vadd.f32 v2, v1  }
0x118: {  	v2 =	vld [tilespmem:s13+$0x5700]  }
0x119: {  	v0 =	vadd.f32 v7, v0;
	v1 =	vadd.f32 v4, v1  }
0x11a: {  	v4 =	vld [tilespmem:s13+$0x5800]  }
0x11b: {  	v0 =	vadd.f32 v3, v0;
	v1 =	vadd.f32 v5, v1  }
0x11c: {  	v3 =	vld [tilespmem:s13+$0x5900]  }
0x11d: {  	[tilespmem:s11+$0x7100] =	vst v0;
	v0 =	vadd.f32 v2, v1  }
0x11e: {  	v1 =	vld [tilespmem:s13+$0x5A00]  }
0x11f: {  	v0 =	vadd.f32 v4, v0  }
0x120: {  	v2 =	vld [tilespmem:s13+$0x5B00]  }
0x121: {  	v0 =	vadd.f32 v3, v0  }
0x122: {  	v3 =	vld [tilespmem:s13+$0x5C00]  }
0x123: {  	v0 =	vadd.f32 v1, v0  }
0x124: {  	v1 =	vld [tilespmem:s13+$0x5D00]  }
0x125: {  	v0 =	vadd.f32 v2, v0;
	_ =	sdelay $0x1  }
0x126: {  	v0 =	vadd.f32 v3, v0;
	_ =	sdelay $0x1  }
0x127: {  	v0 =	vadd.f32 v1, v0;
	_ =	sdelay $0x1  }
0x128: {  	s12 =	simm.s32 $0x0;
	[tilespmem:s13+$0x7100] =	vst v0  }
0x129: {  	v0 =	vld [tilespmem:s12+$0x5E00]  }
0x12a: {  	v1 =	vld [tilespmem:s12+$0x5F00];
	_ =	sdelay $0x1  }
0x12b: {  	v2 =	vld [tilespmem:s12+$0x6000];
	_ =	sdelay $0x1  }
0x12c: {  	v3 =	vld [tilespmem:s12+$0x6100]  }
0x12d: {  	v0 =	vadd.f32 v1, v0  }
0x12e: {  	v1 =	vld [tilespmem:s12+$0x6200]  }
0x12f: {  	v0 =	vadd.f32 v2, v0  }
0x130: {  	v2 =	vld [tilespmem:s12+$0x6300]  }
0x131: {  	v0 =	vadd.f32 v3, v0  }
0x132: {  	v3 =	vld [tilespmem:s12+$0x6400]  }
0x133: {  	v0 =	vadd.f32 v1, v0  }
0x134: {  	v1 =	vld [tilespmem:s12+$0x6500]  }
0x135: {  	s11 =	simm.s32 $0x10;
	v4 =	vld [tilespmem:s12+$0x6600];
	v0 =	vadd.f32 v2, v0  }
0x136: {  	v5 =	vld [tilespmem:s11+$0x5E00]  }
0x137: {  	v2 =	vld [tilespmem:s12+$0x6700];
	v0 =	vadd.f32 v3, v0  }
0x138: {  	v3 =	vld [tilespmem:s11+$0x5F00]  }
0x139: {  	v6 =	vld [tilespmem:s11+$0x6000];
	v0 =	vadd.f32 v1, v0  }
0x13a: {  	v1 =	vld [tilespmem:s12+$0x6800]  }
0x13b: {  	v7 =	vld [tilespmem:s11+$0x6100];
	v0 =	vadd.f32 v4, v0  }
0x13c: {  	v4 =	vld [tilespmem:s12+$0x6900]  }
0x13d: {  	v3 =	vadd.f32 v3, v5;
	v5 =	vld [tilespmem:s11+$0x6200];
	v0 =	vadd.f32 v2, v0  }
0x13e: {  	v2 =	vld [tilespmem:s12+$0x6A00]  }
0x13f: {  	v3 =	vadd.f32 v6, v3;
	v6 =	vld [tilespmem:s11+$0x6300];
	v0 =	vadd.f32 v1, v0  }
0x140: {  	v1 =	vld [tilespmem:s12+$0x6B00]  }
0x141: {  	v8 =	vld [tilespmem:s11+$0x6400];
	v3 =	vadd.f32 v7, v3;
	v0 =	vadd.f32 v4, v0  }
0x142: {  	v7 =	vld [tilespmem:s12+$0x6C00]  }
0x143: {  	v4 =	vadd.f32 v5, v3;
	v3 =	vld [tilespmem:s11+$0x6500];
	v5 =	vadd.f32 v2, v0  }
0x144: {  	v2 =	vld [tilespmem:s12+$0x6D00]  }
0x145: {  	v0 =	vld [tilespmem:s11+$0x6700];
	v6 =	vadd.f32 v6, v4;
	v63 =	vadd.f32 v1, v5  }
0x146: {  	s13 =	simm.s32 $0x20;
	v4 =	vld [tilespmem:s11+$0x6600]  }
0x147: {  	s14 =	simm.s32 $0xC0;
	v1 =	vld [tilespmem:s13+$0x5E00];
	v5 =	vadd.f32 v8, v6;
	v6 =	vadd.f32 v7, v63  }
.LBB2_9:
0x148: {  	p0 =	sne.s32 s14, $0x3C0;
	v7 =	vld [tilespmem:s13+$0x5F00]  }
0x149: {  	v3 =	vadd.f32 v3, v5;
	v5 =	vld [tilespmem:s11+$0x6800];
	v2 =	vadd.f32 v2, v6  }
0x14a: {  	v6 =	vld [tilespmem:s13+$0x6000]  }
0x14b: {  	v3 =	vadd.f32 v4, v3;
	v4 =	vld [tilespmem:s11+$0x6900];
	[tilespmem:s12+$0x7200] =	vst v2;
	s12 =	smov.u32 s11;
	s11 =	smov.u32 s13  }
0x14c: {  	v2 =	vld [tilespmem:s11+$0x6100]  }
0x14d: {  	v1 =	vadd.f32 v7, v1;
	v0 =	vadd.f32 v0, v3;
	v3 =	vld [tilespmem:s12+$0x6A00]  }
0x14e: {  	v7 =	vld [tilespmem:s11+$0x6200]  }
0x14f: {  	v1 =	vadd.f32 v6, v1;
	v0 =	vadd.f32 v5, v0;
	v5 =	vld [tilespmem:s12+$0x6B00]  }
0x150: {  	v6 =	vld [tilespmem:s11+$0x6300]  }
0x151: {  	v1 =	vadd.f32 v2, v1;
	v0 =	vadd.f32 v4, v0;
	v8 =	vld [tilespmem:s12+$0x6C00]  }
0x152: {  	v9 =	vld [tilespmem:s11+$0x6400]  }
.Ltmp4:
0x153: {  	v1 =	vadd.f32 v7, v1;
	v4 =	vadd.f32 v3, v0;
	v2 =	vld [tilespmem:s12+$0x6D00];
	(pc) =	sbr.rel @p0 .LBB2_9-.Ltmp4, $4  }
0x154: {  	v3 =	vld [tilespmem:s11+$0x6500]  }
0x155: {  	v6 =	vadd.f32 v6, v1;
	v0 =	vld [tilespmem:s11+$0x6700];
	v7 =	vadd.f32 v5, v4  }
0x156: {  	s13 =	sshra.s32 s14, $0x2;
	v4 =	vld [tilespmem:s11+$0x6600]  }
0x157: {  	s14 =	sadd.s32 $0x40, s14;
	v1 =	vld [tilespmem:s13+$0x5E00];
	v5 =	vadd.f32 v9, v6;
	v6 =	vadd.f32 v8, v7  }
0x158: {  	v7 =	vld [tilespmem:s13+$0x5F00]  }
0x159: {  	v8 =	vld [tilespmem:s11+$0x6800];
	v2 =	vadd.f32 v2, v6  }
0x15a: {  	v55 =	vld [tilespmem:s13+$0x6000]  }
0x15b: {  	v9 =	vld [tilespmem:s11+$0x6900];
	v3 =	vadd.f32 v3, v5;
	[tilespmem:s12+$0x7200] =	vst v2  }
0x15c: {  	v2 =	vld [tilespmem:s13+$0x6100]  }
0x15d: {  	v3 =	vadd.f32 v4, v3;
	v1 =	vadd.f32 v7, v1  }
0x15e: {  	v56 =	vld [tilespmem:s13+$0x6200]  }
0x15f: {  	v57 =	vld [tilespmem:s11+$0x6A00];
	v0 =	vadd.f32 v0, v3;
	v1 =	vadd.f32 v55, v1  }
0x160: {  	v58 =	vld [tilespmem:s13+$0x6300]  }
0x161: {  	v59 =	vld [tilespmem:s11+$0x6B00];
	v0 =	vadd.f32 v8, v0;
	v1 =	vadd.f32 v2, v1  }
0x162: {  	v60 =	vld [tilespmem:s13+$0x6400]  }
0x163: {  	v61 =	vld [tilespmem:s11+$0x6C00];
	v0 =	vadd.f32 v9, v0;
	v1 =	vadd.f32 v56, v1  }
0x164: {  	v62 =	vld [tilespmem:s13+$0x6500]  }
0x165: {  	v63 =	vld [tilespmem:s11+$0x6D00];
	v0 =	vadd.f32 v57, v0;
	v1 =	vadd.f32 v58, v1  }
0x166: {  	v8 =	vld [tilespmem:s13+$0x6600]  }
0x167: {  	v0 =	vadd.f32 v59, v0;
	v1 =	vadd.f32 v60, v1  }
0x168: {  	v9 =	vld [tilespmem:s13+$0x6700]  }
0x169: {  	v0 =	vadd.f32 v61, v0;
	v1 =	vadd.f32 v62, v1  }
0x16a: {  	v10 =	vld [tilespmem:s13+$0x6800]  }
0x16b: {  	v0 =	vadd.f32 v63, v0;
	v1 =	vadd.f32 v8, v1  }
0x16c: {  	v11 =	vld [tilespmem:s13+$0x6900]  }
0x16d: {  	[tilespmem:s11+$0x7200] =	vst v0;
	v12 =	vadd.f32 v9, v1  }
0x16e: {  	v13 =	vld [tilespmem:s13+$0x6A00]  }
0x16f: {  	v0 =	vadd.f32 v10, v12  }
0x170: {  	v14 =	vld [tilespmem:s13+$0x6B00]  }
0x171: {  	v0 =	vadd.f32 v11, v0  }
0x172: {  	v15 =	vld [tilespmem:s13+$0x6C00]  }
0x173: {  	v0 =	vadd.f32 v13, v0  }
0x174: {  	v16 =	vld [tilespmem:s13+$0x6D00]  }
0x175: {  	v0 =	vadd.f32 v14, v0;
	_ =	sdelay $0x1  }
0x176: {  	v0 =	vadd.f32 v15, v0;
	_ =	sdelay $0x1  }
0x177: {  	v0 =	vadd.f32 v16, v0;
	_ =	sdelay $0x1  }
0x178: {  	[tilespmem:s13+$0x7200] =	vst v0  }
0x179: {  	v0 =	vld [tilespmem:$0x6E00]  }
0x17a: {  	v17 =	vld [tilespmem:$0x6E20]  }
0x17b: {  	v18 =	vld [tilespmem:$0x6E10]  }
0x17c: {  	v19 =	vld [tilespmem:$0x6E30]  }
0x17d: {  	v20 =	vld [tilespmem:$0x6E40]  }
0x17e: {  	v21 =	vld [tilespmem:$0x6E50]  }
0x17f: {  	v22 =	vld [tilespmem:$0x6E60]  }
0x180: {  	v23 =	vld [tilespmem:$0x6E70];
	v0 =	vadd.f32 v17, v0  }
0x181: {  	v24 =	vld [tilespmem:$0x6E80];
	v2 =	vadd.f32 v19, v18  }
0x182: {  	v25 =	vld [tilespmem:$0x6E90];
	v0 =	vadd.f32 v20, v0  }
0x183: {  	v26 =	vld [tilespmem:$0x6EA0];
	v2 =	vadd.f32 v21, v2  }
0x184: {  	v27 =	vld [tilespmem:$0x6EB0];
	v0 =	vadd.f32 v22, v0  }
0x185: {  	v28 =	vld [tilespmem:$0x6EC0];
	v1 =	vadd.f32 v23, v2  }
0x186: {  	v29 =	vld [tilespmem:$0x6ED0];
	v0 =	vadd.f32 v24, v0  }
0x187: {  	v30 =	vld [tilespmem:$0x6EE0];
	v1 =	vadd.f32 v25, v1  }
0x188: {  	v31 =	vld [tilespmem:$0x6EF0];
	v0 =	vadd.f32 v26, v0  }
0x189: {  	v32 =	vld [tilespmem:$0x6F00];
	v1 =	vadd.f32 v27, v1  }
0x18a: {  	v33 =	vld [tilespmem:$0x6F10];
	v0 =	vadd.f32 v28, v0  }
0x18b: {  	v34 =	vld [tilespmem:$0x6F20];
	v1 =	vadd.f32 v29, v1  }
0x18c: {  	v35 =	vld [tilespmem:$0x6F30];
	v0 =	vadd.f32 v30, v0  }
0x18d: {  	v36 =	vld [tilespmem:$0x6F40];
	v1 =	vadd.f32 v31, v1  }
0x18e: {  	v37 =	vld [tilespmem:$0x6F50];
	v0 =	vadd.f32 v32, v0  }
0x18f: {  	v38 =	vld [tilespmem:$0x6F60];
	v1 =	vadd.f32 v33, v1  }
0x190: {  	v39 =	vld [tilespmem:$0x6F70];
	v0 =	vadd.f32 v34, v0  }
0x191: {  	v40 =	vld [tilespmem:$0x6F80];
	v1 =	vadd.f32 v35, v1  }
0x192: {  	v41 =	vld [tilespmem:$0x6F90];
	v0 =	vadd.f32 v36, v0  }
0x193: {  	v42 =	vld [tilespmem:$0x6FA0];
	v1 =	vadd.f32 v37, v1  }
0x194: {  	v43 =	vld [tilespmem:$0x6FB0];
	v0 =	vadd.f32 v38, v0  }
0x195: {  	v44 =	vld [tilespmem:$0x6FC0];
	v1 =	vadd.f32 v39, v1  }
0x196: {  	v45 =	vld [tilespmem:$0x6FD0];
	v0 =	vadd.f32 v40, v0  }
0x197: {  	v46 =	vld [tilespmem:$0x6FE0];
	v1 =	vadd.f32 v41, v1  }
0x198: {  	v47 =	vld [tilespmem:$0x6FF0];
	v0 =	vadd.f32 v42, v0  }
0x199: {  	v1 =	vadd.f32 v43, v1  }
0x19a: {  	v0 =	vadd.f32 v44, v0  }
0x19b: {  	v1 =	vadd.f32 v45, v1  }
0x19c: {  	v0 =	vadd.f32 v46, v0  }
0x19d: {  	v1 =	vadd.f32 v47, v1  }
0x19e: {  	[tilespmem:$0x7300] =	vst v0  }
0x19f: {  	s30 =	sadd.s32 s9, s8;
	s31 =	simm.s32 $0x7000;
	[tilespmem:$0x7310] =	vst v1  }
0x1a0: {  	[spmem:s30] =	stream.linear.scatter [tilespmem:s31], [sflag:$0x1], $0x100, $0x38;
	[tilespmem:$0xAB90] =	vst v63  }
0x1a1: {  	s14 =	simm.s32 $0x7100;
	s13 =	sadd.s32 s9, s7  }
0x1a2: {  	[spmem:s13] =	stream.linear.scatter [tilespmem:s14], [sflag:$0x1], $0x100, $0x38;
	[tilespmem:$0xAB90] =	vst v63  }
0x1a3: {  	s15 =	sadd.s32 s9, s6;
	s16 =	simm.s32 $0x7200  }
0x1a4: {  	[spmem:s15] =	stream.linear.scatter [tilespmem:s16], [sflag:$0x1], $0x100, $0x38;
	[tilespmem:$0xAB90] =	vst v63  }
0x1a5: {  	s17 =	sadd.s32 s10, s5;
	s18 =	simm.s32 $0x7300;
	s9 =	simm.s32 $0x1  }
0x1a6: {  	[spmem:s17] =	stream.linear.scatter [tilespmem:s18], [sflag:$0x1], $0x20, $0x38;
	[tilespmem:$0xAB90] =	vst v63  }
0x1a7: {  	_ =	swait.ge [sflag:s9], $0x100  }
0x1a8: {  	[sflag:s9] =	ssyncset.done $0x0  }
0x1a9: {  	[sflag:s9] =	ssyncadd.s32 $0xFFFFFF00  }
0x1aa: {  	_ =	swait.ge [sflag:s9], $0x100  }
0x1ab: {  	[sflag:s9] =	ssyncset.done $0x0  }
0x1ac: {  	[sflag:s9] =	ssyncadd.s32 $0xFFFFFF00  }
0x1ad: {  	_ =	swait.ge [sflag:s9], $0x100  }
0x1ae: {  	[sflag:s9] =	ssyncset.done $0x0  }
0x1af: {  	[sflag:s9] =	ssyncadd.s32 $0xFFFFFF00  }
0x1b0: {  	_ =	swait.ge [sflag:s9], $0x20  }
0x1b1: {  	s19 =	sshll.u32 s4, $0x4;
	[sflag:s9] =	ssyncset.done $0x0  }
0x1b2: {  	s21 =	simm.s32 $0x10;
	s22 =	simm.s32 $0x100;
	[sflag:s9] =	ssyncadd.s32 $0xFFFFFFE0  }
0x1b3: {  	s20 =	sadd.s32 s19, s8;
	s8 =	simm.s32 $0x7320;
	[bflag:$0x0] =	sbarrier.arrive $0xFFFF  }
0x1b4: {  	[tilespmem:s8], [sflag:$0x1] =	stream.strided.gather [spmem:s20], $0x100, s22, s21, $0x38;
	[tilespmem:$0xAB90] =	vst v63  }
0x1b5: {  	s23 =	sadd.s32 s19, s7;
	s7 =	simm.s32 $0x7420  }
0x1b6: {  	[tilespmem:s7], [sflag:$0x1] =	stream.strided.gather [spmem:s23], $0x100, s22, s21, $0x38;
	[tilespmem:$0xAB90] =	vst v63  }
0x1b7: {  	s25 =	simm.s32 $0x7520;
	s24 =	sadd.s32 s19, s6  }
0x1b8: {  	[tilespmem:s25], [sflag:$0x1] =	stream.strided.gather [spmem:s24], $0x100, s22, s21, $0x38;
	[tilespmem:$0xAB90] =	vst v63  }
0x1b9: {  	s28 =	simm.s32 $0x7620;
	s26 =	sadd.s32 s19, s5  }
0x1ba: {  	[tilespmem:s28], [sflag:$0x1] =	stream.linear.gather [spmem:s26], $0x10, $0x38;
	[tilespmem:$0xAB90] =	vst v63  }
0x1bb: {  	_ =	swait.ge [sflag:s9], $0x100  }
0x1bc: {  	[sflag:s9] =	ssyncset.done $0x0  }
0x1bd: {  	[sflag:s9] =	ssyncadd.s32 $0xFFFFFF00  }
0x1be: {  	_ =	swait.ge [sflag:s9], $0x100  }
0x1bf: {  	[sflag:s9] =	ssyncset.done $0x0  }
0x1c0: {  	[sflag:s9] =	ssyncadd.s32 $0xFFFFFF00  }
0x1c1: {  	_ =	swait.ge [sflag:s9], $0x100  }
0x1c2: {  	[sflag:s9] =	ssyncset.done $0x0  }
0x1c3: {  	[sflag:s9] =	ssyncadd.s32 $0xFFFFFF00  }
0x1c4: {  	_ =	swait.ge [sflag:s9], $0x10  }
0x1c5: {  	[sflag:s9] =	ssyncset.done $0x0  }
0x1c6: {  	[sflag:s9] =	ssyncadd.s32 $0xFFFFFFF0  }
0x1c7: {  	v48 =	vld [tilespmem:$0x7320]  }
0x1c8: {  	v49 =	vld [tilespmem:$0x7420]  }
0x1c9: {  	v50 =	vld [tilespmem:$0x7520]  }
0x1ca: {  	v51 =	vld [tilespmem:$0x7330]  }
0x1cb: {  	v52 =	vld [tilespmem:$0x7430]  }
0x1cc: {  	v53 =	vld [tilespmem:$0x7530]  }
0x1cd: {  	v54 =	vld [tilespmem:$0x7340]  }
0x1ce: {  	v55 =	vld [tilespmem:$0x7440]  }
0x1cf: {  	v56 =	vld [tilespmem:$0x7540]  }
0x1d0: {  	v57 =	vld [tilespmem:$0x7350]  }
0x1d1: {  	v10 =	vld [tilespmem:$0x7450]  }
0x1d2: {  	v11 =	vld [tilespmem:$0x7550]  }
0x1d3: {  	v12 =	vld [tilespmem:$0x7360]  }
0x1d4: {  	v13 =	vld [tilespmem:$0x7460]  }
0x1d5: {  	v14 =	vld [tilespmem:$0x7560]  }
0x1d6: {  	v15 =	vld [tilespmem:$0x7370]  }
0x1d7: {  	v58 =	vld [tilespmem:$0x7470];
	v16 =	vadd.f32 $0.0e+00, v48  }
0x1d8: {  	v59 =	vld [tilespmem:$0x7570]  }
0x1d9: {  	v62 =	vld [tilespmem:$0x7380];
	v1 =	vsub.f32 v49, v50;
	v61 =	vadd.f32 v51, v16  }
0x1da: {  	v18 =	vld [tilespmem:$0x7480]  }
0x1db: {  	v19 =	vld [tilespmem:$0x7580];
	v60 =	vand.u32 $0x7FFFFFFF, v1;
	v1 =	vadd.f32 v54, v61  }
0x1dc: {  	v21 =	vld [tilespmem:$0x7390]  }
0x1dd: {  	v23 =	vld [tilespmem:$0x7490];
	v1 =	vadd.f32 v57, v1  }
0x1de: {  	v24 =	vld [tilespmem:$0x7590]  }
0x1df: {  	v25 =	vld [tilespmem:$0x73A0];
	v1 =	vadd.f32 v12, v1  }
0x1e0: {  	v27 =	vld [tilespmem:$0x74A0];
	v4 =	vsub.f32 v52, v53;
	vm0 =	vgt.f32 v48, $0.0e+00  }
0x1e1: {  	v28 =	vld [tilespmem:$0x75A0];
	vm1 =	vgt.f32 v51, $0.0e+00;
	v17 =	vsub.f32 v55, v56;
	v1 =	vadd.f32 v15, v1  }
0x1e2: {  	v29 =	vld [tilespmem:$0x73B0];
	vm13 =	vgt.f32 v54, $0.0e+00;
	v22 =	vsub.f32 v10, v11;
	v63 =	vand.u32 $0x7FFFFFFF, v4  }
0x1e3: {  	v30 =	vld [tilespmem:$0x74B0];
	v0 =	vnsel vm0, $0x0, v60;
	v3 =	vnsel vm1, $0x0, v63;
	v1 =	vadd.f32 v62, v1  }
0x1e4: {  	v31 =	vld [tilespmem:$0x75B0];
	vm14 =	vgt.f32 v57, $0.0e+00;
	v20 =	vand.u32 $0x7FFFFFFF, v17;
	v0 =	vadd.f32 v3, v0  }
0x1e5: {  	v32 =	vld [tilespmem:$0x73C0];
	v26 =	vsub.f32 v13, v14;
	v3 =	vnsel vm13, $0x0, v20;
	v1 =	vadd.f32 v21, v1  }
0x1e6: {  	v33 =	vld [tilespmem:$0x74C0];
	vm15 =	vgt.f32 v12, $0.0e+00;
	v6 =	vand.u32 $0x7FFFFFFF, v22;
	v0 =	vadd.f32 v3, v0  }
0x1e7: {  	v34 =	vld [tilespmem:$0x75C0];
	v2 =	vsub.f32 v58, v59;
	v6 =	vnsel vm14, $0x0, v6;
	v1 =	vadd.f32 v25, v1  }
0x1e8: {  	v35 =	vld [tilespmem:$0x73D0];
	vm4 =	vgt.f32 v15, $0.0e+00;
	v11 =	vand.u32 $0x7FFFFFFF, v26;
	v0 =	vadd.f32 v6, v0  }
0x1e9: {  	v36 =	vld [tilespmem:$0x74D0];
	v7 =	vsub.f32 v18, v19;
	v11 =	vnsel vm15, $0x0, v11;
	v1 =	vadd.f32 v29, v1  }
0x1ea: {  	v38 =	vld [tilespmem:$0x73E0];
	vm5 =	vgt.f32 v62, $0.0e+00;
	v2 =	vand.u32 $0x7FFFFFFF, v2;
	v0 =	vadd.f32 v11, v0  }
0x1eb: {  	v39 =	vld [tilespmem:$0x75D0];
	vm6 =	vgt.f32 v21, $0.0e+00;
	v2 =	vnsel vm4, $0x0, v2;
	v1 =	vadd.f32 v32, v1  }
0x1ec: {  	v41 =	vld [tilespmem:$0x73F0];
	v7 =	vand.u32 $0x7FFFFFFF, v7;
	v3 =	vsub.f32 v23, v24;
	v0 =	vadd.f32 v2, v0  }
0x1ed: {  	v43 =	vld [tilespmem:$0x74E0];
	v37 =	vsub.f32 v27, v28;
	v7 =	vnsel vm5, $0x0, v7;
	v1 =	vadd.f32 v35, v1  }
0x1ee: {  	v44 =	vld [tilespmem:$0x7400];
	vm7 =	vgt.f32 v25, $0.0e+00;
	v3 =	vand.u32 $0x7FFFFFFF, v3;
	v0 =	vadd.f32 v7, v0  }
0x1ef: {  	v46 =	vld [tilespmem:$0x75E0];
	v42 =	vsub.f32 v30, v31;
	v3 =	vnsel vm6, $0x0, v3;
	v1 =	vadd.f32 v38, v1  }
0x1f0: {  	v47 =	vld [tilespmem:$0x7410];
	vm8 =	vgt.f32 v29, $0.0e+00;
	v40 =	vand.u32 $0x7FFFFFFF, v37;
	v0 =	vadd.f32 v3, v0  }
0x1f1: {  	vm9 =	vgt.f32 v32, $0.0e+00;
	v3 =	vnsel vm7, $0x0, v40;
	v1 =	vadd.f32 v41, v1  }
0x1f2: {  	v48 =	vld [tilespmem:$0x74F0];
	v45 =	vand.u32 $0x7FFFFFFF, v42;
	v2 =	vsub.f32 v33, v34;
	v0 =	vadd.f32 v3, v0  }
0x1f3: {  	v49 =	vld [tilespmem:$0x75F0];
	vm10 =	vgt.f32 v35, $0.0e+00;
	v5 =	vnsel vm8, $0x0, v45;
	v1 =	vadd.f32 v44, v1  }
0x1f4: {  	v52 =	vld [tilespmem:$0x7600];
	v2 =	vand.u32 $0x7FFFFFFF, v2;
	v7 =	vsub.f32 v36, v39;
	v0 =	vadd.f32 v5, v0  }
0x1f5: {  	v9 =	vsub.f32 v43, v46;
	v51 =	vld [tilespmem:$0x7500];
	v2 =	vnsel vm9, $0x0, v2;
	v1 =	vadd.f32 v47, v1  }
0x1f6: {  	vm11 =	vgt.f32 v38, $0.0e+00;
	v53 =	vld [tilespmem:$0x7510];
	v50 =	vand.u32 $0x7FFFFFFF, v7;
	v0 =	vadd.f32 v2, v0  }
0x1f7: {  	v55 =	vld [tilespmem:$0x7610];
	v54 =	vand.u32 $0x7FFFFFFF, v9;
	v2 =	vnsel vm10, $0x0, v50;
	v1 =	vmax.f32 v1, $1.000000000e+00  }
0x1f8: {  	v5 =	vsub.f32 v48, v49;
	v0 =	vadd.f32 v2, v0;
	(erf) = vrcp.f32 v1  }
0x1f9: {  	vm12 =	vgt.f32 v41, $0.0e+00;
	v56 =	vnsel vm11, $0x0, v54  }
0x1fa: {  	v58 =	vsub.f32 v51, v52;
	v57 =	vand.u32 $0x7FFFFFFF, v5;
	v0 =	vadd.f32 v56, v0  }
0x1fb: {  	vm13 =	vgt.f32 v44, $0.0e+00;
	v1 =	vnsel vm12, $0x0, v57  }
0x1fc: {  	v59 =	vand.u32 $0x7FFFFFFF, v58;
	v2 =	vsub.f32 v53, v55;
	v0 =	vadd.f32 v1, v0  }
0x1fd: {  	v60 =	vld [tilespmem:$0x7620];
	v1 =	vnsel vm13, $0x0, v59  }
0x1fe: {  	vm14 =	vgt.f32 v47, $0.0e+00;
	v61 =	vand.u32 $0x7FFFFFFF, v2;
	v0 =	vadd.f32 v1, v0  }
0x1ff: {  	v1 =	vnsel vm14, $0x0, v61  }
0x200: {  	v0 =	vadd.f32 v1, v0  }
0x201: {  	v62 =	vpop (erf)  }
0x202: {  	v63 =	vimm.s32 $0x0;
	vm15 =	vgt.f32 v60, $0.0e+00;
	v0 =	vmul.f32 v0, v62  }
0x203: {  	v1 =	vsel vm15, $0x3F800000, v63  }
0x204: {  	v0 =	vmul.f32 v1, v0;
	_ =	sdelay $0x1  }
0x205: {  	(xrf2) =	vadd.scan.msk.f32 $0xffff, v0  }
0x206: {  	(xrf2) =	vadd.scan.msk.f32 $0xffff, v1;
	_ =	sdelay $0x8  }
0x207: {  	v0, _, _ =	vpop (xrf2)  }
0x208: {  	v0 =	vbroadcast v0, $0xF;
	v1, _, _ =	vpop (xrf2)  }
0x209: {  	v1 =	vbroadcast v1, $0xF  }
0x20a: {  	[tilespmem:$0x7630] =	vst v0  }
0x20b: {  	s29 =	sadd.s32 s19, s2;
	s5 =	simm.s32 $0x7630;
	[tilespmem:$0x7640] =	vst v1  }
0x20c: {  	[spmem:s29] =	stream.linear.scatter [tilespmem:s5], [sflag:$0x1], $0x10, $0x38;
	[tilespmem:$0xAB90] =	vst v63  }
0x20d: {  	s30 =	sadd.s32 s19, s3;
	s31 =	simm.s32 $0x7640  }
0x20e: {  	[spmem:s30] =	stream.linear.scatter [tilespmem:s31], [sflag:$0x1], $0x10, $0x38;
	[tilespmem:$0xAB90] =	vst v63  }
0x20f: {  	_ =	swait.ge [sflag:s9], $0x10  }
0x210: {  	[sflag:s9] =	ssyncset.done $0x0  }
0x211: {  	[sflag:s9] =	ssyncadd.s32 $0xFFFFFFF0  }
0x212: {  	_ =	swait.ge [sflag:s9], $0x10  }
0x213: {  	[sflag:s9] =	ssyncset.done $0x0  }
0x214: {  	[sflag:s9] =	ssyncadd.s32 $0xFFFFFFF0  }
0x215: {  	p0 =	sne.s32 s4, $0x0;
	[bflag:$0x0] =	sbarrier.arrive $0xFFFF  }
0x216: {  	_ =	sfence.sel @p0 $0x180000  }
0x217: {  	[bflag:$0x0] =	sbarrier.arrive @p0 $0xFFFF  }
0x218: {  	_ =	strace @p0 $0x90000047  }
0x219: {  	[bflag:$0x2] =	sbarrier.arrive @p0 $0xFFFF  }
0x21a: {  	_ =	shalt @p0  }
.LBB2_11:
0x21b: {  	[tilespmem:s8], [sflag:$0x1] =	stream.linear.gather [spmem:s2], $0x100, $0x38;
	[tilespmem:$0xAB90] =	vst v63  }
0x21c: {  	_ = 	snop  }
0x21d: {  	[tilespmem:s7], [sflag:$0x1] =	stream.linear.gather [spmem:s3], $0x100, $0x38;
	[tilespmem:$0xAB90] =	vst v63  }
0x21e: {  	_ =	swait.ge [sflag:s9], $0x100  }
0x21f: {  	[sflag:s9] =	ssyncset.done $0x0  }
0x220: {  	[sflag:s9] =	ssyncadd.s32 $0xFFFFFF00  }
0x221: {  	_ =	swait.ge [sflag:s9], $0x100  }
0x222: {  	[sflag:s9] =	ssyncset.done $0x0  }
0x223: {  	[sflag:s9] =	ssyncadd.s32 $0xFFFFFF00  }
0x224: {  	v0 =	vld [tilespmem:$0x7420]  }
0x225: {  	v1 =	vld [tilespmem:$0x7430];
	_ =	sdelay $0x1  }
0x226: {  	v2 =	vld [tilespmem:$0x7440];
	_ =	sdelay $0x1  }
0x227: {  	v3 =	vld [tilespmem:$0x7450]  }
0x228: {  	v0 =	vadd.f32 v1, v0  }
0x229: {  	v39 =	vld [tilespmem:$0x7460]  }
0x22a: {  	v4 =	vld [tilespmem:$0x7320];
	v0 =	vadd.f32 v2, v0  }
0x22b: {  	v40 =	vld [tilespmem:$0x7470]  }
0x22c: {  	v5 =	vld [tilespmem:$0x7330];
	v0 =	vadd.f32 v3, v0  }
0x22d: {  	v41 =	vld [tilespmem:$0x7480]  }
0x22e: {  	v6 =	vld [tilespmem:$0x7340];
	v0 =	vadd.f32 v39, v0  }
0x22f: {  	v42 =	vld [tilespmem:$0x7490]  }
0x230: {  	v7 =	vld [tilespmem:$0x7350];
	v0 =	vadd.f32 v40, v0  }
0x231: {  	v43 =	vld [tilespmem:$0x74A0]  }
0x232: {  	v44 =	vld [tilespmem:$0x7360];
	v4 =	vadd.f32 v5, v4;
	v0 =	vadd.f32 v41, v0  }
0x233: {  	v45 =	vld [tilespmem:$0x74B0]  }
0x234: {  	v46 =	vld [tilespmem:$0x7370];
	v4 =	vadd.f32 v6, v4;
	v0 =	vadd.f32 v42, v0  }
0x235: {  	v47 =	vld [tilespmem:$0x74C0]  }
0x236: {  	v48 =	vld [tilespmem:$0x7380];
	v4 =	vadd.f32 v7, v4;
	v0 =	vadd.f32 v43, v0  }
0x237: {  	v49 =	vld [tilespmem:$0x74D0]  }
0x238: {  	v50 =	vld [tilespmem:$0x7390];
	v4 =	vadd.f32 v44, v4;
	v0 =	vadd.f32 v45, v0  }
0x239: {  	v51 =	vld [tilespmem:$0x74E0]  }
0x23a: {  	v52 =	vld [tilespmem:$0x73A0];
	v4 =	vadd.f32 v46, v4;
	v0 =	vadd.f32 v47, v0  }
0x23b: {  	v53 =	vld [tilespmem:$0x74F0]  }
0x23c: {  	v54 =	vld [tilespmem:$0x73B0];
	v4 =	vadd.f32 v48, v4;
	v0 =	vadd.f32 v49, v0  }
0x23d: {  	v55 =	vld [tilespmem:$0x7500]  }
0x23e: {  	v56 =	vld [tilespmem:$0x73C0];
	v4 =	vadd.f32 v50, v4;
	v0 =	vadd.f32 v51, v0  }
0x23f: {  	v57 =	vld [tilespmem:$0x7510]  }
0x240: {  	v4 =	vadd.f32 v52, v4;
	v0 =	vadd.f32 v53, v0  }
0x241: {  	v58 =	vld [tilespmem:$0x73D0]  }
0x242: {  	v4 =	vadd.f32 v54, v4;
	v0 =	vadd.f32 v55, v0  }
0x243: {  	v59 =	vld [tilespmem:$0x73E0]  }
0x244: {  	v4 =	vadd.f32 v56, v4;
	v0 =	vadd.f32 v57, v0  }
0x245: {  	v60 =	vld [tilespmem:$0x73F0]  }
0x246: {  	v1 =	vadd.f32 v58, v4;
	(erf) = vrcp.f32 v0  }
0x247: {  	v61 =	vld [tilespmem:$0x7400]  }
0x248: {  	v1 =	vadd.f32 v59, v1  }
0x249: {  	v62 =	vld [tilespmem:$0x7410]  }
0x24a: {  	v1 =	vadd.f32 v60, v1;
	_ =	sdelay $0x1  }
0x24b: {  	v0 =	vadd.f32 v61, v1;
	_ =	sdelay $0x1  }
0x24c: {  	v0 =	vadd.f32 v62, v0  }
0x24d: {  	v63 =	vpop (erf)  }
0x24e: {  	v0 =	vmul.f32 v63, v0;
	_ =	sdelay $0x1  }
0x24f: {  	s30 =	simm.s32 $0x0;
	s31 =	simm.s32 $0x2;
	[tilespmem:$0x7630] =	vst v0  }
0x250: {  	[hbm4b:s1+s30] =	stream.linear.scatter [tilespmem:s5], [sflag:$0x2], $0x10, $0x38;
	[tilespmem:$0xAB90] =	vst v63  }
0x251: {  	_ =	swait.ge [sflag:s31], $0x10  }
0x252: {  	[sflag:s31] =	ssyncset.done $0x0  }
0x253: {  	[sflag:s31] =	ssyncadd.s32 $0xFFFFFFF0  }
0x254: {  	_ =	sfence.sel $0x180000  }
0x255: {  	[bflag:$0x0] =	sbarrier.arrive $0xFFFF  }
0x256: {  	_ =	strace $0x90000047  }
0x257: {  	s0 =	sadd.s32 $0x100000, s0;
	[bflag:$0x2] =	sbarrier.arrive $0xFFFF  }
0x258: {  	[sflag:s0] =	ssyncadd.tile.s32 $0x1;
	_ =	shalt  }
.Lfunc_end2:
_tile_overlayer_lowered:
.L_overlay_start_2:
0x259: {  	(tag) =	ssettag $0x2  }
0x25a: {  	s0 =	rddreg [dreg:$0x0];
	s2 =	stileid.u32  }
0x25b: {  	s1 =	rddreg [dreg:$0x1];
	p0 =	sne.s32 s2, $0x0  }
0x25c: {  	s3 =	rddreg [dreg:$0x2];
	[bflag:$0x3] =	sbarrier.arrive $0xFFFF;
	s2 =	simm.s32 @!p0 $0x1C02  }
0x25d: {  	[timem:s3], [sflag:s2] =	dma.local @!p0 [hbm:s0], s1  }
0x25e: {  	s0 =	simm.s32 @!p0 $0x2  }
0x25f: {  	_ =	swait.ge @!p0 [sflag:s0], s1  }
0x260: {  	s1 =	ssub.s32 @!p0 $0x0, s1;
	[sflag:s0] =	ssyncset.done @!p0 $0x0  }
0x261: {  	[sflag:s0] =	ssyncadd.s32 @!p0 s1  }
0x262: {  	[bflag:$0x3] =	sbarrier.arrive $0xFFFF  }
0x263: {  	_ =	shalt  }

</sc_bundles>
